<compile_context>
chip_gen: v7x
topology: tpu7x:2x2x1
jax: 0.10.2.dev20260603
libtpu: 0.0.44.dev20260713+nightly
codegen_flags: <defaults>
</compile_context>

<pallas_src>
import functools

import jax
import jax.numpy as jnp
from jax import lax
from jax.experimental import pallas as pl
from jax.experimental.pallas import tpu as pltpu
from jax.experimental.pallas import tpu_sc as plsc

_N = 10000
_F = 128
_H = 256
_O = 64
_P = 200000

_BM = 400

_NW = 32
_CH = 128
_NCH = 52
_NB = 2
_PW = _NCH * _CH
_PPAD = _NW * _PW


def _gcn1_body(adj_ref, x_ref, w1t_ref, w2t_ref, g_ref):
    t1 = jnp.dot(adj_ref[...], x_ref[...], preferred_element_type=jnp.float32)
    h = jnp.maximum(
        jnp.dot(t1, w1t_ref[...], preferred_element_type=jnp.float32), 0.0)
    g_ref[...] = jnp.dot(h, w2t_ref[...], preferred_element_type=jnp.float32)


def _gcn2_body(adj_ref, g_ref, h2_ref):
    h2_ref[...] = jnp.dot(adj_ref[...], g_ref[...],
                          preferred_element_type=jnp.float32
                          ).astype(jnp.bfloat16)


def _gcn1(adj, x, w1t, w2t):
    return pl.pallas_call(
        _gcn1_body,
        grid=(_N // _BM,),
        in_specs=[
            pl.BlockSpec((_BM, _N), lambda i: (i, 0)),
            pl.BlockSpec((_N, _F), lambda i: (0, 0)),
            pl.BlockSpec((_F, _H), lambda i: (0, 0)),
            pl.BlockSpec((_H, _O), lambda i: (0, 0)),
        ],
        out_specs=pl.BlockSpec((_BM, _O), lambda i: (i, 0)),
        out_shape=jax.ShapeDtypeStruct((_N, _O), jnp.float32),
    )(adj, x, w1t, w2t)


def _gcn2(adj, g):
    return pl.pallas_call(
        _gcn2_body,
        grid=(_N // _BM,),
        in_specs=[
            pl.BlockSpec((_BM, _N), lambda i: (i, 0)),
            pl.BlockSpec((_N, _O), lambda i: (0, 0)),
        ],
        out_specs=pl.BlockSpec((_BM, _O), lambda i: (i, 0)),
        out_shape=jax.ShapeDtypeStruct((_N, _O), jnp.bfloat16),
    )(adj, g)


def _decode_body(h2_hbm, src_hbm, dst_hbm, out_hbm,
                 sidx, didx, outv, shared, stage, *bufsem):
    sid = lax.axis_index("s")
    wid = sid * 2 + lax.axis_index("c")
    pltpu.sync_copy(src_hbm.at[wid], sidx)
    pltpu.sync_copy(dst_hbm.at[wid], didx)

    rows = _N // 16
    for j in range(5):
        r0 = sid * rows + j * (rows // 5)
        pltpu.sync_copy(h2_hbm.at[pl.ds(r0, rows // 5)], stage)
        pltpu.sync_copy(stage, shared.at[pl.ds(r0, rows // 5)])
    plsc.subcore_barrier()

    bufs = tuple(
        (bufsem[b], bufsem[_NB + b], bufsem[2 * _NB + b], bufsem[3 * _NB + b])
        for b in range(_NB))

    def fire(ch, sr, dr, ss, sd):
        pltpu.async_copy(shared.at[sidx.at[ch]], sr, ss)
        pltpu.async_copy(shared.at[didx.at[ch]], dr, sd)

    for b in range(_NB):
        fire(b, *bufs[b])

    def body(i, carry):
        for b in range(_NB):
            sr, dr, ss, sd = bufs[b]
            ch = _NB * i + b
            pltpu.make_async_copy(h2_hbm.at[sidx.at[ch]], sr, ss).wait()
            pltpu.make_async_copy(h2_hbm.at[didx.at[ch]], dr, sd).wait()

            def grp(g, c, sr=sr, dr=dr, ch=ch):
                rows = lax.iota(jnp.int32, 16) + g * 16
                acc0 = jnp.zeros((16,), jnp.float32)
                acc1 = jnp.zeros((16,), jnp.float32)
                himask = jnp.full((16,), -65536, jnp.int32)
                for k in range(_O // 2):
                    col = jnp.full((16,), k, jnp.int32)
                    ws = plsc.load_gather(sr, [rows, col])
                    wd = plsc.load_gather(dr, [rows, col])
                    s_lo = lax.bitcast_convert_type(
                        lax.shift_left(ws, 16), jnp.float32)
                    d_lo = lax.bitcast_convert_type(
                        lax.shift_left(wd, 16), jnp.float32)
                    s_hi = lax.bitcast_convert_type(ws & himask, jnp.float32)
                    d_hi = lax.bitcast_convert_type(wd & himask, jnp.float32)
                    acc0 = acc0 + s_lo * d_lo
                    acc1 = acc1 + s_hi * d_hi
                outv[ch, pl.ds(g * 16, 16)] = acc0 + acc1
                return c

            lax.fori_loop(0, _CH // 16, grp, 0)
            nxt = ch + _NB

            @pl.when(nxt < _NCH)
            def _():
                fire(nxt, sr, dr, ss, sd)
        return carry

    lax.fori_loop(0, _NCH // _NB, body, 0)
    pltpu.sync_copy(outv, out_hbm.at[wid])


@functools.cache
def _get_decode():
    return functools.partial(
        pl.kernel,
        mesh=plsc.VectorSubcoreMesh(core_axis_name="c", subcore_axis_name="s"),
        out_type=jax.ShapeDtypeStruct((_NW, _NCH, _CH), jnp.float32),
        scratch_types=(
            [pltpu.VMEM((_NCH, _CH), jnp.int32),
             pltpu.VMEM((_NCH, _CH), jnp.int32),
             pltpu.VMEM((_NCH, _CH), jnp.float32),
             pltpu.VMEM_SHARED((_N, _O // 2), jnp.int32),
             pltpu.VMEM((_N // 80, _O // 2), jnp.int32)]
            + [pltpu.VMEM((_CH, _O // 2), jnp.int32)] * (2 * _NB)
            + [pltpu.SemaphoreType.DMA] * (2 * _NB)
        ),
        compiler_params=pltpu.CompilerParams(
            needs_layout_passes=False, use_tc_tiling_on_sc=False),
    )(_decode_body)


def kernel(x, adj, pairs, W1, W2):
    g = _gcn1(adj, x, W1.T, W2.T)
    h2 = _gcn2(adj, g)
    h2p = lax.bitcast_convert_type(h2.reshape(_N, _O // 2, 2), jnp.int32)
    p32 = pairs.astype(jnp.int32)
    src = jnp.zeros((_PPAD,), jnp.int32).at[:_P].set(p32[:, 0])
    dst = jnp.zeros((_PPAD,), jnp.int32).at[:_P].set(p32[:, 1])
    out = _get_decode()(h2p, src.reshape(_NW, _NCH, _CH),
                        dst.reshape(_NW, _NCH, _CH))
    return out.reshape(_PPAD)[:_P]

# --- scband reference (transcript-rebuilt; emitter-appended) ---
"""Pipeline reference for scband-link-predictor-41695542509975 (READ-ONLY COPY).

The authoritative reference and input builder live on the scoring server;
editing this copy changes nothing except your own understanding.
"""

import jax, jax.numpy as jnp
import numpy as np

N = 10000
F = 128
H = 256
O = 64
P = 200000


def setup_inputs(seed: int = 0) -> dict:
    key = jax.random.key(seed)
    k1, k2, k3, k4, k5 = jax.random.split(key, 5)
    x = jax.random.normal(k1, (N, F), dtype=jnp.float32)
    adj = jax.random.uniform(k2, (N, N), dtype=jnp.float32)
    pairs = jax.random.randint(k3, (P, 2), 0, N, dtype=jnp.int64)
    # learned parameters: torch nn.Linear(in, out, bias=False) stores W as [out, in]
    W1 = jax.random.normal(k4, (H, F), dtype=jnp.float32) * 0.02
    W2 = jax.random.normal(k5, (O, H), dtype=jnp.float32) * 0.02
    return {"x": x, "adj": adj, "pairs": pairs, "W1": W1, "W2": W2}


def reference(x, adj, pairs, W1, W2):
    # GCNLayer 1: sparse.mm(adj, x) then linear (no bias), then ReLU
    h = jnp.matmul(adj, x)
    h = jnp.matmul(h, W1.T)
    h = jnp.maximum(h, 0.0)
    # GCNLayer 2
    h = jnp.matmul(adj, h)
    h = jnp.matmul(h, W2.T)
    # decode: gather src/dst embeddings and dot-product
    h_src = jnp.take(h, pairs[:, 0], axis=0)
    h_dst = jnp.take(h, pairs[:, 1], axis=0)
    return (h_src * h_dst).sum(axis=-1)

if __name__ == "__main__":
    import jax
    _d = setup_inputs()
    print(jax.jit(kernel)(*tuple(_d.values())))

</pallas_src>

<mosaic_0001>
#map = affine_map<(d0, d1) -> (0, 0)>
#map1 = affine_map<(d0, d1) -> (0, 0, 0)>
module attributes {stable_mosaic.version = 14 : i64} {
  func.func @_decode_body(%arg0: i32, %arg1: i32, %arg2: memref<10000x32xi32, #tpu.memory_space<hbm>>, %arg3: memref<32x52x128xi32, #tpu.memory_space<hbm>>, %arg4: memref<32x52x128xi32, #tpu.memory_space<hbm>>, %arg5: memref<32x52x128xf32, #tpu.memory_space<hbm>>, %arg6: memref<52x128xi32, #tpu.memory_space<vmem>>, %arg7: memref<52x128xi32, #tpu.memory_space<vmem>>, %arg8: memref<52x128xf32, #tpu.memory_space<vmem>>, %arg9: memref<10000x32xi32, #tpu.memory_space<vmem_shared>>, %arg10: memref<125x32xi32, #tpu.memory_space<vmem>>, %arg11: memref<128x32xi32, #tpu.memory_space<vmem>>, %arg12: memref<128x32xi32, #tpu.memory_space<vmem>>, %arg13: memref<128x32xi32, #tpu.memory_space<vmem>>, %arg14: memref<128x32xi32, #tpu.memory_space<vmem>>, %arg15: memref<!tpu.dma_semaphore, #tpu.memory_space<semaphore_mem>>, %arg16: memref<!tpu.dma_semaphore, #tpu.memory_space<semaphore_mem>>, %arg17: memref<!tpu.dma_semaphore, #tpu.memory_space<semaphore_mem>>, %arg18: memref<!tpu.dma_semaphore, #tpu.memory_space<semaphore_mem>>) attributes {dimension_semantics = [#tpu.dimension_semantics<core_parallel>, #tpu.dimension_semantics<subcore_parallel>], iteration_bounds = array<i64: 2, 16>, scalar_prefetch = 0 : i64, scratch_operands = 13 : i64, tpu.core_type = #tpu.core_type<sc_vector_subcore>, window_params = [{transform_indices = #map}, {transform_indices = #map1}, {transform_indices = #map1}, {transform_indices = #map1}]} {
    %mul3A = arith.constant 2 : i32
    %mul3A_0 = arith.muli %arg1, %mul3A : i32
    %add3A = arith.addi %mul3A_0, %arg0 : i32
    "tpu.region"() ({
      %run_scoped3A = tpu.sem_alloc : memref<!tpu.dma_semaphore, #tpu.memory_space<semaphore_mem>>
      %dma_start3A_53 = arith.constant 0 : i32
      %dma_start3A_54 = arith.constant 0 : i32
      %dma_start3A_55 = tpu.memref_slice %arg3[%add3A, %dma_start3A_53, %dma_start3A_54] : memref<32x52x128xi32, #tpu.memory_space<hbm>> -> memref<1x52x128xi32, #tpu.memory_space<hbm>>
      %dma_start3A_56 = tpu.memref_squeeze %dma_start3A_55 : memref<1x52x128xi32, #tpu.memory_space<hbm>> -> memref<52x128xi32, #tpu.memory_space<hbm>>
      %dma_start3A_57 = arith.constant 0 : i32
      %dma_start3A_58 = arith.constant 0 : i32
      %dma_start3A_59 = tpu.memref_slice %arg3[%add3A, %dma_start3A_57, %dma_start3A_58] : memref<32x52x128xi32, #tpu.memory_space<hbm>> -> memref<1x52x128xi32, #tpu.memory_space<hbm>>
      %dma_start3A_60 = tpu.memref_squeeze %dma_start3A_59 : memref<1x52x128xi32, #tpu.memory_space<hbm>> -> memref<52x128xi32, #tpu.memory_space<hbm>>
      tpu.enqueue_dma source(%dma_start3A_60 : memref<52x128xi32, #tpu.memory_space<hbm>>) target(%arg6 : memref<52x128xi32, #tpu.memory_space<vmem>>) target_semaphore(%run_scoped3A : memref<!tpu.dma_semaphore, #tpu.memory_space<semaphore_mem>>)
      %dma_wait3A = arith.constant 0 : i32
      %dma_wait3A_61 = arith.constant 0 : i32
      %dma_wait3A_62 = tpu.memref_slice %arg3[%add3A, %dma_wait3A, %dma_wait3A_61] : memref<32x52x128xi32, #tpu.memory_space<hbm>> -> memref<1x52x128xi32, #tpu.memory_space<hbm>>
      %dma_wait3A_63 = tpu.memref_squeeze %dma_wait3A_62 : memref<1x52x128xi32, #tpu.memory_space<hbm>> -> memref<52x128xi32, #tpu.memory_space<hbm>>
      %dma_wait3A_64 = arith.constant 0 : i32
      %dma_wait3A_65 = arith.constant 0 : i32
      %dma_wait3A_66 = tpu.memref_slice %arg3[%add3A, %dma_wait3A_64, %dma_wait3A_65] : memref<32x52x128xi32, #tpu.memory_space<hbm>> -> memref<1x52x128xi32, #tpu.memory_space<hbm>>
      %dma_wait3A_67 = tpu.memref_squeeze %dma_wait3A_66 : memref<1x52x128xi32, #tpu.memory_space<hbm>> -> memref<52x128xi32, #tpu.memory_space<hbm>>
      tpu.wait_dma2 semaphore(%run_scoped3A : memref<!tpu.dma_semaphore, #tpu.memory_space<semaphore_mem>>) src(%dma_wait3A_67 : memref<52x128xi32, #tpu.memory_space<hbm>>) dst(%arg6 : memref<52x128xi32, #tpu.memory_space<vmem>>)
      tpu.yield
    }) : () -> ()
    "tpu.region"() ({
      %run_scoped3A = tpu.sem_alloc : memref<!tpu.dma_semaphore, #tpu.memory_space<semaphore_mem>>
      %dma_start3A_53 = arith.constant 0 : i32
      %dma_start3A_54 = arith.constant 0 : i32
      %dma_start3A_55 = tpu.memref_slice %arg4[%add3A, %dma_start3A_53, %dma_start3A_54] : memref<32x52x128xi32, #tpu.memory_space<hbm>> -> memref<1x52x128xi32, #tpu.memory_space<hbm>>
      %dma_start3A_56 = tpu.memref_squeeze %dma_start3A_55 : memref<1x52x128xi32, #tpu.memory_space<hbm>> -> memref<52x128xi32, #tpu.memory_space<hbm>>
      %dma_start3A_57 = arith.constant 0 : i32
      %dma_start3A_58 = arith.constant 0 : i32
      %dma_start3A_59 = tpu.memref_slice %arg4[%add3A, %dma_start3A_57, %dma_start3A_58] : memref<32x52x128xi32, #tpu.memory_space<hbm>> -> memref<1x52x128xi32, #tpu.memory_space<hbm>>
      %dma_start3A_60 = tpu.memref_squeeze %dma_start3A_59 : memref<1x52x128xi32, #tpu.memory_space<hbm>> -> memref<52x128xi32, #tpu.memory_space<hbm>>
      tpu.enqueue_dma source(%dma_start3A_60 : memref<52x128xi32, #tpu.memory_space<hbm>>) target(%arg7 : memref<52x128xi32, #tpu.memory_space<vmem>>) target_semaphore(%run_scoped3A : memref<!tpu.dma_semaphore, #tpu.memory_space<semaphore_mem>>)
      %dma_wait3A = arith.constant 0 : i32
      %dma_wait3A_61 = arith.constant 0 : i32
      %dma_wait3A_62 = tpu.memref_slice %arg4[%add3A, %dma_wait3A, %dma_wait3A_61] : memref<32x52x128xi32, #tpu.memory_space<hbm>> -> memref<1x52x128xi32, #tpu.memory_space<hbm>>
      %dma_wait3A_63 = tpu.memref_squeeze %dma_wait3A_62 : memref<1x52x128xi32, #tpu.memory_space<hbm>> -> memref<52x128xi32, #tpu.memory_space<hbm>>
      %dma_wait3A_64 = arith.constant 0 : i32
      %dma_wait3A_65 = arith.constant 0 : i32
      %dma_wait3A_66 = tpu.memref_slice %arg4[%add3A, %dma_wait3A_64, %dma_wait3A_65] : memref<32x52x128xi32, #tpu.memory_space<hbm>> -> memref<1x52x128xi32, #tpu.memory_space<hbm>>
      %dma_wait3A_67 = tpu.memref_squeeze %dma_wait3A_66 : memref<1x52x128xi32, #tpu.memory_space<hbm>> -> memref<52x128xi32, #tpu.memory_space<hbm>>
      tpu.wait_dma2 semaphore(%run_scoped3A : memref<!tpu.dma_semaphore, #tpu.memory_space<semaphore_mem>>) src(%dma_wait3A_67 : memref<52x128xi32, #tpu.memory_space<hbm>>) dst(%arg7 : memref<52x128xi32, #tpu.memory_space<vmem>>)
      tpu.yield
    }) : () -> ()
    %mul3A_1 = arith.constant 625 : i32
    %mul3A_2 = arith.muli %arg1, %mul3A_1 : i32
    %add3A_3 = arith.constant 0 : i32
    %add3A_4 = arith.addi %mul3A_2, %add3A_3 : i32
    "tpu.region"() ({
      %run_scoped3A = tpu.sem_alloc : memref<!tpu.dma_semaphore, #tpu.memory_space<semaphore_mem>>
      %dma_start3A_53 = arith.constant 0 : i32
      %dma_start3A_54 = tpu.memref_slice %arg2[%add3A_4, %dma_start3A_53] : memref<10000x32xi32, #tpu.memory_space<hbm>> -> memref<125x32xi32, #tpu.memory_space<hbm>>
      %dma_start3A_55 = arith.constant 0 : i32
      %dma_start3A_56 = tpu.memref_slice %arg2[%add3A_4, %dma_start3A_55] : memref<10000x32xi32, #tpu.memory_space<hbm>> -> memref<125x32xi32, #tpu.memory_space<hbm>>
      tpu.enqueue_dma source(%dma_start3A_56 : memref<125x32xi32, #tpu.memory_space<hbm>>) target(%arg10 : memref<125x32xi32, #tpu.memory_space<vmem>>) target_semaphore(%run_scoped3A : memref<!tpu.dma_semaphore, #tpu.memory_space<semaphore_mem>>)
      %dma_wait3A = arith.constant 0 : i32
      %dma_wait3A_57 = tpu.memref_slice %arg2[%add3A_4, %dma_wait3A] : memref<10000x32xi32, #tpu.memory_space<hbm>> -> memref<125x32xi32, #tpu.memory_space<hbm>>
      %dma_wait3A_58 = arith.constant 0 : i32
      %dma_wait3A_59 = tpu.memref_slice %arg2[%add3A_4, %dma_wait3A_58] : memref<10000x32xi32, #tpu.memory_space<hbm>> -> memref<125x32xi32, #tpu.memory_space<hbm>>
      tpu.wait_dma2 semaphore(%run_scoped3A : memref<!tpu.dma_semaphore, #tpu.memory_space<semaphore_mem>>) src(%dma_wait3A_59 : memref<125x32xi32, #tpu.memory_space<hbm>>) dst(%arg10 : memref<125x32xi32, #tpu.memory_space<vmem>>)
      tpu.yield
    }) : () -> ()
    "tpu.region"() ({
      %run_scoped3A = tpu.sem_alloc : memref<!tpu.dma_semaphore, #tpu.memory_space<semaphore_mem>>
      %dma_start3A_53 = arith.constant 0 : i32
      %dma_start3A_54 = tpu.memref_slice %arg9[%add3A_4, %dma_start3A_53] : memref<10000x32xi32, #tpu.memory_space<vmem_shared>> -> memref<125x32xi32, #tpu.memory_space<vmem_shared>>
      %dma_start3A_55 = arith.constant 0 : i32
      %dma_start3A_56 = tpu.memref_slice %arg9[%add3A_4, %dma_start3A_55] : memref<10000x32xi32, #tpu.memory_space<vmem_shared>> -> memref<125x32xi32, #tpu.memory_space<vmem_shared>>
      tpu.enqueue_dma source(%arg10 : memref<125x32xi32, #tpu.memory_space<vmem>>) target(%dma_start3A_56 : memref<125x32xi32, #tpu.memory_space<vmem_shared>>) target_semaphore(%run_scoped3A : memref<!tpu.dma_semaphore, #tpu.memory_space<semaphore_mem>>)
      %dma_wait3A = arith.constant 0 : i32
      %dma_wait3A_57 = tpu.memref_slice %arg9[%add3A_4, %dma_wait3A] : memref<10000x32xi32, #tpu.memory_space<vmem_shared>> -> memref<125x32xi32, #tpu.memory_space<vmem_shared>>
      %dma_wait3A_58 = arith.constant 0 : i32
      %dma_wait3A_59 = tpu.memref_slice %arg9[%add3A_4, %dma_wait3A_58] : memref<10000x32xi32, #tpu.memory_space<vmem_shared>> -> memref<125x32xi32, #tpu.memory_space<vmem_shared>>
      tpu.wait_dma2 semaphore(%run_scoped3A : memref<!tpu.dma_semaphore, #tpu.memory_space<semaphore_mem>>) src(%arg10 : memref<125x32xi32, #tpu.memory_space<vmem>>) dst(%dma_wait3A_59 : memref<125x32xi32, #tpu.memory_space<vmem_shared>>)
      tpu.yield
    }) : () -> ()
    %mul3A_5 = arith.constant 625 : i32
    %mul3A_6 = arith.muli %arg1, %mul3A_5 : i32
    %add3A_7 = arith.constant 125 : i32
    %add3A_8 = arith.addi %mul3A_6, %add3A_7 : i32
    "tpu.region"() ({
      %run_scoped3A = tpu.sem_alloc : memref<!tpu.dma_semaphore, #tpu.memory_space<semaphore_mem>>
      %dma_start3A_53 = arith.constant 0 : i32
      %dma_start3A_54 = tpu.memref_slice %arg2[%add3A_8, %dma_start3A_53] : memref<10000x32xi32, #tpu.memory_space<hbm>> -> memref<125x32xi32, #tpu.memory_space<hbm>>
      %dma_start3A_55 = arith.constant 0 : i32
      %dma_start3A_56 = tpu.memref_slice %arg2[%add3A_8, %dma_start3A_55] : memref<10000x32xi32, #tpu.memory_space<hbm>> -> memref<125x32xi32, #tpu.memory_space<hbm>>
      tpu.enqueue_dma source(%dma_start3A_56 : memref<125x32xi32, #tpu.memory_space<hbm>>) target(%arg10 : memref<125x32xi32, #tpu.memory_space<vmem>>) target_semaphore(%run_scoped3A : memref<!tpu.dma_semaphore, #tpu.memory_space<semaphore_mem>>)
      %dma_wait3A = arith.constant 0 : i32
      %dma_wait3A_57 = tpu.memref_slice %arg2[%add3A_8, %dma_wait3A] : memref<10000x32xi32, #tpu.memory_space<hbm>> -> memref<125x32xi32, #tpu.memory_space<hbm>>
      %dma_wait3A_58 = arith.constant 0 : i32
      %dma_wait3A_59 = tpu.memref_slice %arg2[%add3A_8, %dma_wait3A_58] : memref<10000x32xi32, #tpu.memory_space<hbm>> -> memref<125x32xi32, #tpu.memory_space<hbm>>
      tpu.wait_dma2 semaphore(%run_scoped3A : memref<!tpu.dma_semaphore, #tpu.memory_space<semaphore_mem>>) src(%dma_wait3A_59 : memref<125x32xi32, #tpu.memory_space<hbm>>) dst(%arg10 : memref<125x32xi32, #tpu.memory_space<vmem>>)
      tpu.yield
    }) : () -> ()
    "tpu.region"() ({
      %run_scoped3A = tpu.sem_alloc : memref<!tpu.dma_semaphore, #tpu.memory_space<semaphore_mem>>
      %dma_start3A_53 = arith.constant 0 : i32
      %dma_start3A_54 = tpu.memref_slice %arg9[%add3A_8, %dma_start3A_53] : memref<10000x32xi32, #tpu.memory_space<vmem_shared>> -> memref<125x32xi32, #tpu.memory_space<vmem_shared>>
      %dma_start3A_55 = arith.constant 0 : i32
      %dma_start3A_56 = tpu.memref_slice %arg9[%add3A_8, %dma_start3A_55] : memref<10000x32xi32, #tpu.memory_space<vmem_shared>> -> memref<125x32xi32, #tpu.memory_space<vmem_shared>>
      tpu.enqueue_dma source(%arg10 : memref<125x32xi32, #tpu.memory_space<vmem>>) target(%dma_start3A_56 : memref<125x32xi32, #tpu.memory_space<vmem_shared>>) target_semaphore(%run_scoped3A : memref<!tpu.dma_semaphore, #tpu.memory_space<semaphore_mem>>)
      %dma_wait3A = arith.constant 0 : i32
      %dma_wait3A_57 = tpu.memref_slice %arg9[%add3A_8, %dma_wait3A] : memref<10000x32xi32, #tpu.memory_space<vmem_shared>> -> memref<125x32xi32, #tpu.memory_space<vmem_shared>>
      %dma_wait3A_58 = arith.constant 0 : i32
      %dma_wait3A_59 = tpu.memref_slice %arg9[%add3A_8, %dma_wait3A_58] : memref<10000x32xi32, #tpu.memory_space<vmem_shared>> -> memref<125x32xi32, #tpu.memory_space<vmem_shared>>
      tpu.wait_dma2 semaphore(%run_scoped3A : memref<!tpu.dma_semaphore, #tpu.memory_space<semaphore_mem>>) src(%arg10 : memref<125x32xi32, #tpu.memory_space<vmem>>) dst(%dma_wait3A_59 : memref<125x32xi32, #tpu.memory_space<vmem_shared>>)
      tpu.yield
    }) : () -> ()
    %mul3A_9 = arith.constant 625 : i32
    %mul3A_10 = arith.muli %arg1, %mul3A_9 : i32
    %add3A_11 = arith.constant 250 : i32
    %add3A_12 = arith.addi %mul3A_10, %add3A_11 : i32
    "tpu.region"() ({
      %run_scoped3A = tpu.sem_alloc : memref<!tpu.dma_semaphore, #tpu.memory_space<semaphore_mem>>
      %dma_start3A_53 = arith.constant 0 : i32
      %dma_start3A_54 = tpu.memref_slice %arg2[%add3A_12, %dma_start3A_53] : memref<10000x32xi32, #tpu.memory_space<hbm>> -> memref<125x32xi32, #tpu.memory_space<hbm>>
      %dma_start3A_55 = arith.constant 0 : i32
      %dma_start3A_56 = tpu.memref_slice %arg2[%add3A_12, %dma_start3A_55] : memref<10000x32xi32, #tpu.memory_space<hbm>> -> memref<125x32xi32, #tpu.memory_space<hbm>>
      tpu.enqueue_dma source(%dma_start3A_56 : memref<125x32xi32, #tpu.memory_space<hbm>>) target(%arg10 : memref<125x32xi32, #tpu.memory_space<vmem>>) target_semaphore(%run_scoped3A : memref<!tpu.dma_semaphore, #tpu.memory_space<semaphore_mem>>)
      %dma_wait3A = arith.constant 0 : i32
      %dma_wait3A_57 = tpu.memref_slice %arg2[%add3A_12, %dma_wait3A] : memref<10000x32xi32, #tpu.memory_space<hbm>> -> memref<125x32xi32, #tpu.memory_space<hbm>>
      %dma_wait3A_58 = arith.constant 0 : i32
      %dma_wait3A_59 = tpu.memref_slice %arg2[%add3A_12, %dma_wait3A_58] : memref<10000x32xi32, #tpu.memory_space<hbm>> -> memref<125x32xi32, #tpu.memory_space<hbm>>
      tpu.wait_dma2 semaphore(%run_scoped3A : memref<!tpu.dma_semaphore, #tpu.memory_space<semaphore_mem>>) src(%dma_wait3A_59 : memref<125x32xi32, #tpu.memory_space<hbm>>) dst(%arg10 : memref<125x32xi32, #tpu.memory_space<vmem>>)
      tpu.yield
    }) : () -> ()
    "tpu.region"() ({
      %run_scoped3A = tpu.sem_alloc : memref<!tpu.dma_semaphore, #tpu.memory_space<semaphore_mem>>
      %dma_start3A_53 = arith.constant 0 : i32
      %dma_start3A_54 = tpu.memref_slice %arg9[%add3A_12, %dma_start3A_53] : memref<10000x32xi32, #tpu.memory_space<vmem_shared>> -> memref<125x32xi32, #tpu.memory_space<vmem_shared>>
      %dma_start3A_55 = arith.constant 0 : i32
      %dma_start3A_56 = tpu.memref_slice %arg9[%add3A_12, %dma_start3A_55] : memref<10000x32xi32, #tpu.memory_space<vmem_shared>> -> memref<125x32xi32, #tpu.memory_space<vmem_shared>>
      tpu.enqueue_dma source(%arg10 : memref<125x32xi32, #tpu.memory_space<vmem>>) target(%dma_start3A_56 : memref<125x32xi32, #tpu.memory_space<vmem_shared>>) target_semaphore(%run_scoped3A : memref<!tpu.dma_semaphore, #tpu.memory_space<semaphore_mem>>)
      %dma_wait3A = arith.constant 0 : i32
      %dma_wait3A_57 = tpu.memref_slice %arg9[%add3A_12, %dma_wait3A] : memref<10000x32xi32, #tpu.memory_space<vmem_shared>> -> memref<125x32xi32, #tpu.memory_space<vmem_shared>>
      %dma_wait3A_58 = arith.constant 0 : i32
      %dma_wait3A_59 = tpu.memref_slice %arg9[%add3A_12, %dma_wait3A_58] : memref<10000x32xi32, #tpu.memory_space<vmem_shared>> -> memref<125x32xi32, #tpu.memory_space<vmem_shared>>
      tpu.wait_dma2 semaphore(%run_scoped3A : memref<!tpu.dma_semaphore, #tpu.memory_space<semaphore_mem>>) src(%arg10 : memref<125x32xi32, #tpu.memory_space<vmem>>) dst(%dma_wait3A_59 : memref<125x32xi32, #tpu.memory_space<vmem_shared>>)
      tpu.yield
    }) : () -> ()
    %mul3A_13 = arith.constant 625 : i32
    %mul3A_14 = arith.muli %arg1, %mul3A_13 : i32
    %add3A_15 = arith.constant 375 : i32
    %add3A_16 = arith.addi %mul3A_14, %add3A_15 : i32
    "tpu.region"() ({
      %run_scoped3A = tpu.sem_alloc : memref<!tpu.dma_semaphore, #tpu.memory_space<semaphore_mem>>
      %dma_start3A_53 = arith.constant 0 : i32
      %dma_start3A_54 = tpu.memref_slice %arg2[%add3A_16, %dma_start3A_53] : memref<10000x32xi32, #tpu.memory_space<hbm>> -> memref<125x32xi32, #tpu.memory_space<hbm>>
      %dma_start3A_55 = arith.constant 0 : i32
      %dma_start3A_56 = tpu.memref_slice %arg2[%add3A_16, %dma_start3A_55] : memref<10000x32xi32, #tpu.memory_space<hbm>> -> memref<125x32xi32, #tpu.memory_space<hbm>>
      tpu.enqueue_dma source(%dma_start3A_56 : memref<125x32xi32, #tpu.memory_space<hbm>>) target(%arg10 : memref<125x32xi32, #tpu.memory_space<vmem>>) target_semaphore(%run_scoped3A : memref<!tpu.dma_semaphore, #tpu.memory_space<semaphore_mem>>)
      %dma_wait3A = arith.constant 0 : i32
      %dma_wait3A_57 = tpu.memref_slice %arg2[%add3A_16, %dma_wait3A] : memref<10000x32xi32, #tpu.memory_space<hbm>> -> memref<125x32xi32, #tpu.memory_space<hbm>>
      %dma_wait3A_58 = arith.constant 0 : i32
      %dma_wait3A_59 = tpu.memref_slice %arg2[%add3A_16, %dma_wait3A_58] : memref<10000x32xi32, #tpu.memory_space<hbm>> -> memref<125x32xi32, #tpu.memory_space<hbm>>
      tpu.wait_dma2 semaphore(%run_scoped3A : memref<!tpu.dma_semaphore, #tpu.memory_space<semaphore_mem>>) src(%dma_wait3A_59 : memref<125x32xi32, #tpu.memory_space<hbm>>) dst(%arg10 : memref<125x32xi32, #tpu.memory_space<vmem>>)
      tpu.yield
    }) : () -> ()
    "tpu.region"() ({
      %run_scoped3A = tpu.sem_alloc : memref<!tpu.dma_semaphore, #tpu.memory_space<semaphore_mem>>
      %dma_start3A_53 = arith.constant 0 : i32
      %dma_start3A_54 = tpu.memref_slice %arg9[%add3A_16, %dma_start3A_53] : memref<10000x32xi32, #tpu.memory_space<vmem_shared>> -> memref<125x32xi32, #tpu.memory_space<vmem_shared>>
      %dma_start3A_55 = arith.constant 0 : i32
      %dma_start3A_56 = tpu.memref_slice %arg9[%add3A_16, %dma_start3A_55] : memref<10000x32xi32, #tpu.memory_space<vmem_shared>> -> memref<125x32xi32, #tpu.memory_space<vmem_shared>>
      tpu.enqueue_dma source(%arg10 : memref<125x32xi32, #tpu.memory_space<vmem>>) target(%dma_start3A_56 : memref<125x32xi32, #tpu.memory_space<vmem_shared>>) target_semaphore(%run_scoped3A : memref<!tpu.dma_semaphore, #tpu.memory_space<semaphore_mem>>)
      %dma_wait3A = arith.constant 0 : i32
      %dma_wait3A_57 = tpu.memref_slice %arg9[%add3A_16, %dma_wait3A] : memref<10000x32xi32, #tpu.memory_space<vmem_shared>> -> memref<125x32xi32, #tpu.memory_space<vmem_shared>>
      %dma_wait3A_58 = arith.constant 0 : i32
      %dma_wait3A_59 = tpu.memref_slice %arg9[%add3A_16, %dma_wait3A_58] : memref<10000x32xi32, #tpu.memory_space<vmem_shared>> -> memref<125x32xi32, #tpu.memory_space<vmem_shared>>
      tpu.wait_dma2 semaphore(%run_scoped3A : memref<!tpu.dma_semaphore, #tpu.memory_space<semaphore_mem>>) src(%arg10 : memref<125x32xi32, #tpu.memory_space<vmem>>) dst(%dma_wait3A_59 : memref<125x32xi32, #tpu.memory_space<vmem_shared>>)
      tpu.yield
    }) : () -> ()
    %mul3A_17 = arith.constant 625 : i32
    %mul3A_18 = arith.muli %arg1, %mul3A_17 : i32
    %add3A_19 = arith.constant 500 : i32
    %add3A_20 = arith.addi %mul3A_18, %add3A_19 : i32
    "tpu.region"() ({
      %run_scoped3A = tpu.sem_alloc : memref<!tpu.dma_semaphore, #tpu.memory_space<semaphore_mem>>
      %dma_start3A_53 = arith.constant 0 : i32
      %dma_start3A_54 = tpu.memref_slice %arg2[%add3A_20, %dma_start3A_53] : memref<10000x32xi32, #tpu.memory_space<hbm>> -> memref<125x32xi32, #tpu.memory_space<hbm>>
      %dma_start3A_55 = arith.constant 0 : i32
      %dma_start3A_56 = tpu.memref_slice %arg2[%add3A_20, %dma_start3A_55] : memref<10000x32xi32, #tpu.memory_space<hbm>> -> memref<125x32xi32, #tpu.memory_space<hbm>>
      tpu.enqueue_dma source(%dma_start3A_56 : memref<125x32xi32, #tpu.memory_space<hbm>>) target(%arg10 : memref<125x32xi32, #tpu.memory_space<vmem>>) target_semaphore(%run_scoped3A : memref<!tpu.dma_semaphore, #tpu.memory_space<semaphore_mem>>)
      %dma_wait3A = arith.constant 0 : i32
      %dma_wait3A_57 = tpu.memref_slice %arg2[%add3A_20, %dma_wait3A] : memref<10000x32xi32, #tpu.memory_space<hbm>> -> memref<125x32xi32, #tpu.memory_space<hbm>>
      %dma_wait3A_58 = arith.constant 0 : i32
      %dma_wait3A_59 = tpu.memref_slice %arg2[%add3A_20, %dma_wait3A_58] : memref<10000x32xi32, #tpu.memory_space<hbm>> -> memref<125x32xi32, #tpu.memory_space<hbm>>
      tpu.wait_dma2 semaphore(%run_scoped3A : memref<!tpu.dma_semaphore, #tpu.memory_space<semaphore_mem>>) src(%dma_wait3A_59 : memref<125x32xi32, #tpu.memory_space<hbm>>) dst(%arg10 : memref<125x32xi32, #tpu.memory_space<vmem>>)
      tpu.yield
    }) : () -> ()
    "tpu.region"() ({
      %run_scoped3A = tpu.sem_alloc : memref<!tpu.dma_semaphore, #tpu.memory_space<semaphore_mem>>
      %dma_start3A_53 = arith.constant 0 : i32
      %dma_start3A_54 = tpu.memref_slice %arg9[%add3A_20, %dma_start3A_53] : memref<10000x32xi32, #tpu.memory_space<vmem_shared>> -> memref<125x32xi32, #tpu.memory_space<vmem_shared>>
      %dma_start3A_55 = arith.constant 0 : i32
      %dma_start3A_56 = tpu.memref_slice %arg9[%add3A_20, %dma_start3A_55] : memref<10000x32xi32, #tpu.memory_space<vmem_shared>> -> memref<125x32xi32, #tpu.memory_space<vmem_shared>>
      tpu.enqueue_dma source(%arg10 : memref<125x32xi32, #tpu.memory_space<vmem>>) target(%dma_start3A_56 : memref<125x32xi32, #tpu.memory_space<vmem_shared>>) target_semaphore(%run_scoped3A : memref<!tpu.dma_semaphore, #tpu.memory_space<semaphore_mem>>)
      %dma_wait3A = arith.constant 0 : i32
      %dma_wait3A_57 = tpu.memref_slice %arg9[%add3A_20, %dma_wait3A] : memref<10000x32xi32, #tpu.memory_space<vmem_shared>> -> memref<125x32xi32, #tpu.memory_space<vmem_shared>>
      %dma_wait3A_58 = arith.constant 0 : i32
      %dma_wait3A_59 = tpu.memref_slice %arg9[%add3A_20, %dma_wait3A_58] : memref<10000x32xi32, #tpu.memory_space<vmem_shared>> -> memref<125x32xi32, #tpu.memory_space<vmem_shared>>
      tpu.wait_dma2 semaphore(%run_scoped3A : memref<!tpu.dma_semaphore, #tpu.memory_space<semaphore_mem>>) src(%arg10 : memref<125x32xi32, #tpu.memory_space<vmem>>) dst(%dma_wait3A_59 : memref<125x32xi32, #tpu.memory_space<vmem_shared>>)
      tpu.yield
    }) : () -> ()
    %barrier3A = arith.constant 0 : index
    tpu.barrier barrier_id(%barrier3A)
    %dma_start3A = arith.constant 0 : i32
    %dma_start3A_21 = arith.constant 0 : i32
    %dma_start3A_22 = tpu.memref_slice %arg6[%dma_start3A, %dma_start3A_21] : memref<52x128xi32, #tpu.memory_space<vmem>> -> memref<1x128xi32, #tpu.memory_space<vmem>>
    %dma_start3A_23 = tpu.memref_squeeze %dma_start3A_22 : memref<1x128xi32, #tpu.memory_space<vmem>> -> memref<128xi32, #tpu.memory_space<vmem>>
    %dma_start3A_24 = arith.constant 0 : i32
    %dma_start3A_25 = arith.constant 0 : i32
    %dma_start3A_26 = tpu.memref_slice %arg9[%dma_start3A_24, %dma_start3A_25] : memref<10000x32xi32, #tpu.memory_space<vmem_shared>> -> memref<10000x32xi32, #tpu.memory_space<vmem_shared>>
    tpu.enqueue_indirect_dma source(%dma_start3A_26 : memref<10000x32xi32, #tpu.memory_space<vmem_shared>>) target(%arg11 : memref<128x32xi32, #tpu.memory_space<vmem>>) offsets(%dma_start3A_23 : memref<128xi32, #tpu.memory_space<vmem>>) semaphore(%arg15 : memref<!tpu.dma_semaphore, #tpu.memory_space<semaphore_mem>>)
    %dma_start3A_27 = arith.constant 0 : i32
    %dma_start3A_28 = arith.constant 0 : i32
    %dma_start3A_29 = tpu.memref_slice %arg7[%dma_start3A_27, %dma_start3A_28] : memref<52x128xi32, #tpu.memory_space<vmem>> -> memref<1x128xi32, #tpu.memory_space<vmem>>
    %dma_start3A_30 = tpu.memref_squeeze %dma_start3A_29 : memref<1x128xi32, #tpu.memory_space<vmem>> -> memref<128xi32, #tpu.memory_space<vmem>>
    %dma_start3A_31 = arith.constant 0 : i32
    %dma_start3A_32 = arith.constant 0 : i32
    %dma_start3A_33 = tpu.memref_slice %arg9[%dma_start3A_31, %dma_start3A_32] : memref<10000x32xi32, #tpu.memory_space<vmem_shared>> -> memref<10000x32xi32, #tpu.memory_space<vmem_shared>>
    tpu.enqueue_indirect_dma source(%dma_start3A_33 : memref<10000x32xi32, #tpu.memory_space<vmem_shared>>) target(%arg13 : memref<128x32xi32, #tpu.memory_space<vmem>>) offsets(%dma_start3A_30 : memref<128xi32, #tpu.memory_space<vmem>>) semaphore(%arg17 : memref<!tpu.dma_semaphore, #tpu.memory_space<semaphore_mem>>)
    %dma_start3A_34 = arith.constant 1 : i32
    %dma_start3A_35 = arith.constant 0 : i32
    %dma_start3A_36 = tpu.memref_slice %arg6[%dma_start3A_34, %dma_start3A_35] : memref<52x128xi32, #tpu.memory_space<vmem>> -> memref<1x128xi32, #tpu.memory_space<vmem>>
    %dma_start3A_37 = tpu.memref_squeeze %dma_start3A_36 : memref<1x128xi32, #tpu.memory_space<vmem>> -> memref<128xi32, #tpu.memory_space<vmem>>
    %dma_start3A_38 = arith.constant 0 : i32
    %dma_start3A_39 = arith.constant 0 : i32
    %dma_start3A_40 = tpu.memref_slice %arg9[%dma_start3A_38, %dma_start3A_39] : memref<10000x32xi32, #tpu.memory_space<vmem_shared>> -> memref<10000x32xi32, #tpu.memory_space<vmem_shared>>
    tpu.enqueue_indirect_dma source(%dma_start3A_40 : memref<10000x32xi32, #tpu.memory_space<vmem_shared>>) target(%arg12 : memref<128x32xi32, #tpu.memory_space<vmem>>) offsets(%dma_start3A_37 : memref<128xi32, #tpu.memory_space<vmem>>) semaphore(%arg16 : memref<!tpu.dma_semaphore, #tpu.memory_space<semaphore_mem>>)
    %dma_start3A_41 = arith.constant 1 : i32
    %dma_start3A_42 = arith.constant 0 : i32
    %dma_start3A_43 = tpu.memref_slice %arg7[%dma_start3A_41, %dma_start3A_42] : memref<52x128xi32, #tpu.memory_space<vmem>> -> memref<1x128xi32, #tpu.memory_space<vmem>>
    %dma_start3A_44 = tpu.memref_squeeze %dma_start3A_43 : memref<1x128xi32, #tpu.memory_space<vmem>> -> memref<128xi32, #tpu.memory_space<vmem>>
    %dma_start3A_45 = arith.constant 0 : i32
    %dma_start3A_46 = arith.constant 0 : i32
    %dma_start3A_47 = tpu.memref_slice %arg9[%dma_start3A_45, %dma_start3A_46] : memref<10000x32xi32, #tpu.memory_space<vmem_shared>> -> memref<10000x32xi32, #tpu.memory_space<vmem_shared>>
    tpu.enqueue_indirect_dma source(%dma_start3A_47 : memref<10000x32xi32, #tpu.memory_space<vmem_shared>>) target(%arg14 : memref<128x32xi32, #tpu.memory_space<vmem>>) offsets(%dma_start3A_44 : memref<128xi32, #tpu.memory_space<vmem>>) semaphore(%arg18 : memref<!tpu.dma_semaphore, #tpu.memory_space<semaphore_mem>>)
    %scan3A = arith.constant 0 : i32
    %scan3A_48 = arith.constant 0 : i32
    %scan3A_49 = arith.constant 26 : i32
    %scan3A_50 = arith.addi %scan3A_48, %scan3A_49 : i32
    %scan3A_51 = arith.constant 1 : i32
    scf.for %scan3A_53 = %scan3A_48 to %scan3A_50 step %scan3A_51  : i32 {
      %mul3A_54 = arith.constant 2 : i32
      %mul3A_55 = arith.muli %mul3A_54, %scan3A_53 : i32
      %add3A_56 = arith.constant 0 : i32
      %add3A_57 = arith.addi %mul3A_55, %add3A_56 : i32
      %dma_wait3A = arith.constant 0 : i32
      %dma_wait3A_58 = tpu.memref_slice %arg6[%add3A_57, %dma_wait3A] : memref<52x128xi32, #tpu.memory_space<vmem>> -> memref<1x128xi32, #tpu.memory_space<vmem>>
      %dma_wait3A_59 = tpu.memref_squeeze %dma_wait3A_58 : memref<1x128xi32, #tpu.memory_space<vmem>> -> memref<128xi32, #tpu.memory_space<vmem>>
      %dma_wait3A_60 = arith.constant 0 : i32
      %dma_wait3A_61 = arith.constant 0 : i32
      %dma_wait3A_62 = tpu.memref_slice %arg2[%dma_wait3A_60, %dma_wait3A_61] : memref<10000x32xi32, #tpu.memory_space<hbm>> -> memref<10000x32xi32, #tpu.memory_space<hbm>>
      tpu.wait_indirect_dma semaphore(%arg15 : memref<!tpu.dma_semaphore, #tpu.memory_space<semaphore_mem>>) src(%dma_wait3A_62 : memref<10000x32xi32, #tpu.memory_space<hbm>>) dst(%arg11 : memref<128x32xi32, #tpu.memory_space<vmem>>)
      %dma_wait3A_63 = arith.constant 0 : i32
      %dma_wait3A_64 = tpu.memref_slice %arg7[%add3A_57, %dma_wait3A_63] : memref<52x128xi32, #tpu.memory_space<vmem>> -> memref<1x128xi32, #tpu.memory_space<vmem>>
      %dma_wait3A_65 = tpu.memref_squeeze %dma_wait3A_64 : memref<1x128xi32, #tpu.memory_space<vmem>> -> memref<128xi32, #tpu.memory_space<vmem>>
      %dma_wait3A_66 = arith.constant 0 : i32
      %dma_wait3A_67 = arith.constant 0 : i32
      %dma_wait3A_68 = tpu.memref_slice %arg2[%dma_wait3A_66, %dma_wait3A_67] : memref<10000x32xi32, #tpu.memory_space<hbm>> -> memref<10000x32xi32, #tpu.memory_space<hbm>>
      tpu.wait_indirect_dma semaphore(%arg17 : memref<!tpu.dma_semaphore, #tpu.memory_space<semaphore_mem>>) src(%dma_wait3A_68 : memref<10000x32xi32, #tpu.memory_space<hbm>>) dst(%arg13 : memref<128x32xi32, #tpu.memory_space<vmem>>)
      %scan3A_69 = arith.constant 0 : i32
      %scan3A_70 = arith.constant 0 : i32
      %scan3A_71 = arith.constant 8 : i32
      %scan3A_72 = arith.addi %scan3A_70, %scan3A_71 : i32
      %scan3A_73 = arith.constant 1 : i32
      scf.for %scan3A_108 = %scan3A_70 to %scan3A_72 step %scan3A_73  : i32 {
        %iota3A = tpu.iota {dimensions = array<i32: 0>} : vector<16xi32>
        %mul3A_109 = arith.constant 16 : i32
        %mul3A_110 = arith.muli %scan3A_108, %mul3A_109 : i32
        %add3A_111 = vector.broadcast %mul3A_110 : i32 to vector<16xi32>
        %add3A_112 = arith.addi %iota3A, %add3A_111 : vector<16xi32>
        %broadcast_in_dim3A = arith.constant 0.000000e+00 : f32
        %broadcast_in_dim3A_113 = vector.broadcast %broadcast_in_dim3A : f32 to vector<16xf32>
        %broadcast_in_dim3A_114 = arith.constant 0.000000e+00 : f32
        %broadcast_in_dim3A_115 = vector.broadcast %broadcast_in_dim3A_114 : f32 to vector<16xf32>
        %broadcast_in_dim3A_116 = arith.constant -65536 : i32
        %broadcast_in_dim3A_117 = vector.broadcast %broadcast_in_dim3A_116 : i32 to vector<16xi32>
        %broadcast_in_dim3A_118 = arith.constant 0 : i32
        %broadcast_in_dim3A_119 = vector.broadcast %broadcast_in_dim3A_118 : i32 to vector<16xi32>
        %gather3A = tpu.vector_load_idx %arg11[%add3A_112, %broadcast_in_dim3A_119] : memref<128x32xi32, #tpu.memory_space<vmem>>[vector<16xi32>, vector<16xi32>], vector<16xi32>,
        %gather3A_120 = tpu.vector_load_idx %arg13[%add3A_112, %broadcast_in_dim3A_119] : memref<128x32xi32, #tpu.memory_space<vmem>>[vector<16xi32>, vector<16xi32>], vector<16xi32>,
        %shift_left3A = arith.constant 16 : i32
        %shift_left3A_121 = vector.broadcast %shift_left3A : i32 to vector<16xi32>
        %shift_left3A_122 = arith.shli %gather3A, %shift_left3A_121 : vector<16xi32>
        %bitcast_convert_type3A = tpu.bitcast %shift_left3A_122 : vector<16xi32> -> vector<16xf32>
        %shift_left3A_123 = arith.constant 16 : i32
        %shift_left3A_124 = vector.broadcast %shift_left3A_123 : i32 to vector<16xi32>
        %shift_left3A_125 = arith.shli %gather3A_120, %shift_left3A_124 : vector<16xi32>
        %bitcast_convert_type3A_126 = tpu.bitcast %shift_left3A_125 : vector<16xi32> -> vector<16xf32>
        %and3A = arith.andi %gather3A, %broadcast_in_dim3A_117 : vector<16xi32>
        %bitcast_convert_type3A_127 = tpu.bitcast %and3A : vector<16xi32> -> vector<16xf32>
        %and3A_128 = arith.andi %gather3A_120, %broadcast_in_dim3A_117 : vector<16xi32>
        %bitcast_convert_type3A_129 = tpu.bitcast %and3A_128 : vector<16xi32> -> vector<16xf32>
        %mul3A_130 = arith.mulf %bitcast_convert_type3A, %bitcast_convert_type3A_126 : vector<16xf32>
        %add3A_131 = arith.addf %broadcast_in_dim3A_113, %mul3A_130 : vector<16xf32>
        %mul3A_132 = arith.mulf %bitcast_convert_type3A_127, %bitcast_convert_type3A_129 : vector<16xf32>
        %add3A_133 = arith.addf %broadcast_in_dim3A_115, %mul3A_132 : vector<16xf32>
        %broadcast_in_dim3A_134 = arith.constant 1 : i32
        %broadcast_in_dim3A_135 = vector.broadcast %broadcast_in_dim3A_134 : i32 to vector<16xi32>
        %gather3A_136 = tpu.vector_load_idx %arg11[%add3A_112, %broadcast_in_dim3A_135] : memref<128x32xi32, #tpu.memory_space<vmem>>[vector<16xi32>, vector<16xi32>], vector<16xi32>,
        %gather3A_137 = tpu.vector_load_idx %arg13[%add3A_112, %broadcast_in_dim3A_135] : memref<128x32xi32, #tpu.memory_space<vmem>>[vector<16xi32>, vector<16xi32>], vector<16xi32>,
        %shift_left3A_138 = arith.constant 16 : i32
        %shift_left3A_139 = vector.broadcast %shift_left3A_138 : i32 to vector<16xi32>
        %shift_left3A_140 = arith.shli %gather3A_136, %shift_left3A_139 : vector<16xi32>
        %bitcast_convert_type3A_141 = tpu.bitcast %shift_left3A_140 : vector<16xi32> -> vector<16xf32>
        %shift_left3A_142 = arith.constant 16 : i32
        %shift_left3A_143 = vector.broadcast %shift_left3A_142 : i32 to vector<16xi32>
        %shift_left3A_144 = arith.shli %gather3A_137, %shift_left3A_143 : vector<16xi32>
        %bitcast_convert_type3A_145 = tpu.bitcast %shift_left3A_144 : vector<16xi32> -> vector<16xf32>
        %and3A_146 = arith.andi %gather3A_136, %broadcast_in_dim3A_117 : vector<16xi32>
        %bitcast_convert_type3A_147 = tpu.bitcast %and3A_146 : vector<16xi32> -> vector<16xf32>
        %and3A_148 = arith.andi %gather3A_137, %broadcast_in_dim3A_117 : vector<16xi32>
        %bitcast_convert_type3A_149 = tpu.bitcast %and3A_148 : vector<16xi32> -> vector<16xf32>
        %mul3A_150 = arith.mulf %bitcast_convert_type3A_141, %bitcast_convert_type3A_145 : vector<16xf32>
        %add3A_151 = arith.addf %add3A_131, %mul3A_150 : vector<16xf32>
        %mul3A_152 = arith.mulf %bitcast_convert_type3A_147, %bitcast_convert_type3A_149 : vector<16xf32>
        %add3A_153 = arith.addf %add3A_133, %mul3A_152 : vector<16xf32>
        %broadcast_in_dim3A_154 = arith.constant 2 : i32
        %broadcast_in_dim3A_155 = vector.broadcast %broadcast_in_dim3A_154 : i32 to vector<16xi32>
        %gather3A_156 = tpu.vector_load_idx %arg11[%add3A_112, %broadcast_in_dim3A_155] : memref<128x32xi32, #tpu.memory_space<vmem>>[vector<16xi32>, vector<16xi32>], vector<16xi32>,
        %gather3A_157 = tpu.vector_load_idx %arg13[%add3A_112, %broadcast_in_dim3A_155] : memref<128x32xi32, #tpu.memory_space<vmem>>[vector<16xi32>, vector<16xi32>], vector<16xi32>,
        %shift_left3A_158 = arith.constant 16 : i32
        %shift_left3A_159 = vector.broadcast %shift_left3A_158 : i32 to vector<16xi32>
        %shift_left3A_160 = arith.shli %gather3A_156, %shift_left3A_159 : vector<16xi32>
        %bitcast_convert_type3A_161 = tpu.bitcast %shift_left3A_160 : vector<16xi32> -> vector<16xf32>
        %shift_left3A_162 = arith.constant 16 : i32
        %shift_left3A_163 = vector.broadcast %shift_left3A_162 : i32 to vector<16xi32>
        %shift_left3A_164 = arith.shli %gather3A_157, %shift_left3A_163 : vector<16xi32>
        %bitcast_convert_type3A_165 = tpu.bitcast %shift_left3A_164 : vector<16xi32> -> vector<16xf32>
        %and3A_166 = arith.andi %gather3A_156, %broadcast_in_dim3A_117 : vector<16xi32>
        %bitcast_convert_type3A_167 = tpu.bitcast %and3A_166 : vector<16xi32> -> vector<16xf32>
        %and3A_168 = arith.andi %gather3A_157, %broadcast_in_dim3A_117 : vector<16xi32>
        %bitcast_convert_type3A_169 = tpu.bitcast %and3A_168 : vector<16xi32> -> vector<16xf32>
        %mul3A_170 = arith.mulf %bitcast_convert_type3A_161, %bitcast_convert_type3A_165 : vector<16xf32>
        %add3A_171 = arith.addf %add3A_151, %mul3A_170 : vector<16xf32>
        %mul3A_172 = arith.mulf %bitcast_convert_type3A_167, %bitcast_convert_type3A_169 : vector<16xf32>
        %add3A_173 = arith.addf %add3A_153, %mul3A_172 : vector<16xf32>
        %broadcast_in_dim3A_174 = arith.constant 3 : i32
        %broadcast_in_dim3A_175 = vector.broadcast %broadcast_in_dim3A_174 : i32 to vector<16xi32>
        %gather3A_176 = tpu.vector_load_idx %arg11[%add3A_112, %broadcast_in_dim3A_175] : memref<128x32xi32, #tpu.memory_space<vmem>>[vector<16xi32>, vector<16xi32>], vector<16xi32>,
        %gather3A_177 = tpu.vector_load_idx %arg13[%add3A_112, %broadcast_in_dim3A_175] : memref<128x32xi32, #tpu.memory_space<vmem>>[vector<16xi32>, vector<16xi32>], vector<16xi32>,
        %shift_left3A_178 = arith.constant 16 : i32
        %shift_left3A_179 = vector.broadcast %shift_left3A_178 : i32 to vector<16xi32>
        %shift_left3A_180 = arith.shli %gather3A_176, %shift_left3A_179 : vector<16xi32>
        %bitcast_convert_type3A_181 = tpu.bitcast %shift_left3A_180 : vector<16xi32> -> vector<16xf32>
        %shift_left3A_182 = arith.constant 16 : i32
        %shift_left3A_183 = vector.broadcast %shift_left3A_182 : i32 to vector<16xi32>
        %shift_left3A_184 = arith.shli %gather3A_177, %shift_left3A_183 : vector<16xi32>
        %bitcast_convert_type3A_185 = tpu.bitcast %shift_left3A_184 : vector<16xi32> -> vector<16xf32>
        %and3A_186 = arith.andi %gather3A_176, %broadcast_in_dim3A_117 : vector<16xi32>
        %bitcast_convert_type3A_187 = tpu.bitcast %and3A_186 : vector<16xi32> -> vector<16xf32>
        %and3A_188 = arith.andi %gather3A_177, %broadcast_in_dim3A_117 : vector<16xi32>
        %bitcast_convert_type3A_189 = tpu.bitcast %and3A_188 : vector<16xi32> -> vector<16xf32>
        %mul3A_190 = arith.mulf %bitcast_convert_type3A_181, %bitcast_convert_type3A_185 : vector<16xf32>
        %add3A_191 = arith.addf %add3A_171, %mul3A_190 : vector<16xf32>
        %mul3A_192 = arith.mulf %bitcast_convert_type3A_187, %bitcast_convert_type3A_189 : vector<16xf32>
        %add3A_193 = arith.addf %add3A_173, %mul3A_192 : vector<16xf32>
        %broadcast_in_dim3A_194 = arith.constant 4 : i32
        %broadcast_in_dim3A_195 = vector.broadcast %broadcast_in_dim3A_194 : i32 to vector<16xi32>
        %gather3A_196 = tpu.vector_load_idx %arg11[%add3A_112, %broadcast_in_dim3A_195] : memref<128x32xi32, #tpu.memory_space<vmem>>[vector<16xi32>, vector<16xi32>], vector<16xi32>,
        %gather3A_197 = tpu.vector_load_idx %arg13[%add3A_112, %broadcast_in_dim3A_195] : memref<128x32xi32, #tpu.memory_space<vmem>>[vector<16xi32>, vector<16xi32>], vector<16xi32>,
        %shift_left3A_198 = arith.constant 16 : i32
        %shift_left3A_199 = vector.broadcast %shift_left3A_198 : i32 to vector<16xi32>
        %shift_left3A_200 = arith.shli %gather3A_196, %shift_left3A_199 : vector<16xi32>
        %bitcast_convert_type3A_201 = tpu.bitcast %shift_left3A_200 : vector<16xi32> -> vector<16xf32>
        %shift_left3A_202 = arith.constant 16 : i32
        %shift_left3A_203 = vector.broadcast %shift_left3A_202 : i32 to vector<16xi32>
        %shift_left3A_204 = arith.shli %gather3A_197, %shift_left3A_203 : vector<16xi32>
        %bitcast_convert_type3A_205 = tpu.bitcast %shift_left3A_204 : vector<16xi32> -> vector<16xf32>
        %and3A_206 = arith.andi %gather3A_196, %broadcast_in_dim3A_117 : vector<16xi32>
        %bitcast_convert_type3A_207 = tpu.bitcast %and3A_206 : vector<16xi32> -> vector<16xf32>
        %and3A_208 = arith.andi %gather3A_197, %broadcast_in_dim3A_117 : vector<16xi32>
        %bitcast_convert_type3A_209 = tpu.bitcast %and3A_208 : vector<16xi32> -> vector<16xf32>
        %mul3A_210 = arith.mulf %bitcast_convert_type3A_201, %bitcast_convert_type3A_205 : vector<16xf32>
        %add3A_211 = arith.addf %add3A_191, %mul3A_210 : vector<16xf32>
        %mul3A_212 = arith.mulf %bitcast_convert_type3A_207, %bitcast_convert_type3A_209 : vector<16xf32>
        %add3A_213 = arith.addf %add3A_193, %mul3A_212 : vector<16xf32>
        %broadcast_in_dim3A_214 = arith.constant 5 : i32
        %broadcast_in_dim3A_215 = vector.broadcast %broadcast_in_dim3A_214 : i32 to vector<16xi32>
        %gather3A_216 = tpu.vector_load_idx %arg11[%add3A_112, %broadcast_in_dim3A_215] : memref<128x32xi32, #tpu.memory_space<vmem>>[vector<16xi32>, vector<16xi32>], vector<16xi32>,
        %gather3A_217 = tpu.vector_load_idx %arg13[%add3A_112, %broadcast_in_dim3A_215] : memref<128x32xi32, #tpu.memory_space<vmem>>[vector<16xi32>, vector<16xi32>], vector<16xi32>,
        %shift_left3A_218 = arith.constant 16 : i32
        %shift_left3A_219 = vector.broadcast %shift_left3A_218 : i32 to vector<16xi32>
        %shift_left3A_220 = arith.shli %gather3A_216, %shift_left3A_219 : vector<16xi32>
        %bitcast_convert_type3A_221 = tpu.bitcast %shift_left3A_220 : vector<16xi32> -> vector<16xf32>
        %shift_left3A_222 = arith.constant 16 : i32
        %shift_left3A_223 = vector.broadcast %shift_left3A_222 : i32 to vector<16xi32>
        %shift_left3A_224 = arith.shli %gather3A_217, %shift_left3A_223 : vector<16xi32>
        %bitcast_convert_type3A_225 = tpu.bitcast %shift_left3A_224 : vector<16xi32> -> vector<16xf32>
        %and3A_226 = arith.andi %gather3A_216, %broadcast_in_dim3A_117 : vector<16xi32>
        %bitcast_convert_type3A_227 = tpu.bitcast %and3A_226 : vector<16xi32> -> vector<16xf32>
        %and3A_228 = arith.andi %gather3A_217, %broadcast_in_dim3A_117 : vector<16xi32>
        %bitcast_convert_type3A_229 = tpu.bitcast %and3A_228 : vector<16xi32> -> vector<16xf32>
        %mul3A_230 = arith.mulf %bitcast_convert_type3A_221, %bitcast_convert_type3A_225 : vector<16xf32>
        %add3A_231 = arith.addf %add3A_211, %mul3A_230 : vector<16xf32>
        %mul3A_232 = arith.mulf %bitcast_convert_type3A_227, %bitcast_convert_type3A_229 : vector<16xf32>
        %add3A_233 = arith.addf %add3A_213, %mul3A_232 : vector<16xf32>
        %broadcast_in_dim3A_234 = arith.constant 6 : i32
        %broadcast_in_dim3A_235 = vector.broadcast %broadcast_in_dim3A_234 : i32 to vector<16xi32>
        %gather3A_236 = tpu.vector_load_idx %arg11[%add3A_112, %broadcast_in_dim3A_235] : memref<128x32xi32, #tpu.memory_space<vmem>>[vector<16xi32>, vector<16xi32>], vector<16xi32>,
        %gather3A_237 = tpu.vector_load_idx %arg13[%add3A_112, %broadcast_in_dim3A_235] : memref<128x32xi32, #tpu.memory_space<vmem>>[vector<16xi32>, vector<16xi32>], vector<16xi32>,
        %shift_left3A_238 = arith.constant 16 : i32
        %shift_left3A_239 = vector.broadcast %shift_left3A_238 : i32 to vector<16xi32>
        %shift_left3A_240 = arith.shli %gather3A_236, %shift_left3A_239 : vector<16xi32>
        %bitcast_convert_type3A_241 = tpu.bitcast %shift_left3A_240 : vector<16xi32> -> vector<16xf32>
        %shift_left3A_242 = arith.constant 16 : i32
        %shift_left3A_243 = vector.broadcast %shift_left3A_242 : i32 to vector<16xi32>
        %shift_left3A_244 = arith.shli %gather3A_237, %shift_left3A_243 : vector<16xi32>
        %bitcast_convert_type3A_245 = tpu.bitcast %shift_left3A_244 : vector<16xi32> -> vector<16xf32>
        %and3A_246 = arith.andi %gather3A_236, %broadcast_in_dim3A_117 : vector<16xi32>
        %bitcast_convert_type3A_247 = tpu.bitcast %and3A_246 : vector<16xi32> -> vector<16xf32>
        %and3A_248 = arith.andi %gather3A_237, %broadcast_in_dim3A_117 : vector<16xi32>
        %bitcast_convert_type3A_249 = tpu.bitcast %and3A_248 : vector<16xi32> -> vector<16xf32>
        %mul3A_250 = arith.mulf %bitcast_convert_type3A_241, %bitcast_convert_type3A_245 : vector<16xf32>
        %add3A_251 = arith.addf %add3A_231, %mul3A_250 : vector<16xf32>
        %mul3A_252 = arith.mulf %bitcast_convert_type3A_247, %bitcast_convert_type3A_249 : vector<16xf32>
        %add3A_253 = arith.addf %add3A_233, %mul3A_252 : vector<16xf32>
        %broadcast_in_dim3A_254 = arith.constant 7 : i32
        %broadcast_in_dim3A_255 = vector.broadcast %broadcast_in_dim3A_254 : i32 to vector<16xi32>
        %gather3A_256 = tpu.vector_load_idx %arg11[%add3A_112, %broadcast_in_dim3A_255] : memref<128x32xi32, #tpu.memory_space<vmem>>[vector<16xi32>, vector<16xi32>], vector<16xi32>,
        %gather3A_257 = tpu.vector_load_idx %arg13[%add3A_112, %broadcast_in_dim3A_255] : memref<128x32xi32, #tpu.memory_space<vmem>>[vector<16xi32>, vector<16xi32>], vector<16xi32>,
        %shift_left3A_258 = arith.constant 16 : i32
        %shift_left3A_259 = vector.broadcast %shift_left3A_258 : i32 to vector<16xi32>
        %shift_left3A_260 = arith.shli %gather3A_256, %shift_left3A_259 : vector<16xi32>
        %bitcast_convert_type3A_261 = tpu.bitcast %shift_left3A_260 : vector<16xi32> -> vector<16xf32>
        %shift_left3A_262 = arith.constant 16 : i32
        %shift_left3A_263 = vector.broadcast %shift_left3A_262 : i32 to vector<16xi32>
        %shift_left3A_264 = arith.shli %gather3A_257, %shift_left3A_263 : vector<16xi32>
        %bitcast_convert_type3A_265 = tpu.bitcast %shift_left3A_264 : vector<16xi32> -> vector<16xf32>
        %and3A_266 = arith.andi %gather3A_256, %broadcast_in_dim3A_117 : vector<16xi32>
        %bitcast_convert_type3A_267 = tpu.bitcast %and3A_266 : vector<16xi32> -> vector<16xf32>
        %and3A_268 = arith.andi %gather3A_257, %broadcast_in_dim3A_117 : vector<16xi32>
        %bitcast_convert_type3A_269 = tpu.bitcast %and3A_268 : vector<16xi32> -> vector<16xf32>
        %mul3A_270 = arith.mulf %bitcast_convert_type3A_261, %bitcast_convert_type3A_265 : vector<16xf32>
        %add3A_271 = arith.addf %add3A_251, %mul3A_270 : vector<16xf32>
        %mul3A_272 = arith.mulf %bitcast_convert_type3A_267, %bitcast_convert_type3A_269 : vector<16xf32>
        %add3A_273 = arith.addf %add3A_253, %mul3A_272 : vector<16xf32>
        %broadcast_in_dim3A_274 = arith.constant 8 : i32
        %broadcast_in_dim3A_275 = vector.broadcast %broadcast_in_dim3A_274 : i32 to vector<16xi32>
        %gather3A_276 = tpu.vector_load_idx %arg11[%add3A_112, %broadcast_in_dim3A_275] : memref<128x32xi32, #tpu.memory_space<vmem>>[vector<16xi32>, vector<16xi32>], vector<16xi32>,
        %gather3A_277 = tpu.vector_load_idx %arg13[%add3A_112, %broadcast_in_dim3A_275] : memref<128x32xi32, #tpu.memory_space<vmem>>[vector<16xi32>, vector<16xi32>], vector<16xi32>,
        %shift_left3A_278 = arith.constant 16 : i32
        %shift_left3A_279 = vector.broadcast %shift_left3A_278 : i32 to vector<16xi32>
        %shift_left3A_280 = arith.shli %gather3A_276, %shift_left3A_279 : vector<16xi32>
        %bitcast_convert_type3A_281 = tpu.bitcast %shift_left3A_280 : vector<16xi32> -> vector<16xf32>
        %shift_left3A_282 = arith.constant 16 : i32
        %shift_left3A_283 = vector.broadcast %shift_left3A_282 : i32 to vector<16xi32>
        %shift_left3A_284 = arith.shli %gather3A_277, %shift_left3A_283 : vector<16xi32>
        %bitcast_convert_type3A_285 = tpu.bitcast %shift_left3A_284 : vector<16xi32> -> vector<16xf32>
        %and3A_286 = arith.andi %gather3A_276, %broadcast_in_dim3A_117 : vector<16xi32>
        %bitcast_convert_type3A_287 = tpu.bitcast %and3A_286 : vector<16xi32> -> vector<16xf32>
        %and3A_288 = arith.andi %gather3A_277, %broadcast_in_dim3A_117 : vector<16xi32>
        %bitcast_convert_type3A_289 = tpu.bitcast %and3A_288 : vector<16xi32> -> vector<16xf32>
        %mul3A_290 = arith.mulf %bitcast_convert_type3A_281, %bitcast_convert_type3A_285 : vector<16xf32>
        %add3A_291 = arith.addf %add3A_271, %mul3A_290 : vector<16xf32>
        %mul3A_292 = arith.mulf %bitcast_convert_type3A_287, %bitcast_convert_type3A_289 : vector<16xf32>
        %add3A_293 = arith.addf %add3A_273, %mul3A_292 : vector<16xf32>
        %broadcast_in_dim3A_294 = arith.constant 9 : i32
        %broadcast_in_dim3A_295 = vector.broadcast %broadcast_in_dim3A_294 : i32 to vector<16xi32>
        %gather3A_296 = tpu.vector_load_idx %arg11[%add3A_112, %broadcast_in_dim3A_295] : memref<128x32xi32, #tpu.memory_space<vmem>>[vector<16xi32>, vector<16xi32>], vector<16xi32>,
        %gather3A_297 = tpu.vector_load_idx %arg13[%add3A_112, %broadcast_in_dim3A_295] : memref<128x32xi32, #tpu.memory_space<vmem>>[vector<16xi32>, vector<16xi32>], vector<16xi32>,
        %shift_left3A_298 = arith.constant 16 : i32
        %shift_left3A_299 = vector.broadcast %shift_left3A_298 : i32 to vector<16xi32>
        %shift_left3A_300 = arith.shli %gather3A_296, %shift_left3A_299 : vector<16xi32>
        %bitcast_convert_type3A_301 = tpu.bitcast %shift_left3A_300 : vector<16xi32> -> vector<16xf32>
        %shift_left3A_302 = arith.constant 16 : i32
        %shift_left3A_303 = vector.broadcast %shift_left3A_302 : i32 to vector<16xi32>
        %shift_left3A_304 = arith.shli %gather3A_297, %shift_left3A_303 : vector<16xi32>
        %bitcast_convert_type3A_305 = tpu.bitcast %shift_left3A_304 : vector<16xi32> -> vector<16xf32>
        %and3A_306 = arith.andi %gather3A_296, %broadcast_in_dim3A_117 : vector<16xi32>
        %bitcast_convert_type3A_307 = tpu.bitcast %and3A_306 : vector<16xi32> -> vector<16xf32>
        %and3A_308 = arith.andi %gather3A_297, %broadcast_in_dim3A_117 : vector<16xi32>
        %bitcast_convert_type3A_309 = tpu.bitcast %and3A_308 : vector<16xi32> -> vector<16xf32>
        %mul3A_310 = arith.mulf %bitcast_convert_type3A_301, %bitcast_convert_type3A_305 : vector<16xf32>
        %add3A_311 = arith.addf %add3A_291, %mul3A_310 : vector<16xf32>
        %mul3A_312 = arith.mulf %bitcast_convert_type3A_307, %bitcast_convert_type3A_309 : vector<16xf32>
        %add3A_313 = arith.addf %add3A_293, %mul3A_312 : vector<16xf32>
        %broadcast_in_dim3A_314 = arith.constant 10 : i32
        %broadcast_in_dim3A_315 = vector.broadcast %broadcast_in_dim3A_314 : i32 to vector<16xi32>
        %gather3A_316 = tpu.vector_load_idx %arg11[%add3A_112, %broadcast_in_dim3A_315] : memref<128x32xi32, #tpu.memory_space<vmem>>[vector<16xi32>, vector<16xi32>], vector<16xi32>,
        %gather3A_317 = tpu.vector_load_idx %arg13[%add3A_112, %broadcast_in_dim3A_315] : memref<128x32xi32, #tpu.memory_space<vmem>>[vector<16xi32>, vector<16xi32>], vector<16xi32>,
        %shift_left3A_318 = arith.constant 16 : i32
        %shift_left3A_319 = vector.broadcast %shift_left3A_318 : i32 to vector<16xi32>
        %shift_left3A_320 = arith.shli %gather3A_316, %shift_left3A_319 : vector<16xi32>
        %bitcast_convert_type3A_321 = tpu.bitcast %shift_left3A_320 : vector<16xi32> -> vector<16xf32>
        %shift_left3A_322 = arith.constant 16 : i32
        %shift_left3A_323 = vector.broadcast %shift_left3A_322 : i32 to vector<16xi32>
        %shift_left3A_324 = arith.shli %gather3A_317, %shift_left3A_323 : vector<16xi32>
        %bitcast_convert_type3A_325 = tpu.bitcast %shift_left3A_324 : vector<16xi32> -> vector<16xf32>
        %and3A_326 = arith.andi %gather3A_316, %broadcast_in_dim3A_117 : vector<16xi32>
        %bitcast_convert_type3A_327 = tpu.bitcast %and3A_326 : vector<16xi32> -> vector<16xf32>
        %and3A_328 = arith.andi %gather3A_317, %broadcast_in_dim3A_117 : vector<16xi32>
        %bitcast_convert_type3A_329 = tpu.bitcast %and3A_328 : vector<16xi32> -> vector<16xf32>
        %mul3A_330 = arith.mulf %bitcast_convert_type3A_321, %bitcast_convert_type3A_325 : vector<16xf32>
        %add3A_331 = arith.addf %add3A_311, %mul3A_330 : vector<16xf32>
        %mul3A_332 = arith.mulf %bitcast_convert_type3A_327, %bitcast_convert_type3A_329 : vector<16xf32>
        %add3A_333 = arith.addf %add3A_313, %mul3A_332 : vector<16xf32>
        %broadcast_in_dim3A_334 = arith.constant 11 : i32
        %broadcast_in_dim3A_335 = vector.broadcast %broadcast_in_dim3A_334 : i32 to vector<16xi32>
        %gather3A_336 = tpu.vector_load_idx %arg11[%add3A_112, %broadcast_in_dim3A_335] : memref<128x32xi32, #tpu.memory_space<vmem>>[vector<16xi32>, vector<16xi32>], vector<16xi32>,
        %gather3A_337 = tpu.vector_load_idx %arg13[%add3A_112, %broadcast_in_dim3A_335] : memref<128x32xi32, #tpu.memory_space<vmem>>[vector<16xi32>, vector<16xi32>], vector<16xi32>,
        %shift_left3A_338 = arith.constant 16 : i32
        %shift_left3A_339 = vector.broadcast %shift_left3A_338 : i32 to vector<16xi32>
        %shift_left3A_340 = arith.shli %gather3A_336, %shift_left3A_339 : vector<16xi32>
        %bitcast_convert_type3A_341 = tpu.bitcast %shift_left3A_340 : vector<16xi32> -> vector<16xf32>
        %shift_left3A_342 = arith.constant 16 : i32
        %shift_left3A_343 = vector.broadcast %shift_left3A_342 : i32 to vector<16xi32>
        %shift_left3A_344 = arith.shli %gather3A_337, %shift_left3A_343 : vector<16xi32>
        %bitcast_convert_type3A_345 = tpu.bitcast %shift_left3A_344 : vector<16xi32> -> vector<16xf32>
        %and3A_346 = arith.andi %gather3A_336, %broadcast_in_dim3A_117 : vector<16xi32>
        %bitcast_convert_type3A_347 = tpu.bitcast %and3A_346 : vector<16xi32> -> vector<16xf32>
        %and3A_348 = arith.andi %gather3A_337, %broadcast_in_dim3A_117 : vector<16xi32>
        %bitcast_convert_type3A_349 = tpu.bitcast %and3A_348 : vector<16xi32> -> vector<16xf32>
        %mul3A_350 = arith.mulf %bitcast_convert_type3A_341, %bitcast_convert_type3A_345 : vector<16xf32>
        %add3A_351 = arith.addf %add3A_331, %mul3A_350 : vector<16xf32>
        %mul3A_352 = arith.mulf %bitcast_convert_type3A_347, %bitcast_convert_type3A_349 : vector<16xf32>
        %add3A_353 = arith.addf %add3A_333, %mul3A_352 : vector<16xf32>
        %broadcast_in_dim3A_354 = arith.constant 12 : i32
        %broadcast_in_dim3A_355 = vector.broadcast %broadcast_in_dim3A_354 : i32 to vector<16xi32>
        %gather3A_356 = tpu.vector_load_idx %arg11[%add3A_112, %broadcast_in_dim3A_355] : memref<128x32xi32, #tpu.memory_space<vmem>>[vector<16xi32>, vector<16xi32>], vector<16xi32>,
        %gather3A_357 = tpu.vector_load_idx %arg13[%add3A_112, %broadcast_in_dim3A_355] : memref<128x32xi32, #tpu.memory_space<vmem>>[vector<16xi32>, vector<16xi32>], vector<16xi32>,
        %shift_left3A_358 = arith.constant 16 : i32
        %shift_left3A_359 = vector.broadcast %shift_left3A_358 : i32 to vector<16xi32>
        %shift_left3A_360 = arith.shli %gather3A_356, %shift_left3A_359 : vector<16xi32>
        %bitcast_convert_type3A_361 = tpu.bitcast %shift_left3A_360 : vector<16xi32> -> vector<16xf32>
        %shift_left3A_362 = arith.constant 16 : i32
        %shift_left3A_363 = vector.broadcast %shift_left3A_362 : i32 to vector<16xi32>
        %shift_left3A_364 = arith.shli %gather3A_357, %shift_left3A_363 : vector<16xi32>
        %bitcast_convert_type3A_365 = tpu.bitcast %shift_left3A_364 : vector<16xi32> -> vector<16xf32>
        %and3A_366 = arith.andi %gather3A_356, %broadcast_in_dim3A_117 : vector<16xi32>
        %bitcast_convert_type3A_367 = tpu.bitcast %and3A_366 : vector<16xi32> -> vector<16xf32>
        %and3A_368 = arith.andi %gather3A_357, %broadcast_in_dim3A_117 : vector<16xi32>
        %bitcast_convert_type3A_369 = tpu.bitcast %and3A_368 : vector<16xi32> -> vector<16xf32>
        %mul3A_370 = arith.mulf %bitcast_convert_type3A_361, %bitcast_convert_type3A_365 : vector<16xf32>
        %add3A_371 = arith.addf %add3A_351, %mul3A_370 : vector<16xf32>
        %mul3A_372 = arith.mulf %bitcast_convert_type3A_367, %bitcast_convert_type3A_369 : vector<16xf32>
        %add3A_373 = arith.addf %add3A_353, %mul3A_372 : vector<16xf32>
        %broadcast_in_dim3A_374 = arith.constant 13 : i32
        %broadcast_in_dim3A_375 = vector.broadcast %broadcast_in_dim3A_374 : i32 to vector<16xi32>
        %gather3A_376 = tpu.vector_load_idx %arg11[%add3A_112, %broadcast_in_dim3A_375] : memref<128x32xi32, #tpu.memory_space<vmem>>[vector<16xi32>, vector<16xi32>], vector<16xi32>,
        %gather3A_377 = tpu.vector_load_idx %arg13[%add3A_112, %broadcast_in_dim3A_375] : memref<128x32xi32, #tpu.memory_space<vmem>>[vector<16xi32>, vector<16xi32>], vector<16xi32>,
        %shift_left3A_378 = arith.constant 16 : i32
        %shift_left3A_379 = vector.broadcast %shift_left3A_378 : i32 to vector<16xi32>
        %shift_left3A_380 = arith.shli %gather3A_376, %shift_left3A_379 : vector<16xi32>
        %bitcast_convert_type3A_381 = tpu.bitcast %shift_left3A_380 : vector<16xi32> -> vector<16xf32>
        %shift_left3A_382 = arith.constant 16 : i32
        %shift_left3A_383 = vector.broadcast %shift_left3A_382 : i32 to vector<16xi32>
        %shift_left3A_384 = arith.shli %gather3A_377, %shift_left3A_383 : vector<16xi32>
        %bitcast_convert_type3A_385 = tpu.bitcast %shift_left3A_384 : vector<16xi32> -> vector<16xf32>
        %and3A_386 = arith.andi %gather3A_376, %broadcast_in_dim3A_117 : vector<16xi32>
        %bitcast_convert_type3A_387 = tpu.bitcast %and3A_386 : vector<16xi32> -> vector<16xf32>
        %and3A_388 = arith.andi %gather3A_377, %broadcast_in_dim3A_117 : vector<16xi32>
        %bitcast_convert_type3A_389 = tpu.bitcast %and3A_388 : vector<16xi32> -> vector<16xf32>
        %mul3A_390 = arith.mulf %bitcast_convert_type3A_381, %bitcast_convert_type3A_385 : vector<16xf32>
        %add3A_391 = arith.addf %add3A_371, %mul3A_390 : vector<16xf32>
        %mul3A_392 = arith.mulf %bitcast_convert_type3A_387, %bitcast_convert_type3A_389 : vector<16xf32>
        %add3A_393 = arith.addf %add3A_373, %mul3A_392 : vector<16xf32>
        %broadcast_in_dim3A_394 = arith.constant 14 : i32
        %broadcast_in_dim3A_395 = vector.broadcast %broadcast_in_dim3A_394 : i32 to vector<16xi32>
        %gather3A_396 = tpu.vector_load_idx %arg11[%add3A_112, %broadcast_in_dim3A_395] : memref<128x32xi32, #tpu.memory_space<vmem>>[vector<16xi32>, vector<16xi32>], vector<16xi32>,
        %gather3A_397 = tpu.vector_load_idx %arg13[%add3A_112, %broadcast_in_dim3A_395] : memref<128x32xi32, #tpu.memory_space<vmem>>[vector<16xi32>, vector<16xi32>], vector<16xi32>,
        %shift_left3A_398 = arith.constant 16 : i32
        %shift_left3A_399 = vector.broadcast %shift_left3A_398 : i32 to vector<16xi32>
        %shift_left3A_400 = arith.shli %gather3A_396, %shift_left3A_399 : vector<16xi32>
        %bitcast_convert_type3A_401 = tpu.bitcast %shift_left3A_400 : vector<16xi32> -> vector<16xf32>
        %shift_left3A_402 = arith.constant 16 : i32
        %shift_left3A_403 = vector.broadcast %shift_left3A_402 : i32 to vector<16xi32>
        %shift_left3A_404 = arith.shli %gather3A_397, %shift_left3A_403 : vector<16xi32>
        %bitcast_convert_type3A_405 = tpu.bitcast %shift_left3A_404 : vector<16xi32> -> vector<16xf32>
        %and3A_406 = arith.andi %gather3A_396, %broadcast_in_dim3A_117 : vector<16xi32>
        %bitcast_convert_type3A_407 = tpu.bitcast %and3A_406 : vector<16xi32> -> vector<16xf32>
        %and3A_408 = arith.andi %gather3A_397, %broadcast_in_dim3A_117 : vector<16xi32>
        %bitcast_convert_type3A_409 = tpu.bitcast %and3A_408 : vector<16xi32> -> vector<16xf32>
        %mul3A_410 = arith.mulf %bitcast_convert_type3A_401, %bitcast_convert_type3A_405 : vector<16xf32>
        %add3A_411 = arith.addf %add3A_391, %mul3A_410 : vector<16xf32>
        %mul3A_412 = arith.mulf %bitcast_convert_type3A_407, %bitcast_convert_type3A_409 : vector<16xf32>
        %add3A_413 = arith.addf %add3A_393, %mul3A_412 : vector<16xf32>
        %broadcast_in_dim3A_414 = arith.constant 15 : i32
        %broadcast_in_dim3A_415 = vector.broadcast %broadcast_in_dim3A_414 : i32 to vector<16xi32>
        %gather3A_416 = tpu.vector_load_idx %arg11[%add3A_112, %broadcast_in_dim3A_415] : memref<128x32xi32, #tpu.memory_space<vmem>>[vector<16xi32>, vector<16xi32>], vector<16xi32>,
        %gather3A_417 = tpu.vector_load_idx %arg13[%add3A_112, %broadcast_in_dim3A_415] : memref<128x32xi32, #tpu.memory_space<vmem>>[vector<16xi32>, vector<16xi32>], vector<16xi32>,
        %shift_left3A_418 = arith.constant 16 : i32
        %shift_left3A_419 = vector.broadcast %shift_left3A_418 : i32 to vector<16xi32>
        %shift_left3A_420 = arith.shli %gather3A_416, %shift_left3A_419 : vector<16xi32>
        %bitcast_convert_type3A_421 = tpu.bitcast %shift_left3A_420 : vector<16xi32> -> vector<16xf32>
        %shift_left3A_422 = arith.constant 16 : i32
        %shift_left3A_423 = vector.broadcast %shift_left3A_422 : i32 to vector<16xi32>
        %shift_left3A_424 = arith.shli %gather3A_417, %shift_left3A_423 : vector<16xi32>
        %bitcast_convert_type3A_425 = tpu.bitcast %shift_left3A_424 : vector<16xi32> -> vector<16xf32>
        %and3A_426 = arith.andi %gather3A_416, %broadcast_in_dim3A_117 : vector<16xi32>
        %bitcast_convert_type3A_427 = tpu.bitcast %and3A_426 : vector<16xi32> -> vector<16xf32>
        %and3A_428 = arith.andi %gather3A_417, %broadcast_in_dim3A_117 : vector<16xi32>
        %bitcast_convert_type3A_429 = tpu.bitcast %and3A_428 : vector<16xi32> -> vector<16xf32>
        %mul3A_430 = arith.mulf %bitcast_convert_type3A_421, %bitcast_convert_type3A_425 : vector<16xf32>
        %add3A_431 = arith.addf %add3A_411, %mul3A_430 : vector<16xf32>
        %mul3A_432 = arith.mulf %bitcast_convert_type3A_427, %bitcast_convert_type3A_429 : vector<16xf32>
        %add3A_433 = arith.addf %add3A_413, %mul3A_432 : vector<16xf32>
        %broadcast_in_dim3A_434 = arith.constant 16 : i32
        %broadcast_in_dim3A_435 = vector.broadcast %broadcast_in_dim3A_434 : i32 to vector<16xi32>
        %gather3A_436 = tpu.vector_load_idx %arg11[%add3A_112, %broadcast_in_dim3A_435] : memref<128x32xi32, #tpu.memory_space<vmem>>[vector<16xi32>, vector<16xi32>], vector<16xi32>,
        %gather3A_437 = tpu.vector_load_idx %arg13[%add3A_112, %broadcast_in_dim3A_435] : memref<128x32xi32, #tpu.memory_space<vmem>>[vector<16xi32>, vector<16xi32>], vector<16xi32>,
        %shift_left3A_438 = arith.constant 16 : i32
        %shift_left3A_439 = vector.broadcast %shift_left3A_438 : i32 to vector<16xi32>
        %shift_left3A_440 = arith.shli %gather3A_436, %shift_left3A_439 : vector<16xi32>
        %bitcast_convert_type3A_441 = tpu.bitcast %shift_left3A_440 : vector<16xi32> -> vector<16xf32>
        %shift_left3A_442 = arith.constant 16 : i32
        %shift_left3A_443 = vector.broadcast %shift_left3A_442 : i32 to vector<16xi32>
        %shift_left3A_444 = arith.shli %gather3A_437, %shift_left3A_443 : vector<16xi32>
        %bitcast_convert_type3A_445 = tpu.bitcast %shift_left3A_444 : vector<16xi32> -> vector<16xf32>
        %and3A_446 = arith.andi %gather3A_436, %broadcast_in_dim3A_117 : vector<16xi32>
        %bitcast_convert_type3A_447 = tpu.bitcast %and3A_446 : vector<16xi32> -> vector<16xf32>
        %and3A_448 = arith.andi %gather3A_437, %broadcast_in_dim3A_117 : vector<16xi32>
        %bitcast_convert_type3A_449 = tpu.bitcast %and3A_448 : vector<16xi32> -> vector<16xf32>
        %mul3A_450 = arith.mulf %bitcast_convert_type3A_441, %bitcast_convert_type3A_445 : vector<16xf32>
        %add3A_451 = arith.addf %add3A_431, %mul3A_450 : vector<16xf32>
        %mul3A_452 = arith.mulf %bitcast_convert_type3A_447, %bitcast_convert_type3A_449 : vector<16xf32>
        %add3A_453 = arith.addf %add3A_433, %mul3A_452 : vector<16xf32>
        %broadcast_in_dim3A_454 = arith.constant 17 : i32
        %broadcast_in_dim3A_455 = vector.broadcast %broadcast_in_dim3A_454 : i32 to vector<16xi32>
        %gather3A_456 = tpu.vector_load_idx %arg11[%add3A_112, %broadcast_in_dim3A_455] : memref<128x32xi32, #tpu.memory_space<vmem>>[vector<16xi32>, vector<16xi32>], vector<16xi32>,
        %gather3A_457 = tpu.vector_load_idx %arg13[%add3A_112, %broadcast_in_dim3A_455] : memref<128x32xi32, #tpu.memory_space<vmem>>[vector<16xi32>, vector<16xi32>], vector<16xi32>,
        %shift_left3A_458 = arith.constant 16 : i32
        %shift_left3A_459 = vector.broadcast %shift_left3A_458 : i32 to vector<16xi32>
        %shift_left3A_460 = arith.shli %gather3A_456, %shift_left3A_459 : vector<16xi32>
        %bitcast_convert_type3A_461 = tpu.bitcast %shift_left3A_460 : vector<16xi32> -> vector<16xf32>
        %shift_left3A_462 = arith.constant 16 : i32
        %shift_left3A_463 = vector.broadcast %shift_left3A_462 : i32 to vector<16xi32>
        %shift_left3A_464 = arith.shli %gather3A_457, %shift_left3A_463 : vector<16xi32>
        %bitcast_convert_type3A_465 = tpu.bitcast %shift_left3A_464 : vector<16xi32> -> vector<16xf32>
        %and3A_466 = arith.andi %gather3A_456, %broadcast_in_dim3A_117 : vector<16xi32>
        %bitcast_convert_type3A_467 = tpu.bitcast %and3A_466 : vector<16xi32> -> vector<16xf32>
        %and3A_468 = arith.andi %gather3A_457, %broadcast_in_dim3A_117 : vector<16xi32>
        %bitcast_convert_type3A_469 = tpu.bitcast %and3A_468 : vector<16xi32> -> vector<16xf32>
        %mul3A_470 = arith.mulf %bitcast_convert_type3A_461, %bitcast_convert_type3A_465 : vector<16xf32>
        %add3A_471 = arith.addf %add3A_451, %mul3A_470 : vector<16xf32>
        %mul3A_472 = arith.mulf %bitcast_convert_type3A_467, %bitcast_convert_type3A_469 : vector<16xf32>
        %add3A_473 = arith.addf %add3A_453, %mul3A_472 : vector<16xf32>
        %broadcast_in_dim3A_474 = arith.constant 18 : i32
        %broadcast_in_dim3A_475 = vector.broadcast %broadcast_in_dim3A_474 : i32 to vector<16xi32>
        %gather3A_476 = tpu.vector_load_idx %arg11[%add3A_112, %broadcast_in_dim3A_475] : memref<128x32xi32, #tpu.memory_space<vmem>>[vector<16xi32>, vector<16xi32>], vector<16xi32>,
        %gather3A_477 = tpu.vector_load_idx %arg13[%add3A_112, %broadcast_in_dim3A_475] : memref<128x32xi32, #tpu.memory_space<vmem>>[vector<16xi32>, vector<16xi32>], vector<16xi32>,
        %shift_left3A_478 = arith.constant 16 : i32
        %shift_left3A_479 = vector.broadcast %shift_left3A_478 : i32 to vector<16xi32>
        %shift_left3A_480 = arith.shli %gather3A_476, %shift_left3A_479 : vector<16xi32>
        %bitcast_convert_type3A_481 = tpu.bitcast %shift_left3A_480 : vector<16xi32> -> vector<16xf32>
        %shift_left3A_482 = arith.constant 16 : i32
        %shift_left3A_483 = vector.broadcast %shift_left3A_482 : i32 to vector<16xi32>
        %shift_left3A_484 = arith.shli %gather3A_477, %shift_left3A_483 : vector<16xi32>
        %bitcast_convert_type3A_485 = tpu.bitcast %shift_left3A_484 : vector<16xi32> -> vector<16xf32>
        %and3A_486 = arith.andi %gather3A_476, %broadcast_in_dim3A_117 : vector<16xi32>
        %bitcast_convert_type3A_487 = tpu.bitcast %and3A_486 : vector<16xi32> -> vector<16xf32>
        %and3A_488 = arith.andi %gather3A_477, %broadcast_in_dim3A_117 : vector<16xi32>
        %bitcast_convert_type3A_489 = tpu.bitcast %and3A_488 : vector<16xi32> -> vector<16xf32>
        %mul3A_490 = arith.mulf %bitcast_convert_type3A_481, %bitcast_convert_type3A_485 : vector<16xf32>
        %add3A_491 = arith.addf %add3A_471, %mul3A_490 : vector<16xf32>
        %mul3A_492 = arith.mulf %bitcast_convert_type3A_487, %bitcast_convert_type3A_489 : vector<16xf32>
        %add3A_493 = arith.addf %add3A_473, %mul3A_492 : vector<16xf32>
        %broadcast_in_dim3A_494 = arith.constant 19 : i32
        %broadcast_in_dim3A_495 = vector.broadcast %broadcast_in_dim3A_494 : i32 to vector<16xi32>
        %gather3A_496 = tpu.vector_load_idx %arg11[%add3A_112, %broadcast_in_dim3A_495] : memref<128x32xi32, #tpu.memory_space<vmem>>[vector<16xi32>, vector<16xi32>], vector<16xi32>,
        %gather3A_497 = tpu.vector_load_idx %arg13[%add3A_112, %broadcast_in_dim3A_495] : memref<128x32xi32, #tpu.memory_space<vmem>>[vector<16xi32>, vector<16xi32>], vector<16xi32>,
        %shift_left3A_498 = arith.constant 16 : i32
        %shift_left3A_499 = vector.broadcast %shift_left3A_498 : i32 to vector<16xi32>
        %shift_left3A_500 = arith.shli %gather3A_496, %shift_left3A_499 : vector<16xi32>
        %bitcast_convert_type3A_501 = tpu.bitcast %shift_left3A_500 : vector<16xi32> -> vector<16xf32>
        %shift_left3A_502 = arith.constant 16 : i32
        %shift_left3A_503 = vector.broadcast %shift_left3A_502 : i32 to vector<16xi32>
        %shift_left3A_504 = arith.shli %gather3A_497, %shift_left3A_503 : vector<16xi32>
        %bitcast_convert_type3A_505 = tpu.bitcast %shift_left3A_504 : vector<16xi32> -> vector<16xf32>
        %and3A_506 = arith.andi %gather3A_496, %broadcast_in_dim3A_117 : vector<16xi32>
        %bitcast_convert_type3A_507 = tpu.bitcast %and3A_506 : vector<16xi32> -> vector<16xf32>
        %and3A_508 = arith.andi %gather3A_497, %broadcast_in_dim3A_117 : vector<16xi32>
        %bitcast_convert_type3A_509 = tpu.bitcast %and3A_508 : vector<16xi32> -> vector<16xf32>
        %mul3A_510 = arith.mulf %bitcast_convert_type3A_501, %bitcast_convert_type3A_505 : vector<16xf32>
        %add3A_511 = arith.addf %add3A_491, %mul3A_510 : vector<16xf32>
        %mul3A_512 = arith.mulf %bitcast_convert_type3A_507, %bitcast_convert_type3A_509 : vector<16xf32>
        %add3A_513 = arith.addf %add3A_493, %mul3A_512 : vector<16xf32>
        %broadcast_in_dim3A_514 = arith.constant 20 : i32
        %broadcast_in_dim3A_515 = vector.broadcast %broadcast_in_dim3A_514 : i32 to vector<16xi32>
        %gather3A_516 = tpu.vector_load_idx %arg11[%add3A_112, %broadcast_in_dim3A_515] : memref<128x32xi32, #tpu.memory_space<vmem>>[vector<16xi32>, vector<16xi32>], vector<16xi32>,
        %gather3A_517 = tpu.vector_load_idx %arg13[%add3A_112, %broadcast_in_dim3A_515] : memref<128x32xi32, #tpu.memory_space<vmem>>[vector<16xi32>, vector<16xi32>], vector<16xi32>,
        %shift_left3A_518 = arith.constant 16 : i32
        %shift_left3A_519 = vector.broadcast %shift_left3A_518 : i32 to vector<16xi32>
        %shift_left3A_520 = arith.shli %gather3A_516, %shift_left3A_519 : vector<16xi32>
        %bitcast_convert_type3A_521 = tpu.bitcast %shift_left3A_520 : vector<16xi32> -> vector<16xf32>
        %shift_left3A_522 = arith.constant 16 : i32
        %shift_left3A_523 = vector.broadcast %shift_left3A_522 : i32 to vector<16xi32>
        %shift_left3A_524 = arith.shli %gather3A_517, %shift_left3A_523 : vector<16xi32>
        %bitcast_convert_type3A_525 = tpu.bitcast %shift_left3A_524 : vector<16xi32> -> vector<16xf32>
        %and3A_526 = arith.andi %gather3A_516, %broadcast_in_dim3A_117 : vector<16xi32>
        %bitcast_convert_type3A_527 = tpu.bitcast %and3A_526 : vector<16xi32> -> vector<16xf32>
        %and3A_528 = arith.andi %gather3A_517, %broadcast_in_dim3A_117 : vector<16xi32>
        %bitcast_convert_type3A_529 = tpu.bitcast %and3A_528 : vector<16xi32> -> vector<16xf32>
        %mul3A_530 = arith.mulf %bitcast_convert_type3A_521, %bitcast_convert_type3A_525 : vector<16xf32>
        %add3A_531 = arith.addf %add3A_511, %mul3A_530 : vector<16xf32>
        %mul3A_532 = arith.mulf %bitcast_convert_type3A_527, %bitcast_convert_type3A_529 : vector<16xf32>
        %add3A_533 = arith.addf %add3A_513, %mul3A_532 : vector<16xf32>
        %broadcast_in_dim3A_534 = arith.constant 21 : i32
        %broadcast_in_dim3A_535 = vector.broadcast %broadcast_in_dim3A_534 : i32 to vector<16xi32>
        %gather3A_536 = tpu.vector_load_idx %arg11[%add3A_112, %broadcast_in_dim3A_535] : memref<128x32xi32, #tpu.memory_space<vmem>>[vector<16xi32>, vector<16xi32>], vector<16xi32>,
        %gather3A_537 = tpu.vector_load_idx %arg13[%add3A_112, %broadcast_in_dim3A_535] : memref<128x32xi32, #tpu.memory_space<vmem>>[vector<16xi32>, vector<16xi32>], vector<16xi32>,
        %shift_left3A_538 = arith.constant 16 : i32
        %shift_left3A_539 = vector.broadcast %shift_left3A_538 : i32 to vector<16xi32>
        %shift_left3A_540 = arith.shli %gather3A_536, %shift_left3A_539 : vector<16xi32>
        %bitcast_convert_type3A_541 = tpu.bitcast %shift_left3A_540 : vector<16xi32> -> vector<16xf32>
        %shift_left3A_542 = arith.constant 16 : i32
        %shift_left3A_543 = vector.broadcast %shift_left3A_542 : i32 to vector<16xi32>
        %shift_left3A_544 = arith.shli %gather3A_537, %shift_left3A_543 : vector<16xi32>
        %bitcast_convert_type3A_545 = tpu.bitcast %shift_left3A_544 : vector<16xi32> -> vector<16xf32>
        %and3A_546 = arith.andi %gather3A_536, %broadcast_in_dim3A_117 : vector<16xi32>
        %bitcast_convert_type3A_547 = tpu.bitcast %and3A_546 : vector<16xi32> -> vector<16xf32>
        %and3A_548 = arith.andi %gather3A_537, %broadcast_in_dim3A_117 : vector<16xi32>
        %bitcast_convert_type3A_549 = tpu.bitcast %and3A_548 : vector<16xi32> -> vector<16xf32>
        %mul3A_550 = arith.mulf %bitcast_convert_type3A_541, %bitcast_convert_type3A_545 : vector<16xf32>
        %add3A_551 = arith.addf %add3A_531, %mul3A_550 : vector<16xf32>
        %mul3A_552 = arith.mulf %bitcast_convert_type3A_547, %bitcast_convert_type3A_549 : vector<16xf32>
        %add3A_553 = arith.addf %add3A_533, %mul3A_552 : vector<16xf32>
        %broadcast_in_dim3A_554 = arith.constant 22 : i32
        %broadcast_in_dim3A_555 = vector.broadcast %broadcast_in_dim3A_554 : i32 to vector<16xi32>
        %gather3A_556 = tpu.vector_load_idx %arg11[%add3A_112, %broadcast_in_dim3A_555] : memref<128x32xi32, #tpu.memory_space<vmem>>[vector<16xi32>, vector<16xi32>], vector<16xi32>,
        %gather3A_557 = tpu.vector_load_idx %arg13[%add3A_112, %broadcast_in_dim3A_555] : memref<128x32xi32, #tpu.memory_space<vmem>>[vector<16xi32>, vector<16xi32>], vector<16xi32>,
        %shift_left3A_558 = arith.constant 16 : i32
        %shift_left3A_559 = vector.broadcast %shift_left3A_558 : i32 to vector<16xi32>
        %shift_left3A_560 = arith.shli %gather3A_556, %shift_left3A_559 : vector<16xi32>
        %bitcast_convert_type3A_561 = tpu.bitcast %shift_left3A_560 : vector<16xi32> -> vector<16xf32>
        %shift_left3A_562 = arith.constant 16 : i32
        %shift_left3A_563 = vector.broadcast %shift_left3A_562 : i32 to vector<16xi32>
        %shift_left3A_564 = arith.shli %gather3A_557, %shift_left3A_563 : vector<16xi32>
        %bitcast_convert_type3A_565 = tpu.bitcast %shift_left3A_564 : vector<16xi32> -> vector<16xf32>
        %and3A_566 = arith.andi %gather3A_556, %broadcast_in_dim3A_117 : vector<16xi32>
        %bitcast_convert_type3A_567 = tpu.bitcast %and3A_566 : vector<16xi32> -> vector<16xf32>
        %and3A_568 = arith.andi %gather3A_557, %broadcast_in_dim3A_117 : vector<16xi32>
        %bitcast_convert_type3A_569 = tpu.bitcast %and3A_568 : vector<16xi32> -> vector<16xf32>
        %mul3A_570 = arith.mulf %bitcast_convert_type3A_561, %bitcast_convert_type3A_565 : vector<16xf32>
        %add3A_571 = arith.addf %add3A_551, %mul3A_570 : vector<16xf32>
        %mul3A_572 = arith.mulf %bitcast_convert_type3A_567, %bitcast_convert_type3A_569 : vector<16xf32>
        %add3A_573 = arith.addf %add3A_553, %mul3A_572 : vector<16xf32>
        %broadcast_in_dim3A_574 = arith.constant 23 : i32
        %broadcast_in_dim3A_575 = vector.broadcast %broadcast_in_dim3A_574 : i32 to vector<16xi32>
        %gather3A_576 = tpu.vector_load_idx %arg11[%add3A_112, %broadcast_in_dim3A_575] : memref<128x32xi32, #tpu.memory_space<vmem>>[vector<16xi32>, vector<16xi32>], vector<16xi32>,
        %gather3A_577 = tpu.vector_load_idx %arg13[%add3A_112, %broadcast_in_dim3A_575] : memref<128x32xi32, #tpu.memory_space<vmem>>[vector<16xi32>, vector<16xi32>], vector<16xi32>,
        %shift_left3A_578 = arith.constant 16 : i32
        %shift_left3A_579 = vector.broadcast %shift_left3A_578 : i32 to vector<16xi32>
        %shift_left3A_580 = arith.shli %gather3A_576, %shift_left3A_579 : vector<16xi32>
        %bitcast_convert_type3A_581 = tpu.bitcast %shift_left3A_580 : vector<16xi32> -> vector<16xf32>
        %shift_left3A_582 = arith.constant 16 : i32
        %shift_left3A_583 = vector.broadcast %shift_left3A_582 : i32 to vector<16xi32>
        %shift_left3A_584 = arith.shli %gather3A_577, %shift_left3A_583 : vector<16xi32>
        %bitcast_convert_type3A_585 = tpu.bitcast %shift_left3A_584 : vector<16xi32> -> vector<16xf32>
        %and3A_586 = arith.andi %gather3A_576, %broadcast_in_dim3A_117 : vector<16xi32>
        %bitcast_convert_type3A_587 = tpu.bitcast %and3A_586 : vector<16xi32> -> vector<16xf32>
        %and3A_588 = arith.andi %gather3A_577, %broadcast_in_dim3A_117 : vector<16xi32>
        %bitcast_convert_type3A_589 = tpu.bitcast %and3A_588 : vector<16xi32> -> vector<16xf32>
        %mul3A_590 = arith.mulf %bitcast_convert_type3A_581, %bitcast_convert_type3A_585 : vector<16xf32>
        %add3A_591 = arith.addf %add3A_571, %mul3A_590 : vector<16xf32>
        %mul3A_592 = arith.mulf %bitcast_convert_type3A_587, %bitcast_convert_type3A_589 : vector<16xf32>
        %add3A_593 = arith.addf %add3A_573, %mul3A_592 : vector<16xf32>
        %broadcast_in_dim3A_594 = arith.constant 24 : i32
        %broadcast_in_dim3A_595 = vector.broadcast %broadcast_in_dim3A_594 : i32 to vector<16xi32>
        %gather3A_596 = tpu.vector_load_idx %arg11[%add3A_112, %broadcast_in_dim3A_595] : memref<128x32xi32, #tpu.memory_space<vmem>>[vector<16xi32>, vector<16xi32>], vector<16xi32>,
        %gather3A_597 = tpu.vector_load_idx %arg13[%add3A_112, %broadcast_in_dim3A_595] : memref<128x32xi32, #tpu.memory_space<vmem>>[vector<16xi32>, vector<16xi32>], vector<16xi32>,
        %shift_left3A_598 = arith.constant 16 : i32
        %shift_left3A_599 = vector.broadcast %shift_left3A_598 : i32 to vector<16xi32>
        %shift_left3A_600 = arith.shli %gather3A_596, %shift_left3A_599 : vector<16xi32>
        %bitcast_convert_type3A_601 = tpu.bitcast %shift_left3A_600 : vector<16xi32> -> vector<16xf32>
        %shift_left3A_602 = arith.constant 16 : i32
        %shift_left3A_603 = vector.broadcast %shift_left3A_602 : i32 to vector<16xi32>
        %shift_left3A_604 = arith.shli %gather3A_597, %shift_left3A_603 : vector<16xi32>
        %bitcast_convert_type3A_605 = tpu.bitcast %shift_left3A_604 : vector<16xi32> -> vector<16xf32>
        %and3A_606 = arith.andi %gather3A_596, %broadcast_in_dim3A_117 : vector<16xi32>
        %bitcast_convert_type3A_607 = tpu.bitcast %and3A_606 : vector<16xi32> -> vector<16xf32>
        %and3A_608 = arith.andi %gather3A_597, %broadcast_in_dim3A_117 : vector<16xi32>
        %bitcast_convert_type3A_609 = tpu.bitcast %and3A_608 : vector<16xi32> -> vector<16xf32>
        %mul3A_610 = arith.mulf %bitcast_convert_type3A_601, %bitcast_convert_type3A_605 : vector<16xf32>
        %add3A_611 = arith.addf %add3A_591, %mul3A_610 : vector<16xf32>
        %mul3A_612 = arith.mulf %bitcast_convert_type3A_607, %bitcast_convert_type3A_609 : vector<16xf32>
        %add3A_613 = arith.addf %add3A_593, %mul3A_612 : vector<16xf32>
        %broadcast_in_dim3A_614 = arith.constant 25 : i32
        %broadcast_in_dim3A_615 = vector.broadcast %broadcast_in_dim3A_614 : i32 to vector<16xi32>
        %gather3A_616 = tpu.vector_load_idx %arg11[%add3A_112, %broadcast_in_dim3A_615] : memref<128x32xi32, #tpu.memory_space<vmem>>[vector<16xi32>, vector<16xi32>], vector<16xi32>,
        %gather3A_617 = tpu.vector_load_idx %arg13[%add3A_112, %broadcast_in_dim3A_615] : memref<128x32xi32, #tpu.memory_space<vmem>>[vector<16xi32>, vector<16xi32>], vector<16xi32>,
        %shift_left3A_618 = arith.constant 16 : i32
        %shift_left3A_619 = vector.broadcast %shift_left3A_618 : i32 to vector<16xi32>
        %shift_left3A_620 = arith.shli %gather3A_616, %shift_left3A_619 : vector<16xi32>
        %bitcast_convert_type3A_621 = tpu.bitcast %shift_left3A_620 : vector<16xi32> -> vector<16xf32>
        %shift_left3A_622 = arith.constant 16 : i32
        %shift_left3A_623 = vector.broadcast %shift_left3A_622 : i32 to vector<16xi32>
        %shift_left3A_624 = arith.shli %gather3A_617, %shift_left3A_623 : vector<16xi32>
        %bitcast_convert_type3A_625 = tpu.bitcast %shift_left3A_624 : vector<16xi32> -> vector<16xf32>
        %and3A_626 = arith.andi %gather3A_616, %broadcast_in_dim3A_117 : vector<16xi32>
        %bitcast_convert_type3A_627 = tpu.bitcast %and3A_626 : vector<16xi32> -> vector<16xf32>
        %and3A_628 = arith.andi %gather3A_617, %broadcast_in_dim3A_117 : vector<16xi32>
        %bitcast_convert_type3A_629 = tpu.bitcast %and3A_628 : vector<16xi32> -> vector<16xf32>
        %mul3A_630 = arith.mulf %bitcast_convert_type3A_621, %bitcast_convert_type3A_625 : vector<16xf32>
        %add3A_631 = arith.addf %add3A_611, %mul3A_630 : vector<16xf32>
        %mul3A_632 = arith.mulf %bitcast_convert_type3A_627, %bitcast_convert_type3A_629 : vector<16xf32>
        %add3A_633 = arith.addf %add3A_613, %mul3A_632 : vector<16xf32>
        %broadcast_in_dim3A_634 = arith.constant 26 : i32
        %broadcast_in_dim3A_635 = vector.broadcast %broadcast_in_dim3A_634 : i32 to vector<16xi32>
        %gather3A_636 = tpu.vector_load_idx %arg11[%add3A_112, %broadcast_in_dim3A_635] : memref<128x32xi32, #tpu.memory_space<vmem>>[vector<16xi32>, vector<16xi32>], vector<16xi32>,
        %gather3A_637 = tpu.vector_load_idx %arg13[%add3A_112, %broadcast_in_dim3A_635] : memref<128x32xi32, #tpu.memory_space<vmem>>[vector<16xi32>, vector<16xi32>], vector<16xi32>,
        %shift_left3A_638 = arith.constant 16 : i32
        %shift_left3A_639 = vector.broadcast %shift_left3A_638 : i32 to vector<16xi32>
        %shift_left3A_640 = arith.shli %gather3A_636, %shift_left3A_639 : vector<16xi32>
        %bitcast_convert_type3A_641 = tpu.bitcast %shift_left3A_640 : vector<16xi32> -> vector<16xf32>
        %shift_left3A_642 = arith.constant 16 : i32
        %shift_left3A_643 = vector.broadcast %shift_left3A_642 : i32 to vector<16xi32>
        %shift_left3A_644 = arith.shli %gather3A_637, %shift_left3A_643 : vector<16xi32>
        %bitcast_convert_type3A_645 = tpu.bitcast %shift_left3A_644 : vector<16xi32> -> vector<16xf32>
        %and3A_646 = arith.andi %gather3A_636, %broadcast_in_dim3A_117 : vector<16xi32>
        %bitcast_convert_type3A_647 = tpu.bitcast %and3A_646 : vector<16xi32> -> vector<16xf32>
        %and3A_648 = arith.andi %gather3A_637, %broadcast_in_dim3A_117 : vector<16xi32>
        %bitcast_convert_type3A_649 = tpu.bitcast %and3A_648 : vector<16xi32> -> vector<16xf32>
        %mul3A_650 = arith.mulf %bitcast_convert_type3A_641, %bitcast_convert_type3A_645 : vector<16xf32>
        %add3A_651 = arith.addf %add3A_631, %mul3A_650 : vector<16xf32>
        %mul3A_652 = arith.mulf %bitcast_convert_type3A_647, %bitcast_convert_type3A_649 : vector<16xf32>
        %add3A_653 = arith.addf %add3A_633, %mul3A_652 : vector<16xf32>
        %broadcast_in_dim3A_654 = arith.constant 27 : i32
        %broadcast_in_dim3A_655 = vector.broadcast %broadcast_in_dim3A_654 : i32 to vector<16xi32>
        %gather3A_656 = tpu.vector_load_idx %arg11[%add3A_112, %broadcast_in_dim3A_655] : memref<128x32xi32, #tpu.memory_space<vmem>>[vector<16xi32>, vector<16xi32>], vector<16xi32>,
        %gather3A_657 = tpu.vector_load_idx %arg13[%add3A_112, %broadcast_in_dim3A_655] : memref<128x32xi32, #tpu.memory_space<vmem>>[vector<16xi32>, vector<16xi32>], vector<16xi32>,
        %shift_left3A_658 = arith.constant 16 : i32
        %shift_left3A_659 = vector.broadcast %shift_left3A_658 : i32 to vector<16xi32>
        %shift_left3A_660 = arith.shli %gather3A_656, %shift_left3A_659 : vector<16xi32>
        %bitcast_convert_type3A_661 = tpu.bitcast %shift_left3A_660 : vector<16xi32> -> vector<16xf32>
        %shift_left3A_662 = arith.constant 16 : i32
        %shift_left3A_663 = vector.broadcast %shift_left3A_662 : i32 to vector<16xi32>
        %shift_left3A_664 = arith.shli %gather3A_657, %shift_left3A_663 : vector<16xi32>
        %bitcast_convert_type3A_665 = tpu.bitcast %shift_left3A_664 : vector<16xi32> -> vector<16xf32>
        %and3A_666 = arith.andi %gather3A_656, %broadcast_in_dim3A_117 : vector<16xi32>
        %bitcast_convert_type3A_667 = tpu.bitcast %and3A_666 : vector<16xi32> -> vector<16xf32>
        %and3A_668 = arith.andi %gather3A_657, %broadcast_in_dim3A_117 : vector<16xi32>
        %bitcast_convert_type3A_669 = tpu.bitcast %and3A_668 : vector<16xi32> -> vector<16xf32>
        %mul3A_670 = arith.mulf %bitcast_convert_type3A_661, %bitcast_convert_type3A_665 : vector<16xf32>
        %add3A_671 = arith.addf %add3A_651, %mul3A_670 : vector<16xf32>
        %mul3A_672 = arith.mulf %bitcast_convert_type3A_667, %bitcast_convert_type3A_669 : vector<16xf32>
        %add3A_673 = arith.addf %add3A_653, %mul3A_672 : vector<16xf32>
        %broadcast_in_dim3A_674 = arith.constant 28 : i32
        %broadcast_in_dim3A_675 = vector.broadcast %broadcast_in_dim3A_674 : i32 to vector<16xi32>
        %gather3A_676 = tpu.vector_load_idx %arg11[%add3A_112, %broadcast_in_dim3A_675] : memref<128x32xi32, #tpu.memory_space<vmem>>[vector<16xi32>, vector<16xi32>], vector<16xi32>,
        %gather3A_677 = tpu.vector_load_idx %arg13[%add3A_112, %broadcast_in_dim3A_675] : memref<128x32xi32, #tpu.memory_space<vmem>>[vector<16xi32>, vector<16xi32>], vector<16xi32>,
        %shift_left3A_678 = arith.constant 16 : i32
        %shift_left3A_679 = vector.broadcast %shift_left3A_678 : i32 to vector<16xi32>
        %shift_left3A_680 = arith.shli %gather3A_676, %shift_left3A_679 : vector<16xi32>
        %bitcast_convert_type3A_681 = tpu.bitcast %shift_left3A_680 : vector<16xi32> -> vector<16xf32>
        %shift_left3A_682 = arith.constant 16 : i32
        %shift_left3A_683 = vector.broadcast %shift_left3A_682 : i32 to vector<16xi32>
        %shift_left3A_684 = arith.shli %gather3A_677, %shift_left3A_683 : vector<16xi32>
        %bitcast_convert_type3A_685 = tpu.bitcast %shift_left3A_684 : vector<16xi32> -> vector<16xf32>
        %and3A_686 = arith.andi %gather3A_676, %broadcast_in_dim3A_117 : vector<16xi32>
        %bitcast_convert_type3A_687 = tpu.bitcast %and3A_686 : vector<16xi32> -> vector<16xf32>
        %and3A_688 = arith.andi %gather3A_677, %broadcast_in_dim3A_117 : vector<16xi32>
        %bitcast_convert_type3A_689 = tpu.bitcast %and3A_688 : vector<16xi32> -> vector<16xf32>
        %mul3A_690 = arith.mulf %bitcast_convert_type3A_681, %bitcast_convert_type3A_685 : vector<16xf32>
        %add3A_691 = arith.addf %add3A_671, %mul3A_690 : vector<16xf32>
        %mul3A_692 = arith.mulf %bitcast_convert_type3A_687, %bitcast_convert_type3A_689 : vector<16xf32>
        %add3A_693 = arith.addf %add3A_673, %mul3A_692 : vector<16xf32>
        %broadcast_in_dim3A_694 = arith.constant 29 : i32
        %broadcast_in_dim3A_695 = vector.broadcast %broadcast_in_dim3A_694 : i32 to vector<16xi32>
        %gather3A_696 = tpu.vector_load_idx %arg11[%add3A_112, %broadcast_in_dim3A_695] : memref<128x32xi32, #tpu.memory_space<vmem>>[vector<16xi32>, vector<16xi32>], vector<16xi32>,
        %gather3A_697 = tpu.vector_load_idx %arg13[%add3A_112, %broadcast_in_dim3A_695] : memref<128x32xi32, #tpu.memory_space<vmem>>[vector<16xi32>, vector<16xi32>], vector<16xi32>,
        %shift_left3A_698 = arith.constant 16 : i32
        %shift_left3A_699 = vector.broadcast %shift_left3A_698 : i32 to vector<16xi32>
        %shift_left3A_700 = arith.shli %gather3A_696, %shift_left3A_699 : vector<16xi32>
        %bitcast_convert_type3A_701 = tpu.bitcast %shift_left3A_700 : vector<16xi32> -> vector<16xf32>
        %shift_left3A_702 = arith.constant 16 : i32
        %shift_left3A_703 = vector.broadcast %shift_left3A_702 : i32 to vector<16xi32>
        %shift_left3A_704 = arith.shli %gather3A_697, %shift_left3A_703 : vector<16xi32>
        %bitcast_convert_type3A_705 = tpu.bitcast %shift_left3A_704 : vector<16xi32> -> vector<16xf32>
        %and3A_706 = arith.andi %gather3A_696, %broadcast_in_dim3A_117 : vector<16xi32>
        %bitcast_convert_type3A_707 = tpu.bitcast %and3A_706 : vector<16xi32> -> vector<16xf32>
        %and3A_708 = arith.andi %gather3A_697, %broadcast_in_dim3A_117 : vector<16xi32>
        %bitcast_convert_type3A_709 = tpu.bitcast %and3A_708 : vector<16xi32> -> vector<16xf32>
        %mul3A_710 = arith.mulf %bitcast_convert_type3A_701, %bitcast_convert_type3A_705 : vector<16xf32>
        %add3A_711 = arith.addf %add3A_691, %mul3A_710 : vector<16xf32>
        %mul3A_712 = arith.mulf %bitcast_convert_type3A_707, %bitcast_convert_type3A_709 : vector<16xf32>
        %add3A_713 = arith.addf %add3A_693, %mul3A_712 : vector<16xf32>
        %broadcast_in_dim3A_714 = arith.constant 30 : i32
        %broadcast_in_dim3A_715 = vector.broadcast %broadcast_in_dim3A_714 : i32 to vector<16xi32>
        %gather3A_716 = tpu.vector_load_idx %arg11[%add3A_112, %broadcast_in_dim3A_715] : memref<128x32xi32, #tpu.memory_space<vmem>>[vector<16xi32>, vector<16xi32>], vector<16xi32>,
        %gather3A_717 = tpu.vector_load_idx %arg13[%add3A_112, %broadcast_in_dim3A_715] : memref<128x32xi32, #tpu.memory_space<vmem>>[vector<16xi32>, vector<16xi32>], vector<16xi32>,
        %shift_left3A_718 = arith.constant 16 : i32
        %shift_left3A_719 = vector.broadcast %shift_left3A_718 : i32 to vector<16xi32>
        %shift_left3A_720 = arith.shli %gather3A_716, %shift_left3A_719 : vector<16xi32>
        %bitcast_convert_type3A_721 = tpu.bitcast %shift_left3A_720 : vector<16xi32> -> vector<16xf32>
        %shift_left3A_722 = arith.constant 16 : i32
        %shift_left3A_723 = vector.broadcast %shift_left3A_722 : i32 to vector<16xi32>
        %shift_left3A_724 = arith.shli %gather3A_717, %shift_left3A_723 : vector<16xi32>
        %bitcast_convert_type3A_725 = tpu.bitcast %shift_left3A_724 : vector<16xi32> -> vector<16xf32>
        %and3A_726 = arith.andi %gather3A_716, %broadcast_in_dim3A_117 : vector<16xi32>
        %bitcast_convert_type3A_727 = tpu.bitcast %and3A_726 : vector<16xi32> -> vector<16xf32>
        %and3A_728 = arith.andi %gather3A_717, %broadcast_in_dim3A_117 : vector<16xi32>
        %bitcast_convert_type3A_729 = tpu.bitcast %and3A_728 : vector<16xi32> -> vector<16xf32>
        %mul3A_730 = arith.mulf %bitcast_convert_type3A_721, %bitcast_convert_type3A_725 : vector<16xf32>
        %add3A_731 = arith.addf %add3A_711, %mul3A_730 : vector<16xf32>
        %mul3A_732 = arith.mulf %bitcast_convert_type3A_727, %bitcast_convert_type3A_729 : vector<16xf32>
        %add3A_733 = arith.addf %add3A_713, %mul3A_732 : vector<16xf32>
        %broadcast_in_dim3A_734 = arith.constant 31 : i32
        %broadcast_in_dim3A_735 = vector.broadcast %broadcast_in_dim3A_734 : i32 to vector<16xi32>
        %gather3A_736 = tpu.vector_load_idx %arg11[%add3A_112, %broadcast_in_dim3A_735] : memref<128x32xi32, #tpu.memory_space<vmem>>[vector<16xi32>, vector<16xi32>], vector<16xi32>,
        %gather3A_737 = tpu.vector_load_idx %arg13[%add3A_112, %broadcast_in_dim3A_735] : memref<128x32xi32, #tpu.memory_space<vmem>>[vector<16xi32>, vector<16xi32>], vector<16xi32>,
        %shift_left3A_738 = arith.constant 16 : i32
        %shift_left3A_739 = vector.broadcast %shift_left3A_738 : i32 to vector<16xi32>
        %shift_left3A_740 = arith.shli %gather3A_736, %shift_left3A_739 : vector<16xi32>
        %bitcast_convert_type3A_741 = tpu.bitcast %shift_left3A_740 : vector<16xi32> -> vector<16xf32>
        %shift_left3A_742 = arith.constant 16 : i32
        %shift_left3A_743 = vector.broadcast %shift_left3A_742 : i32 to vector<16xi32>
        %shift_left3A_744 = arith.shli %gather3A_737, %shift_left3A_743 : vector<16xi32>
        %bitcast_convert_type3A_745 = tpu.bitcast %shift_left3A_744 : vector<16xi32> -> vector<16xf32>
        %and3A_746 = arith.andi %gather3A_736, %broadcast_in_dim3A_117 : vector<16xi32>
        %bitcast_convert_type3A_747 = tpu.bitcast %and3A_746 : vector<16xi32> -> vector<16xf32>
        %and3A_748 = arith.andi %gather3A_737, %broadcast_in_dim3A_117 : vector<16xi32>
        %bitcast_convert_type3A_749 = tpu.bitcast %and3A_748 : vector<16xi32> -> vector<16xf32>
        %mul3A_750 = arith.mulf %bitcast_convert_type3A_741, %bitcast_convert_type3A_745 : vector<16xf32>
        %add3A_751 = arith.addf %add3A_731, %mul3A_750 : vector<16xf32>
        %mul3A_752 = arith.mulf %bitcast_convert_type3A_747, %bitcast_convert_type3A_749 : vector<16xf32>
        %add3A_753 = arith.addf %add3A_733, %mul3A_752 : vector<16xf32>
        %add3A_754 = arith.addf %add3A_751, %add3A_753 : vector<16xf32>
        %mul3A_755 = arith.constant 16 : i32
        %mul3A_756 = arith.muli %scan3A_108, %mul3A_755 : i32
        %swap3A = arith.index_cast %add3A_57 : i32 to index
        %swap3A_757 = arith.index_cast %mul3A_756 : i32 to index
        %swap3A_758 = tpu.vector_load %arg8[%swap3A, %swap3A_757] {strides = array<i32>} : memref<52x128xf32, #tpu.memory_space<vmem>>, vector<16xf32>,
        tpu.vector_store %arg8[%swap3A, %swap3A_757], %add3A_754 {strides = array<i32>} : memref<52x128xf32, #tpu.memory_space<vmem>>, vector<16xf32>,
      }
      %scan3A_74 = arith.constant 8 : i32
      %add3A_75 = arith.constant 2 : i32
      %add3A_76 = arith.addi %add3A_57, %add3A_75 : i32
      %lt3A = arith.constant 52 : i32
      %lt3A_77 = arith.cmpi slt, %add3A_76, %lt3A : i32
      %convert_element_type3A = arith.extui %lt3A_77 : i1 to i32
      %cond3A = arith.constant 0 : i32
      %cond3A_78 = arith.cmpi ne, %convert_element_type3A, %cond3A : i32
      scf.if %cond3A_78 {
        %dma_start3A_108 = arith.constant 0 : i32
        %dma_start3A_109 = tpu.memref_slice %arg6[%add3A_76, %dma_start3A_108] : memref<52x128xi32, #tpu.memory_space<vmem>> -> memref<1x128xi32, #tpu.memory_space<vmem>>
        %dma_start3A_110 = tpu.memref_squeeze %dma_start3A_109 : memref<1x128xi32, #tpu.memory_space<vmem>> -> memref<128xi32, #tpu.memory_space<vmem>>
        %dma_start3A_111 = arith.constant 0 : i32
        %dma_start3A_112 = arith.constant 0 : i32
        %dma_start3A_113 = tpu.memref_slice %arg9[%dma_start3A_111, %dma_start3A_112] : memref<10000x32xi32, #tpu.memory_space<vmem_shared>> -> memref<10000x32xi32, #tpu.memory_space<vmem_shared>>
        tpu.enqueue_indirect_dma source(%dma_start3A_113 : memref<10000x32xi32, #tpu.memory_space<vmem_shared>>) target(%arg11 : memref<128x32xi32, #tpu.memory_space<vmem>>) offsets(%dma_start3A_110 : memref<128xi32, #tpu.memory_space<vmem>>) semaphore(%arg15 : memref<!tpu.dma_semaphore, #tpu.memory_space<semaphore_mem>>)
        %dma_start3A_114 = arith.constant 0 : i32
        %dma_start3A_115 = tpu.memref_slice %arg7[%add3A_76, %dma_start3A_114] : memref<52x128xi32, #tpu.memory_space<vmem>> -> memref<1x128xi32, #tpu.memory_space<vmem>>
        %dma_start3A_116 = tpu.memref_squeeze %dma_start3A_115 : memref<1x128xi32, #tpu.memory_space<vmem>> -> memref<128xi32, #tpu.memory_space<vmem>>
        %dma_start3A_117 = arith.constant 0 : i32
        %dma_start3A_118 = arith.constant 0 : i32
        %dma_start3A_119 = tpu.memref_slice %arg9[%dma_start3A_117, %dma_start3A_118] : memref<10000x32xi32, #tpu.memory_space<vmem_shared>> -> memref<10000x32xi32, #tpu.memory_space<vmem_shared>>
        tpu.enqueue_indirect_dma source(%dma_start3A_119 : memref<10000x32xi32, #tpu.memory_space<vmem_shared>>) target(%arg13 : memref<128x32xi32, #tpu.memory_space<vmem>>) offsets(%dma_start3A_116 : memref<128xi32, #tpu.memory_space<vmem>>) semaphore(%arg17 : memref<!tpu.dma_semaphore, #tpu.memory_space<semaphore_mem>>)
      } else {
      }
      %mul3A_79 = arith.constant 2 : i32
      %mul3A_80 = arith.muli %mul3A_79, %scan3A_53 : i32
      %add3A_81 = arith.constant 1 : i32
      %add3A_82 = arith.addi %mul3A_80, %add3A_81 : i32
      %dma_wait3A_83 = arith.constant 0 : i32
      %dma_wait3A_84 = tpu.memref_slice %arg6[%add3A_82, %dma_wait3A_83] : memref<52x128xi32, #tpu.memory_space<vmem>> -> memref<1x128xi32, #tpu.memory_space<vmem>>
      %dma_wait3A_85 = tpu.memref_squeeze %dma_wait3A_84 : memref<1x128xi32, #tpu.memory_space<vmem>> -> memref<128xi32, #tpu.memory_space<vmem>>
      %dma_wait3A_86 = arith.constant 0 : i32
      %dma_wait3A_87 = arith.constant 0 : i32
      %dma_wait3A_88 = tpu.memref_slice %arg2[%dma_wait3A_86, %dma_wait3A_87] : memref<10000x32xi32, #tpu.memory_space<hbm>> -> memref<10000x32xi32, #tpu.memory_space<hbm>>
      tpu.wait_indirect_dma semaphore(%arg16 : memref<!tpu.dma_semaphore, #tpu.memory_space<semaphore_mem>>) src(%dma_wait3A_88 : memref<10000x32xi32, #tpu.memory_space<hbm>>) dst(%arg12 : memref<128x32xi32, #tpu.memory_space<vmem>>)
      %dma_wait3A_89 = arith.constant 0 : i32
      %dma_wait3A_90 = tpu.memref_slice %arg7[%add3A_82, %dma_wait3A_89] : memref<52x128xi32, #tpu.memory_space<vmem>> -> memref<1x128xi32, #tpu.memory_space<vmem>>
      %dma_wait3A_91 = tpu.memref_squeeze %dma_wait3A_90 : memref<1x128xi32, #tpu.memory_space<vmem>> -> memref<128xi32, #tpu.memory_space<vmem>>
      %dma_wait3A_92 = arith.constant 0 : i32
      %dma_wait3A_93 = arith.constant 0 : i32
      %dma_wait3A_94 = tpu.memref_slice %arg2[%dma_wait3A_92, %dma_wait3A_93] : memref<10000x32xi32, #tpu.memory_space<hbm>> -> memref<10000x32xi32, #tpu.memory_space<hbm>>
      tpu.wait_indirect_dma semaphore(%arg18 : memref<!tpu.dma_semaphore, #tpu.memory_space<semaphore_mem>>) src(%dma_wait3A_94 : memref<10000x32xi32, #tpu.memory_space<hbm>>) dst(%arg14 : memref<128x32xi32, #tpu.memory_space<vmem>>)
      %scan3A_95 = arith.constant 0 : i32
      %scan3A_96 = arith.constant 0 : i32
      %scan3A_97 = arith.constant 8 : i32
      %scan3A_98 = arith.addi %scan3A_96, %scan3A_97 : i32
      %scan3A_99 = arith.constant 1 : i32
      scf.for %scan3A_108 = %scan3A_96 to %scan3A_98 step %scan3A_99  : i32 {
        %iota3A = tpu.iota {dimensions = array<i32: 0>} : vector<16xi32>
        %mul3A_109 = arith.constant 16 : i32
        %mul3A_110 = arith.muli %scan3A_108, %mul3A_109 : i32
        %add3A_111 = vector.broadcast %mul3A_110 : i32 to vector<16xi32>
        %add3A_112 = arith.addi %iota3A, %add3A_111 : vector<16xi32>
        %broadcast_in_dim3A = arith.constant 0.000000e+00 : f32
        %broadcast_in_dim3A_113 = vector.broadcast %broadcast_in_dim3A : f32 to vector<16xf32>
        %broadcast_in_dim3A_114 = arith.constant 0.000000e+00 : f32
        %broadcast_in_dim3A_115 = vector.broadcast %broadcast_in_dim3A_114 : f32 to vector<16xf32>
        %broadcast_in_dim3A_116 = arith.constant -65536 : i32
        %broadcast_in_dim3A_117 = vector.broadcast %broadcast_in_dim3A_116 : i32 to vector<16xi32>
        %broadcast_in_dim3A_118 = arith.constant 0 : i32
        %broadcast_in_dim3A_119 = vector.broadcast %broadcast_in_dim3A_118 : i32 to vector<16xi32>
        %gather3A = tpu.vector_load_idx %arg12[%add3A_112, %broadcast_in_dim3A_119] : memref<128x32xi32, #tpu.memory_space<vmem>>[vector<16xi32>, vector<16xi32>], vector<16xi32>,
        %gather3A_120 = tpu.vector_load_idx %arg14[%add3A_112, %broadcast_in_dim3A_119] : memref<128x32xi32, #tpu.memory_space<vmem>>[vector<16xi32>, vector<16xi32>], vector<16xi32>,
        %shift_left3A = arith.constant 16 : i32
        %shift_left3A_121 = vector.broadcast %shift_left3A : i32 to vector<16xi32>
        %shift_left3A_122 = arith.shli %gather3A, %shift_left3A_121 : vector<16xi32>
        %bitcast_convert_type3A = tpu.bitcast %shift_left3A_122 : vector<16xi32> -> vector<16xf32>
        %shift_left3A_123 = arith.constant 16 : i32
        %shift_left3A_124 = vector.broadcast %shift_left3A_123 : i32 to vector<16xi32>
        %shift_left3A_125 = arith.shli %gather3A_120, %shift_left3A_124 : vector<16xi32>
        %bitcast_convert_type3A_126 = tpu.bitcast %shift_left3A_125 : vector<16xi32> -> vector<16xf32>
        %and3A = arith.andi %gather3A, %broadcast_in_dim3A_117 : vector<16xi32>
        %bitcast_convert_type3A_127 = tpu.bitcast %and3A : vector<16xi32> -> vector<16xf32>
        %and3A_128 = arith.andi %gather3A_120, %broadcast_in_dim3A_117 : vector<16xi32>
        %bitcast_convert_type3A_129 = tpu.bitcast %and3A_128 : vector<16xi32> -> vector<16xf32>
        %mul3A_130 = arith.mulf %bitcast_convert_type3A, %bitcast_convert_type3A_126 : vector<16xf32>
        %add3A_131 = arith.addf %broadcast_in_dim3A_113, %mul3A_130 : vector<16xf32>
        %mul3A_132 = arith.mulf %bitcast_convert_type3A_127, %bitcast_convert_type3A_129 : vector<16xf32>
        %add3A_133 = arith.addf %broadcast_in_dim3A_115, %mul3A_132 : vector<16xf32>
        %broadcast_in_dim3A_134 = arith.constant 1 : i32
        %broadcast_in_dim3A_135 = vector.broadcast %broadcast_in_dim3A_134 : i32 to vector<16xi32>
        %gather3A_136 = tpu.vector_load_idx %arg12[%add3A_112, %broadcast_in_dim3A_135] : memref<128x32xi32, #tpu.memory_space<vmem>>[vector<16xi32>, vector<16xi32>], vector<16xi32>,
        %gather3A_137 = tpu.vector_load_idx %arg14[%add3A_112, %broadcast_in_dim3A_135] : memref<128x32xi32, #tpu.memory_space<vmem>>[vector<16xi32>, vector<16xi32>], vector<16xi32>,
        %shift_left3A_138 = arith.constant 16 : i32
        %shift_left3A_139 = vector.broadcast %shift_left3A_138 : i32 to vector<16xi32>
        %shift_left3A_140 = arith.shli %gather3A_136, %shift_left3A_139 : vector<16xi32>
        %bitcast_convert_type3A_141 = tpu.bitcast %shift_left3A_140 : vector<16xi32> -> vector<16xf32>
        %shift_left3A_142 = arith.constant 16 : i32
        %shift_left3A_143 = vector.broadcast %shift_left3A_142 : i32 to vector<16xi32>
        %shift_left3A_144 = arith.shli %gather3A_137, %shift_left3A_143 : vector<16xi32>
        %bitcast_convert_type3A_145 = tpu.bitcast %shift_left3A_144 : vector<16xi32> -> vector<16xf32>
        %and3A_146 = arith.andi %gather3A_136, %broadcast_in_dim3A_117 : vector<16xi32>
        %bitcast_convert_type3A_147 = tpu.bitcast %and3A_146 : vector<16xi32> -> vector<16xf32>
        %and3A_148 = arith.andi %gather3A_137, %broadcast_in_dim3A_117 : vector<16xi32>
        %bitcast_convert_type3A_149 = tpu.bitcast %and3A_148 : vector<16xi32> -> vector<16xf32>
        %mul3A_150 = arith.mulf %bitcast_convert_type3A_141, %bitcast_convert_type3A_145 : vector<16xf32>
        %add3A_151 = arith.addf %add3A_131, %mul3A_150 : vector<16xf32>
        %mul3A_152 = arith.mulf %bitcast_convert_type3A_147, %bitcast_convert_type3A_149 : vector<16xf32>
        %add3A_153 = arith.addf %add3A_133, %mul3A_152 : vector<16xf32>
        %broadcast_in_dim3A_154 = arith.constant 2 : i32
        %broadcast_in_dim3A_155 = vector.broadcast %broadcast_in_dim3A_154 : i32 to vector<16xi32>
        %gather3A_156 = tpu.vector_load_idx %arg12[%add3A_112, %broadcast_in_dim3A_155] : memref<128x32xi32, #tpu.memory_space<vmem>>[vector<16xi32>, vector<16xi32>], vector<16xi32>,
        %gather3A_157 = tpu.vector_load_idx %arg14[%add3A_112, %broadcast_in_dim3A_155] : memref<128x32xi32, #tpu.memory_space<vmem>>[vector<16xi32>, vector<16xi32>], vector<16xi32>,
        %shift_left3A_158 = arith.constant 16 : i32
        %shift_left3A_159 = vector.broadcast %shift_left3A_158 : i32 to vector<16xi32>
        %shift_left3A_160 = arith.shli %gather3A_156, %shift_left3A_159 : vector<16xi32>
        %bitcast_convert_type3A_161 = tpu.bitcast %shift_left3A_160 : vector<16xi32> -> vector<16xf32>
        %shift_left3A_162 = arith.constant 16 : i32
        %shift_left3A_163 = vector.broadcast %shift_left3A_162 : i32 to vector<16xi32>
        %shift_left3A_164 = arith.shli %gather3A_157, %shift_left3A_163 : vector<16xi32>
        %bitcast_convert_type3A_165 = tpu.bitcast %shift_left3A_164 : vector<16xi32> -> vector<16xf32>
        %and3A_166 = arith.andi %gather3A_156, %broadcast_in_dim3A_117 : vector<16xi32>
        %bitcast_convert_type3A_167 = tpu.bitcast %and3A_166 : vector<16xi32> -> vector<16xf32>
        %and3A_168 = arith.andi %gather3A_157, %broadcast_in_dim3A_117 : vector<16xi32>
        %bitcast_convert_type3A_169 = tpu.bitcast %and3A_168 : vector<16xi32> -> vector<16xf32>
        %mul3A_170 = arith.mulf %bitcast_convert_type3A_161, %bitcast_convert_type3A_165 : vector<16xf32>
        %add3A_171 = arith.addf %add3A_151, %mul3A_170 : vector<16xf32>
        %mul3A_172 = arith.mulf %bitcast_convert_type3A_167, %bitcast_convert_type3A_169 : vector<16xf32>
        %add3A_173 = arith.addf %add3A_153, %mul3A_172 : vector<16xf32>
        %broadcast_in_dim3A_174 = arith.constant 3 : i32
        %broadcast_in_dim3A_175 = vector.broadcast %broadcast_in_dim3A_174 : i32 to vector<16xi32>
        %gather3A_176 = tpu.vector_load_idx %arg12[%add3A_112, %broadcast_in_dim3A_175] : memref<128x32xi32, #tpu.memory_space<vmem>>[vector<16xi32>, vector<16xi32>], vector<16xi32>,
        %gather3A_177 = tpu.vector_load_idx %arg14[%add3A_112, %broadcast_in_dim3A_175] : memref<128x32xi32, #tpu.memory_space<vmem>>[vector<16xi32>, vector<16xi32>], vector<16xi32>,
        %shift_left3A_178 = arith.constant 16 : i32
        %shift_left3A_179 = vector.broadcast %shift_left3A_178 : i32 to vector<16xi32>
        %shift_left3A_180 = arith.shli %gather3A_176, %shift_left3A_179 : vector<16xi32>
        %bitcast_convert_type3A_181 = tpu.bitcast %shift_left3A_180 : vector<16xi32> -> vector<16xf32>
        %shift_left3A_182 = arith.constant 16 : i32
        %shift_left3A_183 = vector.broadcast %shift_left3A_182 : i32 to vector<16xi32>
        %shift_left3A_184 = arith.shli %gather3A_177, %shift_left3A_183 : vector<16xi32>
        %bitcast_convert_type3A_185 = tpu.bitcast %shift_left3A_184 : vector<16xi32> -> vector<16xf32>
        %and3A_186 = arith.andi %gather3A_176, %broadcast_in_dim3A_117 : vector<16xi32>
        %bitcast_convert_type3A_187 = tpu.bitcast %and3A_186 : vector<16xi32> -> vector<16xf32>
        %and3A_188 = arith.andi %gather3A_177, %broadcast_in_dim3A_117 : vector<16xi32>
        %bitcast_convert_type3A_189 = tpu.bitcast %and3A_188 : vector<16xi32> -> vector<16xf32>
        %mul3A_190 = arith.mulf %bitcast_convert_type3A_181, %bitcast_convert_type3A_185 : vector<16xf32>
        %add3A_191 = arith.addf %add3A_171, %mul3A_190 : vector<16xf32>
        %mul3A_192 = arith.mulf %bitcast_convert_type3A_187, %bitcast_convert_type3A_189 : vector<16xf32>
        %add3A_193 = arith.addf %add3A_173, %mul3A_192 : vector<16xf32>
        %broadcast_in_dim3A_194 = arith.constant 4 : i32
        %broadcast_in_dim3A_195 = vector.broadcast %broadcast_in_dim3A_194 : i32 to vector<16xi32>
        %gather3A_196 = tpu.vector_load_idx %arg12[%add3A_112, %broadcast_in_dim3A_195] : memref<128x32xi32, #tpu.memory_space<vmem>>[vector<16xi32>, vector<16xi32>], vector<16xi32>,
        %gather3A_197 = tpu.vector_load_idx %arg14[%add3A_112, %broadcast_in_dim3A_195] : memref<128x32xi32, #tpu.memory_space<vmem>>[vector<16xi32>, vector<16xi32>], vector<16xi32>,
        %shift_left3A_198 = arith.constant 16 : i32
        %shift_left3A_199 = vector.broadcast %shift_left3A_198 : i32 to vector<16xi32>
        %shift_left3A_200 = arith.shli %gather3A_196, %shift_left3A_199 : vector<16xi32>
        %bitcast_convert_type3A_201 = tpu.bitcast %shift_left3A_200 : vector<16xi32> -> vector<16xf32>
        %shift_left3A_202 = arith.constant 16 : i32
        %shift_left3A_203 = vector.broadcast %shift_left3A_202 : i32 to vector<16xi32>
        %shift_left3A_204 = arith.shli %gather3A_197, %shift_left3A_203 : vector<16xi32>
        %bitcast_convert_type3A_205 = tpu.bitcast %shift_left3A_204 : vector<16xi32> -> vector<16xf32>
        %and3A_206 = arith.andi %gather3A_196, %broadcast_in_dim3A_117 : vector<16xi32>
        %bitcast_convert_type3A_207 = tpu.bitcast %and3A_206 : vector<16xi32> -> vector<16xf32>
        %and3A_208 = arith.andi %gather3A_197, %broadcast_in_dim3A_117 : vector<16xi32>
        %bitcast_convert_type3A_209 = tpu.bitcast %and3A_208 : vector<16xi32> -> vector<16xf32>
        %mul3A_210 = arith.mulf %bitcast_convert_type3A_201, %bitcast_convert_type3A_205 : vector<16xf32>
        %add3A_211 = arith.addf %add3A_191, %mul3A_210 : vector<16xf32>
        %mul3A_212 = arith.mulf %bitcast_convert_type3A_207, %bitcast_convert_type3A_209 : vector<16xf32>
        %add3A_213 = arith.addf %add3A_193, %mul3A_212 : vector<16xf32>
        %broadcast_in_dim3A_214 = arith.constant 5 : i32
        %broadcast_in_dim3A_215 = vector.broadcast %broadcast_in_dim3A_214 : i32 to vector<16xi32>
        %gather3A_216 = tpu.vector_load_idx %arg12[%add3A_112, %broadcast_in_dim3A_215] : memref<128x32xi32, #tpu.memory_space<vmem>>[vector<16xi32>, vector<16xi32>], vector<16xi32>,
        %gather3A_217 = tpu.vector_load_idx %arg14[%add3A_112, %broadcast_in_dim3A_215] : memref<128x32xi32, #tpu.memory_space<vmem>>[vector<16xi32>, vector<16xi32>], vector<16xi32>,
        %shift_left3A_218 = arith.constant 16 : i32
        %shift_left3A_219 = vector.broadcast %shift_left3A_218 : i32 to vector<16xi32>
        %shift_left3A_220 = arith.shli %gather3A_216, %shift_left3A_219 : vector<16xi32>
        %bitcast_convert_type3A_221 = tpu.bitcast %shift_left3A_220 : vector<16xi32> -> vector<16xf32>
        %shift_left3A_222 = arith.constant 16 : i32
        %shift_left3A_223 = vector.broadcast %shift_left3A_222 : i32 to vector<16xi32>
        %shift_left3A_224 = arith.shli %gather3A_217, %shift_left3A_223 : vector<16xi32>
        %bitcast_convert_type3A_225 = tpu.bitcast %shift_left3A_224 : vector<16xi32> -> vector<16xf32>
        %and3A_226 = arith.andi %gather3A_216, %broadcast_in_dim3A_117 : vector<16xi32>
        %bitcast_convert_type3A_227 = tpu.bitcast %and3A_226 : vector<16xi32> -> vector<16xf32>
        %and3A_228 = arith.andi %gather3A_217, %broadcast_in_dim3A_117 : vector<16xi32>
        %bitcast_convert_type3A_229 = tpu.bitcast %and3A_228 : vector<16xi32> -> vector<16xf32>
        %mul3A_230 = arith.mulf %bitcast_convert_type3A_221, %bitcast_convert_type3A_225 : vector<16xf32>
        %add3A_231 = arith.addf %add3A_211, %mul3A_230 : vector<16xf32>
        %mul3A_232 = arith.mulf %bitcast_convert_type3A_227, %bitcast_convert_type3A_229 : vector<16xf32>
        %add3A_233 = arith.addf %add3A_213, %mul3A_232 : vector<16xf32>
        %broadcast_in_dim3A_234 = arith.constant 6 : i32
        %broadcast_in_dim3A_235 = vector.broadcast %broadcast_in_dim3A_234 : i32 to vector<16xi32>
        %gather3A_236 = tpu.vector_load_idx %arg12[%add3A_112, %broadcast_in_dim3A_235] : memref<128x32xi32, #tpu.memory_space<vmem>>[vector<16xi32>, vector<16xi32>], vector<16xi32>,
        %gather3A_237 = tpu.vector_load_idx %arg14[%add3A_112, %broadcast_in_dim3A_235] : memref<128x32xi32, #tpu.memory_space<vmem>>[vector<16xi32>, vector<16xi32>], vector<16xi32>,
        %shift_left3A_238 = arith.constant 16 : i32
        %shift_left3A_239 = vector.broadcast %shift_left3A_238 : i32 to vector<16xi32>
        %shift_left3A_240 = arith.shli %gather3A_236, %shift_left3A_239 : vector<16xi32>
        %bitcast_convert_type3A_241 = tpu.bitcast %shift_left3A_240 : vector<16xi32> -> vector<16xf32>
        %shift_left3A_242 = arith.constant 16 : i32
        %shift_left3A_243 = vector.broadcast %shift_left3A_242 : i32 to vector<16xi32>
        %shift_left3A_244 = arith.shli %gather3A_237, %shift_left3A_243 : vector<16xi32>
        %bitcast_convert_type3A_245 = tpu.bitcast %shift_left3A_244 : vector<16xi32> -> vector<16xf32>
        %and3A_246 = arith.andi %gather3A_236, %broadcast_in_dim3A_117 : vector<16xi32>
        %bitcast_convert_type3A_247 = tpu.bitcast %and3A_246 : vector<16xi32> -> vector<16xf32>
        %and3A_248 = arith.andi %gather3A_237, %broadcast_in_dim3A_117 : vector<16xi32>
        %bitcast_convert_type3A_249 = tpu.bitcast %and3A_248 : vector<16xi32> -> vector<16xf32>
        %mul3A_250 = arith.mulf %bitcast_convert_type3A_241, %bitcast_convert_type3A_245 : vector<16xf32>
        %add3A_251 = arith.addf %add3A_231, %mul3A_250 : vector<16xf32>
        %mul3A_252 = arith.mulf %bitcast_convert_type3A_247, %bitcast_convert_type3A_249 : vector<16xf32>
        %add3A_253 = arith.addf %add3A_233, %mul3A_252 : vector<16xf32>
        %broadcast_in_dim3A_254 = arith.constant 7 : i32
        %broadcast_in_dim3A_255 = vector.broadcast %broadcast_in_dim3A_254 : i32 to vector<16xi32>
        %gather3A_256 = tpu.vector_load_idx %arg12[%add3A_112, %broadcast_in_dim3A_255] : memref<128x32xi32, #tpu.memory_space<vmem>>[vector<16xi32>, vector<16xi32>], vector<16xi32>,
        %gather3A_257 = tpu.vector_load_idx %arg14[%add3A_112, %broadcast_in_dim3A_255] : memref<128x32xi32, #tpu.memory_space<vmem>>[vector<16xi32>, vector<16xi32>], vector<16xi32>,
        %shift_left3A_258 = arith.constant 16 : i32
        %shift_left3A_259 = vector.broadcast %shift_left3A_258 : i32 to vector<16xi32>
        %shift_left3A_260 = arith.shli %gather3A_256, %shift_left3A_259 : vector<16xi32>
        %bitcast_convert_type3A_261 = tpu.bitcast %shift_left3A_260 : vector<16xi32> -> vector<16xf32>
        %shift_left3A_262 = arith.constant 16 : i32
        %shift_left3A_263 = vector.broadcast %shift_left3A_262 : i32 to vector<16xi32>
        %shift_left3A_264 = arith.shli %gather3A_257, %shift_left3A_263 : vector<16xi32>
        %bitcast_convert_type3A_265 = tpu.bitcast %shift_left3A_264 : vector<16xi32> -> vector<16xf32>
        %and3A_266 = arith.andi %gather3A_256, %broadcast_in_dim3A_117 : vector<16xi32>
        %bitcast_convert_type3A_267 = tpu.bitcast %and3A_266 : vector<16xi32> -> vector<16xf32>
        %and3A_268 = arith.andi %gather3A_257, %broadcast_in_dim3A_117 : vector<16xi32>
        %bitcast_convert_type3A_269 = tpu.bitcast %and3A_268 : vector<16xi32> -> vector<16xf32>
        %mul3A_270 = arith.mulf %bitcast_convert_type3A_261, %bitcast_convert_type3A_265 : vector<16xf32>
        %add3A_271 = arith.addf %add3A_251, %mul3A_270 : vector<16xf32>
        %mul3A_272 = arith.mulf %bitcast_convert_type3A_267, %bitcast_convert_type3A_269 : vector<16xf32>
        %add3A_273 = arith.addf %add3A_253, %mul3A_272 : vector<16xf32>
        %broadcast_in_dim3A_274 = arith.constant 8 : i32
        %broadcast_in_dim3A_275 = vector.broadcast %broadcast_in_dim3A_274 : i32 to vector<16xi32>
        %gather3A_276 = tpu.vector_load_idx %arg12[%add3A_112, %broadcast_in_dim3A_275] : memref<128x32xi32, #tpu.memory_space<vmem>>[vector<16xi32>, vector<16xi32>], vector<16xi32>,
        %gather3A_277 = tpu.vector_load_idx %arg14[%add3A_112, %broadcast_in_dim3A_275] : memref<128x32xi32, #tpu.memory_space<vmem>>[vector<16xi32>, vector<16xi32>], vector<16xi32>,
        %shift_left3A_278 = arith.constant 16 : i32
        %shift_left3A_279 = vector.broadcast %shift_left3A_278 : i32 to vector<16xi32>
        %shift_left3A_280 = arith.shli %gather3A_276, %shift_left3A_279 : vector<16xi32>
        %bitcast_convert_type3A_281 = tpu.bitcast %shift_left3A_280 : vector<16xi32> -> vector<16xf32>
        %shift_left3A_282 = arith.constant 16 : i32
        %shift_left3A_283 = vector.broadcast %shift_left3A_282 : i32 to vector<16xi32>
        %shift_left3A_284 = arith.shli %gather3A_277, %shift_left3A_283 : vector<16xi32>
        %bitcast_convert_type3A_285 = tpu.bitcast %shift_left3A_284 : vector<16xi32> -> vector<16xf32>
        %and3A_286 = arith.andi %gather3A_276, %broadcast_in_dim3A_117 : vector<16xi32>
        %bitcast_convert_type3A_287 = tpu.bitcast %and3A_286 : vector<16xi32> -> vector<16xf32>
        %and3A_288 = arith.andi %gather3A_277, %broadcast_in_dim3A_117 : vector<16xi32>
        %bitcast_convert_type3A_289 = tpu.bitcast %and3A_288 : vector<16xi32> -> vector<16xf32>
        %mul3A_290 = arith.mulf %bitcast_convert_type3A_281, %bitcast_convert_type3A_285 : vector<16xf32>
        %add3A_291 = arith.addf %add3A_271, %mul3A_290 : vector<16xf32>
        %mul3A_292 = arith.mulf %bitcast_convert_type3A_287, %bitcast_convert_type3A_289 : vector<16xf32>
        %add3A_293 = arith.addf %add3A_273, %mul3A_292 : vector<16xf32>
        %broadcast_in_dim3A_294 = arith.constant 9 : i32
        %broadcast_in_dim3A_295 = vector.broadcast %broadcast_in_dim3A_294 : i32 to vector<16xi32>
        %gather3A_296 = tpu.vector_load_idx %arg12[%add3A_112, %broadcast_in_dim3A_295] : memref<128x32xi32, #tpu.memory_space<vmem>>[vector<16xi32>, vector<16xi32>], vector<16xi32>,
        %gather3A_297 = tpu.vector_load_idx %arg14[%add3A_112, %broadcast_in_dim3A_295] : memref<128x32xi32, #tpu.memory_space<vmem>>[vector<16xi32>, vector<16xi32>], vector<16xi32>,
        %shift_left3A_298 = arith.constant 16 : i32
        %shift_left3A_299 = vector.broadcast %shift_left3A_298 : i32 to vector<16xi32>
        %shift_left3A_300 = arith.shli %gather3A_296, %shift_left3A_299 : vector<16xi32>
        %bitcast_convert_type3A_301 = tpu.bitcast %shift_left3A_300 : vector<16xi32> -> vector<16xf32>
        %shift_left3A_302 = arith.constant 16 : i32
        %shift_left3A_303 = vector.broadcast %shift_left3A_302 : i32 to vector<16xi32>
        %shift_left3A_304 = arith.shli %gather3A_297, %shift_left3A_303 : vector<16xi32>
        %bitcast_convert_type3A_305 = tpu.bitcast %shift_left3A_304 : vector<16xi32> -> vector<16xf32>
        %and3A_306 = arith.andi %gather3A_296, %broadcast_in_dim3A_117 : vector<16xi32>
        %bitcast_convert_type3A_307 = tpu.bitcast %and3A_306 : vector<16xi32> -> vector<16xf32>
        %and3A_308 = arith.andi %gather3A_297, %broadcast_in_dim3A_117 : vector<16xi32>
        %bitcast_convert_type3A_309 = tpu.bitcast %and3A_308 : vector<16xi32> -> vector<16xf32>
        %mul3A_310 = arith.mulf %bitcast_convert_type3A_301, %bitcast_convert_type3A_305 : vector<16xf32>
        %add3A_311 = arith.addf %add3A_291, %mul3A_310 : vector<16xf32>
        %mul3A_312 = arith.mulf %bitcast_convert_type3A_307, %bitcast_convert_type3A_309 : vector<16xf32>
        %add3A_313 = arith.addf %add3A_293, %mul3A_312 : vector<16xf32>
        %broadcast_in_dim3A_314 = arith.constant 10 : i32
        %broadcast_in_dim3A_315 = vector.broadcast %broadcast_in_dim3A_314 : i32 to vector<16xi32>
        %gather3A_316 = tpu.vector_load_idx %arg12[%add3A_112, %broadcast_in_dim3A_315] : memref<128x32xi32, #tpu.memory_space<vmem>>[vector<16xi32>, vector<16xi32>], vector<16xi32>,
        %gather3A_317 = tpu.vector_load_idx %arg14[%add3A_112, %broadcast_in_dim3A_315] : memref<128x32xi32, #tpu.memory_space<vmem>>[vector<16xi32>, vector<16xi32>], vector<16xi32>,
        %shift_left3A_318 = arith.constant 16 : i32
        %shift_left3A_319 = vector.broadcast %shift_left3A_318 : i32 to vector<16xi32>
        %shift_left3A_320 = arith.shli %gather3A_316, %shift_left3A_319 : vector<16xi32>
        %bitcast_convert_type3A_321 = tpu.bitcast %shift_left3A_320 : vector<16xi32> -> vector<16xf32>
        %shift_left3A_322 = arith.constant 16 : i32
        %shift_left3A_323 = vector.broadcast %shift_left3A_322 : i32 to vector<16xi32>
        %shift_left3A_324 = arith.shli %gather3A_317, %shift_left3A_323 : vector<16xi32>
        %bitcast_convert_type3A_325 = tpu.bitcast %shift_left3A_324 : vector<16xi32> -> vector<16xf32>
        %and3A_326 = arith.andi %gather3A_316, %broadcast_in_dim3A_117 : vector<16xi32>
        %bitcast_convert_type3A_327 = tpu.bitcast %and3A_326 : vector<16xi32> -> vector<16xf32>
        %and3A_328 = arith.andi %gather3A_317, %broadcast_in_dim3A_117 : vector<16xi32>
        %bitcast_convert_type3A_329 = tpu.bitcast %and3A_328 : vector<16xi32> -> vector<16xf32>
        %mul3A_330 = arith.mulf %bitcast_convert_type3A_321, %bitcast_convert_type3A_325 : vector<16xf32>
        %add3A_331 = arith.addf %add3A_311, %mul3A_330 : vector<16xf32>
        %mul3A_332 = arith.mulf %bitcast_convert_type3A_327, %bitcast_convert_type3A_329 : vector<16xf32>
        %add3A_333 = arith.addf %add3A_313, %mul3A_332 : vector<16xf32>
        %broadcast_in_dim3A_334 = arith.constant 11 : i32
        %broadcast_in_dim3A_335 = vector.broadcast %broadcast_in_dim3A_334 : i32 to vector<16xi32>
        %gather3A_336 = tpu.vector_load_idx %arg12[%add3A_112, %broadcast_in_dim3A_335] : memref<128x32xi32, #tpu.memory_space<vmem>>[vector<16xi32>, vector<16xi32>], vector<16xi32>,
        %gather3A_337 = tpu.vector_load_idx %arg14[%add3A_112, %broadcast_in_dim3A_335] : memref<128x32xi32, #tpu.memory_space<vmem>>[vector<16xi32>, vector<16xi32>], vector<16xi32>,
        %shift_left3A_338 = arith.constant 16 : i32
        %shift_left3A_339 = vector.broadcast %shift_left3A_338 : i32 to vector<16xi32>
        %shift_left3A_340 = arith.shli %gather3A_336, %shift_left3A_339 : vector<16xi32>
        %bitcast_convert_type3A_341 = tpu.bitcast %shift_left3A_340 : vector<16xi32> -> vector<16xf32>
        %shift_left3A_342 = arith.constant 16 : i32
        %shift_left3A_343 = vector.broadcast %shift_left3A_342 : i32 to vector<16xi32>
        %shift_left3A_344 = arith.shli %gather3A_337, %shift_left3A_343 : vector<16xi32>
        %bitcast_convert_type3A_345 = tpu.bitcast %shift_left3A_344 : vector<16xi32> -> vector<16xf32>
        %and3A_346 = arith.andi %gather3A_336, %broadcast_in_dim3A_117 : vector<16xi32>
        %bitcast_convert_type3A_347 = tpu.bitcast %and3A_346 : vector<16xi32> -> vector<16xf32>
        %and3A_348 = arith.andi %gather3A_337, %broadcast_in_dim3A_117 : vector<16xi32>
        %bitcast_convert_type3A_349 = tpu.bitcast %and3A_348 : vector<16xi32> -> vector<16xf32>
        %mul3A_350 = arith.mulf %bitcast_convert_type3A_341, %bitcast_convert_type3A_345 : vector<16xf32>
        %add3A_351 = arith.addf %add3A_331, %mul3A_350 : vector<16xf32>
        %mul3A_352 = arith.mulf %bitcast_convert_type3A_347, %bitcast_convert_type3A_349 : vector<16xf32>
        %add3A_353 = arith.addf %add3A_333, %mul3A_352 : vector<16xf32>
        %broadcast_in_dim3A_354 = arith.constant 12 : i32
        %broadcast_in_dim3A_355 = vector.broadcast %broadcast_in_dim3A_354 : i32 to vector<16xi32>
        %gather3A_356 = tpu.vector_load_idx %arg12[%add3A_112, %broadcast_in_dim3A_355] : memref<128x32xi32, #tpu.memory_space<vmem>>[vector<16xi32>, vector<16xi32>], vector<16xi32>,
        %gather3A_357 = tpu.vector_load_idx %arg14[%add3A_112, %broadcast_in_dim3A_355] : memref<128x32xi32, #tpu.memory_space<vmem>>[vector<16xi32>, vector<16xi32>], vector<16xi32>,
        %shift_left3A_358 = arith.constant 16 : i32
        %shift_left3A_359 = vector.broadcast %shift_left3A_358 : i32 to vector<16xi32>
        %shift_left3A_360 = arith.shli %gather3A_356, %shift_left3A_359 : vector<16xi32>
        %bitcast_convert_type3A_361 = tpu.bitcast %shift_left3A_360 : vector<16xi32> -> vector<16xf32>
        %shift_left3A_362 = arith.constant 16 : i32
        %shift_left3A_363 = vector.broadcast %shift_left3A_362 : i32 to vector<16xi32>
        %shift_left3A_364 = arith.shli %gather3A_357, %shift_left3A_363 : vector<16xi32>
        %bitcast_convert_type3A_365 = tpu.bitcast %shift_left3A_364 : vector<16xi32> -> vector<16xf32>
        %and3A_366 = arith.andi %gather3A_356, %broadcast_in_dim3A_117 : vector<16xi32>
        %bitcast_convert_type3A_367 = tpu.bitcast %and3A_366 : vector<16xi32> -> vector<16xf32>
        %and3A_368 = arith.andi %gather3A_357, %broadcast_in_dim3A_117 : vector<16xi32>
        %bitcast_convert_type3A_369 = tpu.bitcast %and3A_368 : vector<16xi32> -> vector<16xf32>
        %mul3A_370 = arith.mulf %bitcast_convert_type3A_361, %bitcast_convert_type3A_365 : vector<16xf32>
        %add3A_371 = arith.addf %add3A_351, %mul3A_370 : vector<16xf32>
        %mul3A_372 = arith.mulf %bitcast_convert_type3A_367, %bitcast_convert_type3A_369 : vector<16xf32>
        %add3A_373 = arith.addf %add3A_353, %mul3A_372 : vector<16xf32>
        %broadcast_in_dim3A_374 = arith.constant 13 : i32
        %broadcast_in_dim3A_375 = vector.broadcast %broadcast_in_dim3A_374 : i32 to vector<16xi32>
        %gather3A_376 = tpu.vector_load_idx %arg12[%add3A_112, %broadcast_in_dim3A_375] : memref<128x32xi32, #tpu.memory_space<vmem>>[vector<16xi32>, vector<16xi32>], vector<16xi32>,
        %gather3A_377 = tpu.vector_load_idx %arg14[%add3A_112, %broadcast_in_dim3A_375] : memref<128x32xi32, #tpu.memory_space<vmem>>[vector<16xi32>, vector<16xi32>], vector<16xi32>,
        %shift_left3A_378 = arith.constant 16 : i32
        %shift_left3A_379 = vector.broadcast %shift_left3A_378 : i32 to vector<16xi32>
        %shift_left3A_380 = arith.shli %gather3A_376, %shift_left3A_379 : vector<16xi32>
        %bitcast_convert_type3A_381 = tpu.bitcast %shift_left3A_380 : vector<16xi32> -> vector<16xf32>
        %shift_left3A_382 = arith.constant 16 : i32
        %shift_left3A_383 = vector.broadcast %shift_left3A_382 : i32 to vector<16xi32>
        %shift_left3A_384 = arith.shli %gather3A_377, %shift_left3A_383 : vector<16xi32>
        %bitcast_convert_type3A_385 = tpu.bitcast %shift_left3A_384 : vector<16xi32> -> vector<16xf32>
        %and3A_386 = arith.andi %gather3A_376, %broadcast_in_dim3A_117 : vector<16xi32>
        %bitcast_convert_type3A_387 = tpu.bitcast %and3A_386 : vector<16xi32> -> vector<16xf32>
        %and3A_388 = arith.andi %gather3A_377, %broadcast_in_dim3A_117 : vector<16xi32>
        %bitcast_convert_type3A_389 = tpu.bitcast %and3A_388 : vector<16xi32> -> vector<16xf32>
        %mul3A_390 = arith.mulf %bitcast_convert_type3A_381, %bitcast_convert_type3A_385 : vector<16xf32>
        %add3A_391 = arith.addf %add3A_371, %mul3A_390 : vector<16xf32>
        %mul3A_392 = arith.mulf %bitcast_convert_type3A_387, %bitcast_convert_type3A_389 : vector<16xf32>
        %add3A_393 = arith.addf %add3A_373, %mul3A_392 : vector<16xf32>
        %broadcast_in_dim3A_394 = arith.constant 14 : i32
        %broadcast_in_dim3A_395 = vector.broadcast %broadcast_in_dim3A_394 : i32 to vector<16xi32>
        %gather3A_396 = tpu.vector_load_idx %arg12[%add3A_112, %broadcast_in_dim3A_395] : memref<128x32xi32, #tpu.memory_space<vmem>>[vector<16xi32>, vector<16xi32>], vector<16xi32>,
        %gather3A_397 = tpu.vector_load_idx %arg14[%add3A_112, %broadcast_in_dim3A_395] : memref<128x32xi32, #tpu.memory_space<vmem>>[vector<16xi32>, vector<16xi32>], vector<16xi32>,
        %shift_left3A_398 = arith.constant 16 : i32
        %shift_left3A_399 = vector.broadcast %shift_left3A_398 : i32 to vector<16xi32>
        %shift_left3A_400 = arith.shli %gather3A_396, %shift_left3A_399 : vector<16xi32>
        %bitcast_convert_type3A_401 = tpu.bitcast %shift_left3A_400 : vector<16xi32> -> vector<16xf32>
        %shift_left3A_402 = arith.constant 16 : i32
        %shift_left3A_403 = vector.broadcast %shift_left3A_402 : i32 to vector<16xi32>
        %shift_left3A_404 = arith.shli %gather3A_397, %shift_left3A_403 : vector<16xi32>
        %bitcast_convert_type3A_405 = tpu.bitcast %shift_left3A_404 : vector<16xi32> -> vector<16xf32>
        %and3A_406 = arith.andi %gather3A_396, %broadcast_in_dim3A_117 : vector<16xi32>
        %bitcast_convert_type3A_407 = tpu.bitcast %and3A_406 : vector<16xi32> -> vector<16xf32>
        %and3A_408 = arith.andi %gather3A_397, %broadcast_in_dim3A_117 : vector<16xi32>
        %bitcast_convert_type3A_409 = tpu.bitcast %and3A_408 : vector<16xi32> -> vector<16xf32>
        %mul3A_410 = arith.mulf %bitcast_convert_type3A_401, %bitcast_convert_type3A_405 : vector<16xf32>
        %add3A_411 = arith.addf %add3A_391, %mul3A_410 : vector<16xf32>
        %mul3A_412 = arith.mulf %bitcast_convert_type3A_407, %bitcast_convert_type3A_409 : vector<16xf32>
        %add3A_413 = arith.addf %add3A_393, %mul3A_412 : vector<16xf32>
        %broadcast_in_dim3A_414 = arith.constant 15 : i32
        %broadcast_in_dim3A_415 = vector.broadcast %broadcast_in_dim3A_414 : i32 to vector<16xi32>
        %gather3A_416 = tpu.vector_load_idx %arg12[%add3A_112, %broadcast_in_dim3A_415] : memref<128x32xi32, #tpu.memory_space<vmem>>[vector<16xi32>, vector<16xi32>], vector<16xi32>,
        %gather3A_417 = tpu.vector_load_idx %arg14[%add3A_112, %broadcast_in_dim3A_415] : memref<128x32xi32, #tpu.memory_space<vmem>>[vector<16xi32>, vector<16xi32>], vector<16xi32>,
        %shift_left3A_418 = arith.constant 16 : i32
        %shift_left3A_419 = vector.broadcast %shift_left3A_418 : i32 to vector<16xi32>
        %shift_left3A_420 = arith.shli %gather3A_416, %shift_left3A_419 : vector<16xi32>
        %bitcast_convert_type3A_421 = tpu.bitcast %shift_left3A_420 : vector<16xi32> -> vector<16xf32>
        %shift_left3A_422 = arith.constant 16 : i32
        %shift_left3A_423 = vector.broadcast %shift_left3A_422 : i32 to vector<16xi32>
        %shift_left3A_424 = arith.shli %gather3A_417, %shift_left3A_423 : vector<16xi32>
        %bitcast_convert_type3A_425 = tpu.bitcast %shift_left3A_424 : vector<16xi32> -> vector<16xf32>
        %and3A_426 = arith.andi %gather3A_416, %broadcast_in_dim3A_117 : vector<16xi32>
        %bitcast_convert_type3A_427 = tpu.bitcast %and3A_426 : vector<16xi32> -> vector<16xf32>
        %and3A_428 = arith.andi %gather3A_417, %broadcast_in_dim3A_117 : vector<16xi32>
        %bitcast_convert_type3A_429 = tpu.bitcast %and3A_428 : vector<16xi32> -> vector<16xf32>
        %mul3A_430 = arith.mulf %bitcast_convert_type3A_421, %bitcast_convert_type3A_425 : vector<16xf32>
        %add3A_431 = arith.addf %add3A_411, %mul3A_430 : vector<16xf32>
        %mul3A_432 = arith.mulf %bitcast_convert_type3A_427, %bitcast_convert_type3A_429 : vector<16xf32>
        %add3A_433 = arith.addf %add3A_413, %mul3A_432 : vector<16xf32>
        %broadcast_in_dim3A_434 = arith.constant 16 : i32
        %broadcast_in_dim3A_435 = vector.broadcast %broadcast_in_dim3A_434 : i32 to vector<16xi32>
        %gather3A_436 = tpu.vector_load_idx %arg12[%add3A_112, %broadcast_in_dim3A_435] : memref<128x32xi32, #tpu.memory_space<vmem>>[vector<16xi32>, vector<16xi32>], vector<16xi32>,
        %gather3A_437 = tpu.vector_load_idx %arg14[%add3A_112, %broadcast_in_dim3A_435] : memref<128x32xi32, #tpu.memory_space<vmem>>[vector<16xi32>, vector<16xi32>], vector<16xi32>,
        %shift_left3A_438 = arith.constant 16 : i32
        %shift_left3A_439 = vector.broadcast %shift_left3A_438 : i32 to vector<16xi32>
        %shift_left3A_440 = arith.shli %gather3A_436, %shift_left3A_439 : vector<16xi32>
        %bitcast_convert_type3A_441 = tpu.bitcast %shift_left3A_440 : vector<16xi32> -> vector<16xf32>
        %shift_left3A_442 = arith.constant 16 : i32
        %shift_left3A_443 = vector.broadcast %shift_left3A_442 : i32 to vector<16xi32>
        %shift_left3A_444 = arith.shli %gather3A_437, %shift_left3A_443 : vector<16xi32>
        %bitcast_convert_type3A_445 = tpu.bitcast %shift_left3A_444 : vector<16xi32> -> vector<16xf32>
        %and3A_446 = arith.andi %gather3A_436, %broadcast_in_dim3A_117 : vector<16xi32>
        %bitcast_convert_type3A_447 = tpu.bitcast %and3A_446 : vector<16xi32> -> vector<16xf32>
        %and3A_448 = arith.andi %gather3A_437, %broadcast_in_dim3A_117 : vector<16xi32>
        %bitcast_convert_type3A_449 = tpu.bitcast %and3A_448 : vector<16xi32> -> vector<16xf32>
        %mul3A_450 = arith.mulf %bitcast_convert_type3A_441, %bitcast_convert_type3A_445 : vector<16xf32>
        %add3A_451 = arith.addf %add3A_431, %mul3A_450 : vector<16xf32>
        %mul3A_452 = arith.mulf %bitcast_convert_type3A_447, %bitcast_convert_type3A_449 : vector<16xf32>
        %add3A_453 = arith.addf %add3A_433, %mul3A_452 : vector<16xf32>
        %broadcast_in_dim3A_454 = arith.constant 17 : i32
        %broadcast_in_dim3A_455 = vector.broadcast %broadcast_in_dim3A_454 : i32 to vector<16xi32>
        %gather3A_456 = tpu.vector_load_idx %arg12[%add3A_112, %broadcast_in_dim3A_455] : memref<128x32xi32, #tpu.memory_space<vmem>>[vector<16xi32>, vector<16xi32>], vector<16xi32>,
        %gather3A_457 = tpu.vector_load_idx %arg14[%add3A_112, %broadcast_in_dim3A_455] : memref<128x32xi32, #tpu.memory_space<vmem>>[vector<16xi32>, vector<16xi32>], vector<16xi32>,
        %shift_left3A_458 = arith.constant 16 : i32
        %shift_left3A_459 = vector.broadcast %shift_left3A_458 : i32 to vector<16xi32>
        %shift_left3A_460 = arith.shli %gather3A_456, %shift_left3A_459 : vector<16xi32>
        %bitcast_convert_type3A_461 = tpu.bitcast %shift_left3A_460 : vector<16xi32> -> vector<16xf32>
        %shift_left3A_462 = arith.constant 16 : i32
        %shift_left3A_463 = vector.broadcast %shift_left3A_462 : i32 to vector<16xi32>
        %shift_left3A_464 = arith.shli %gather3A_457, %shift_left3A_463 : vector<16xi32>
        %bitcast_convert_type3A_465 = tpu.bitcast %shift_left3A_464 : vector<16xi32> -> vector<16xf32>
        %and3A_466 = arith.andi %gather3A_456, %broadcast_in_dim3A_117 : vector<16xi32>
        %bitcast_convert_type3A_467 = tpu.bitcast %and3A_466 : vector<16xi32> -> vector<16xf32>
        %and3A_468 = arith.andi %gather3A_457, %broadcast_in_dim3A_117 : vector<16xi32>
        %bitcast_convert_type3A_469 = tpu.bitcast %and3A_468 : vector<16xi32> -> vector<16xf32>
        %mul3A_470 = arith.mulf %bitcast_convert_type3A_461, %bitcast_convert_type3A_465 : vector<16xf32>
        %add3A_471 = arith.addf %add3A_451, %mul3A_470 : vector<16xf32>
        %mul3A_472 = arith.mulf %bitcast_convert_type3A_467, %bitcast_convert_type3A_469 : vector<16xf32>
        %add3A_473 = arith.addf %add3A_453, %mul3A_472 : vector<16xf32>
        %broadcast_in_dim3A_474 = arith.constant 18 : i32
        %broadcast_in_dim3A_475 = vector.broadcast %broadcast_in_dim3A_474 : i32 to vector<16xi32>
        %gather3A_476 = tpu.vector_load_idx %arg12[%add3A_112, %broadcast_in_dim3A_475] : memref<128x32xi32, #tpu.memory_space<vmem>>[vector<16xi32>, vector<16xi32>], vector<16xi32>,
        %gather3A_477 = tpu.vector_load_idx %arg14[%add3A_112, %broadcast_in_dim3A_475] : memref<128x32xi32, #tpu.memory_space<vmem>>[vector<16xi32>, vector<16xi32>], vector<16xi32>,
        %shift_left3A_478 = arith.constant 16 : i32
        %shift_left3A_479 = vector.broadcast %shift_left3A_478 : i32 to vector<16xi32>
        %shift_left3A_480 = arith.shli %gather3A_476, %shift_left3A_479 : vector<16xi32>
        %bitcast_convert_type3A_481 = tpu.bitcast %shift_left3A_480 : vector<16xi32> -> vector<16xf32>
        %shift_left3A_482 = arith.constant 16 : i32
        %shift_left3A_483 = vector.broadcast %shift_left3A_482 : i32 to vector<16xi32>
        %shift_left3A_484 = arith.shli %gather3A_477, %shift_left3A_483 : vector<16xi32>
        %bitcast_convert_type3A_485 = tpu.bitcast %shift_left3A_484 : vector<16xi32> -> vector<16xf32>
        %and3A_486 = arith.andi %gather3A_476, %broadcast_in_dim3A_117 : vector<16xi32>
        %bitcast_convert_type3A_487 = tpu.bitcast %and3A_486 : vector<16xi32> -> vector<16xf32>
        %and3A_488 = arith.andi %gather3A_477, %broadcast_in_dim3A_117 : vector<16xi32>
        %bitcast_convert_type3A_489 = tpu.bitcast %and3A_488 : vector<16xi32> -> vector<16xf32>
        %mul3A_490 = arith.mulf %bitcast_convert_type3A_481, %bitcast_convert_type3A_485 : vector<16xf32>
        %add3A_491 = arith.addf %add3A_471, %mul3A_490 : vector<16xf32>
        %mul3A_492 = arith.mulf %bitcast_convert_type3A_487, %bitcast_convert_type3A_489 : vector<16xf32>
        %add3A_493 = arith.addf %add3A_473, %mul3A_492 : vector<16xf32>
        %broadcast_in_dim3A_494 = arith.constant 19 : i32
        %broadcast_in_dim3A_495 = vector.broadcast %broadcast_in_dim3A_494 : i32 to vector<16xi32>
        %gather3A_496 = tpu.vector_load_idx %arg12[%add3A_112, %broadcast_in_dim3A_495] : memref<128x32xi32, #tpu.memory_space<vmem>>[vector<16xi32>, vector<16xi32>], vector<16xi32>,
        %gather3A_497 = tpu.vector_load_idx %arg14[%add3A_112, %broadcast_in_dim3A_495] : memref<128x32xi32, #tpu.memory_space<vmem>>[vector<16xi32>, vector<16xi32>], vector<16xi32>,
        %shift_left3A_498 = arith.constant 16 : i32
        %shift_left3A_499 = vector.broadcast %shift_left3A_498 : i32 to vector<16xi32>
        %shift_left3A_500 = arith.shli %gather3A_496, %shift_left3A_499 : vector<16xi32>
        %bitcast_convert_type3A_501 = tpu.bitcast %shift_left3A_500 : vector<16xi32> -> vector<16xf32>
        %shift_left3A_502 = arith.constant 16 : i32
        %shift_left3A_503 = vector.broadcast %shift_left3A_502 : i32 to vector<16xi32>
        %shift_left3A_504 = arith.shli %gather3A_497, %shift_left3A_503 : vector<16xi32>
        %bitcast_convert_type3A_505 = tpu.bitcast %shift_left3A_504 : vector<16xi32> -> vector<16xf32>
        %and3A_506 = arith.andi %gather3A_496, %broadcast_in_dim3A_117 : vector<16xi32>
        %bitcast_convert_type3A_507 = tpu.bitcast %and3A_506 : vector<16xi32> -> vector<16xf32>
        %and3A_508 = arith.andi %gather3A_497, %broadcast_in_dim3A_117 : vector<16xi32>
        %bitcast_convert_type3A_509 = tpu.bitcast %and3A_508 : vector<16xi32> -> vector<16xf32>
        %mul3A_510 = arith.mulf %bitcast_convert_type3A_501, %bitcast_convert_type3A_505 : vector<16xf32>
        %add3A_511 = arith.addf %add3A_491, %mul3A_510 : vector<16xf32>
        %mul3A_512 = arith.mulf %bitcast_convert_type3A_507, %bitcast_convert_type3A_509 : vector<16xf32>
        %add3A_513 = arith.addf %add3A_493, %mul3A_512 : vector<16xf32>
        %broadcast_in_dim3A_514 = arith.constant 20 : i32
        %broadcast_in_dim3A_515 = vector.broadcast %broadcast_in_dim3A_514 : i32 to vector<16xi32>
        %gather3A_516 = tpu.vector_load_idx %arg12[%add3A_112, %broadcast_in_dim3A_515] : memref<128x32xi32, #tpu.memory_space<vmem>>[vector<16xi32>, vector<16xi32>], vector<16xi32>,
        %gather3A_517 = tpu.vector_load_idx %arg14[%add3A_112, %broadcast_in_dim3A_515] : memref<128x32xi32, #tpu.memory_space<vmem>>[vector<16xi32>, vector<16xi32>], vector<16xi32>,
        %shift_left3A_518 = arith.constant 16 : i32
        %shift_left3A_519 = vector.broadcast %shift_left3A_518 : i32 to vector<16xi32>
        %shift_left3A_520 = arith.shli %gather3A_516, %shift_left3A_519 : vector<16xi32>
        %bitcast_convert_type3A_521 = tpu.bitcast %shift_left3A_520 : vector<16xi32> -> vector<16xf32>
        %shift_left3A_522 = arith.constant 16 : i32
        %shift_left3A_523 = vector.broadcast %shift_left3A_522 : i32 to vector<16xi32>
        %shift_left3A_524 = arith.shli %gather3A_517, %shift_left3A_523 : vector<16xi32>
        %bitcast_convert_type3A_525 = tpu.bitcast %shift_left3A_524 : vector<16xi32> -> vector<16xf32>
        %and3A_526 = arith.andi %gather3A_516, %broadcast_in_dim3A_117 : vector<16xi32>
        %bitcast_convert_type3A_527 = tpu.bitcast %and3A_526 : vector<16xi32> -> vector<16xf32>
        %and3A_528 = arith.andi %gather3A_517, %broadcast_in_dim3A_117 : vector<16xi32>
        %bitcast_convert_type3A_529 = tpu.bitcast %and3A_528 : vector<16xi32> -> vector<16xf32>
        %mul3A_530 = arith.mulf %bitcast_convert_type3A_521, %bitcast_convert_type3A_525 : vector<16xf32>
        %add3A_531 = arith.addf %add3A_511, %mul3A_530 : vector<16xf32>
        %mul3A_532 = arith.mulf %bitcast_convert_type3A_527, %bitcast_convert_type3A_529 : vector<16xf32>
        %add3A_533 = arith.addf %add3A_513, %mul3A_532 : vector<16xf32>
        %broadcast_in_dim3A_534 = arith.constant 21 : i32
        %broadcast_in_dim3A_535 = vector.broadcast %broadcast_in_dim3A_534 : i32 to vector<16xi32>
        %gather3A_536 = tpu.vector_load_idx %arg12[%add3A_112, %broadcast_in_dim3A_535] : memref<128x32xi32, #tpu.memory_space<vmem>>[vector<16xi32>, vector<16xi32>], vector<16xi32>,
        %gather3A_537 = tpu.vector_load_idx %arg14[%add3A_112, %broadcast_in_dim3A_535] : memref<128x32xi32, #tpu.memory_space<vmem>>[vector<16xi32>, vector<16xi32>], vector<16xi32>,
        %shift_left3A_538 = arith.constant 16 : i32
        %shift_left3A_539 = vector.broadcast %shift_left3A_538 : i32 to vector<16xi32>
        %shift_left3A_540 = arith.shli %gather3A_536, %shift_left3A_539 : vector<16xi32>
        %bitcast_convert_type3A_541 = tpu.bitcast %shift_left3A_540 : vector<16xi32> -> vector<16xf32>
        %shift_left3A_542 = arith.constant 16 : i32
        %shift_left3A_543 = vector.broadcast %shift_left3A_542 : i32 to vector<16xi32>
        %shift_left3A_544 = arith.shli %gather3A_537, %shift_left3A_543 : vector<16xi32>
        %bitcast_convert_type3A_545 = tpu.bitcast %shift_left3A_544 : vector<16xi32> -> vector<16xf32>
        %and3A_546 = arith.andi %gather3A_536, %broadcast_in_dim3A_117 : vector<16xi32>
        %bitcast_convert_type3A_547 = tpu.bitcast %and3A_546 : vector<16xi32> -> vector<16xf32>
        %and3A_548 = arith.andi %gather3A_537, %broadcast_in_dim3A_117 : vector<16xi32>
        %bitcast_convert_type3A_549 = tpu.bitcast %and3A_548 : vector<16xi32> -> vector<16xf32>
        %mul3A_550 = arith.mulf %bitcast_convert_type3A_541, %bitcast_convert_type3A_545 : vector<16xf32>
        %add3A_551 = arith.addf %add3A_531, %mul3A_550 : vector<16xf32>
        %mul3A_552 = arith.mulf %bitcast_convert_type3A_547, %bitcast_convert_type3A_549 : vector<16xf32>
        %add3A_553 = arith.addf %add3A_533, %mul3A_552 : vector<16xf32>
        %broadcast_in_dim3A_554 = arith.constant 22 : i32
        %broadcast_in_dim3A_555 = vector.broadcast %broadcast_in_dim3A_554 : i32 to vector<16xi32>
        %gather3A_556 = tpu.vector_load_idx %arg12[%add3A_112, %broadcast_in_dim3A_555] : memref<128x32xi32, #tpu.memory_space<vmem>>[vector<16xi32>, vector<16xi32>], vector<16xi32>,
        %gather3A_557 = tpu.vector_load_idx %arg14[%add3A_112, %broadcast_in_dim3A_555] : memref<128x32xi32, #tpu.memory_space<vmem>>[vector<16xi32>, vector<16xi32>], vector<16xi32>,
        %shift_left3A_558 = arith.constant 16 : i32
        %shift_left3A_559 = vector.broadcast %shift_left3A_558 : i32 to vector<16xi32>
        %shift_left3A_560 = arith.shli %gather3A_556, %shift_left3A_559 : vector<16xi32>
        %bitcast_convert_type3A_561 = tpu.bitcast %shift_left3A_560 : vector<16xi32> -> vector<16xf32>
        %shift_left3A_562 = arith.constant 16 : i32
        %shift_left3A_563 = vector.broadcast %shift_left3A_562 : i32 to vector<16xi32>
        %shift_left3A_564 = arith.shli %gather3A_557, %shift_left3A_563 : vector<16xi32>
        %bitcast_convert_type3A_565 = tpu.bitcast %shift_left3A_564 : vector<16xi32> -> vector<16xf32>
        %and3A_566 = arith.andi %gather3A_556, %broadcast_in_dim3A_117 : vector<16xi32>
        %bitcast_convert_type3A_567 = tpu.bitcast %and3A_566 : vector<16xi32> -> vector<16xf32>
        %and3A_568 = arith.andi %gather3A_557, %broadcast_in_dim3A_117 : vector<16xi32>
        %bitcast_convert_type3A_569 = tpu.bitcast %and3A_568 : vector<16xi32> -> vector<16xf32>
        %mul3A_570 = arith.mulf %bitcast_convert_type3A_561, %bitcast_convert_type3A_565 : vector<16xf32>
        %add3A_571 = arith.addf %add3A_551, %mul3A_570 : vector<16xf32>
        %mul3A_572 = arith.mulf %bitcast_convert_type3A_567, %bitcast_convert_type3A_569 : vector<16xf32>
        %add3A_573 = arith.addf %add3A_553, %mul3A_572 : vector<16xf32>
        %broadcast_in_dim3A_574 = arith.constant 23 : i32
        %broadcast_in_dim3A_575 = vector.broadcast %broadcast_in_dim3A_574 : i32 to vector<16xi32>
        %gather3A_576 = tpu.vector_load_idx %arg12[%add3A_112, %broadcast_in_dim3A_575] : memref<128x32xi32, #tpu.memory_space<vmem>>[vector<16xi32>, vector<16xi32>], vector<16xi32>,
        %gather3A_577 = tpu.vector_load_idx %arg14[%add3A_112, %broadcast_in_dim3A_575] : memref<128x32xi32, #tpu.memory_space<vmem>>[vector<16xi32>, vector<16xi32>], vector<16xi32>,
        %shift_left3A_578 = arith.constant 16 : i32
        %shift_left3A_579 = vector.broadcast %shift_left3A_578 : i32 to vector<16xi32>
        %shift_left3A_580 = arith.shli %gather3A_576, %shift_left3A_579 : vector<16xi32>
        %bitcast_convert_type3A_581 = tpu.bitcast %shift_left3A_580 : vector<16xi32> -> vector<16xf32>
        %shift_left3A_582 = arith.constant 16 : i32
        %shift_left3A_583 = vector.broadcast %shift_left3A_582 : i32 to vector<16xi32>
        %shift_left3A_584 = arith.shli %gather3A_577, %shift_left3A_583 : vector<16xi32>
        %bitcast_convert_type3A_585 = tpu.bitcast %shift_left3A_584 : vector<16xi32> -> vector<16xf32>
        %and3A_586 = arith.andi %gather3A_576, %broadcast_in_dim3A_117 : vector<16xi32>
        %bitcast_convert_type3A_587 = tpu.bitcast %and3A_586 : vector<16xi32> -> vector<16xf32>
        %and3A_588 = arith.andi %gather3A_577, %broadcast_in_dim3A_117 : vector<16xi32>
        %bitcast_convert_type3A_589 = tpu.bitcast %and3A_588 : vector<16xi32> -> vector<16xf32>
        %mul3A_590 = arith.mulf %bitcast_convert_type3A_581, %bitcast_convert_type3A_585 : vector<16xf32>
        %add3A_591 = arith.addf %add3A_571, %mul3A_590 : vector<16xf32>
        %mul3A_592 = arith.mulf %bitcast_convert_type3A_587, %bitcast_convert_type3A_589 : vector<16xf32>
        %add3A_593 = arith.addf %add3A_573, %mul3A_592 : vector<16xf32>
        %broadcast_in_dim3A_594 = arith.constant 24 : i32
        %broadcast_in_dim3A_595 = vector.broadcast %broadcast_in_dim3A_594 : i32 to vector<16xi32>
        %gather3A_596 = tpu.vector_load_idx %arg12[%add3A_112, %broadcast_in_dim3A_595] : memref<128x32xi32, #tpu.memory_space<vmem>>[vector<16xi32>, vector<16xi32>], vector<16xi32>,
        %gather3A_597 = tpu.vector_load_idx %arg14[%add3A_112, %broadcast_in_dim3A_595] : memref<128x32xi32, #tpu.memory_space<vmem>>[vector<16xi32>, vector<16xi32>], vector<16xi32>,
        %shift_left3A_598 = arith.constant 16 : i32
        %shift_left3A_599 = vector.broadcast %shift_left3A_598 : i32 to vector<16xi32>
        %shift_left3A_600 = arith.shli %gather3A_596, %shift_left3A_599 : vector<16xi32>
        %bitcast_convert_type3A_601 = tpu.bitcast %shift_left3A_600 : vector<16xi32> -> vector<16xf32>
        %shift_left3A_602 = arith.constant 16 : i32
        %shift_left3A_603 = vector.broadcast %shift_left3A_602 : i32 to vector<16xi32>
        %shift_left3A_604 = arith.shli %gather3A_597, %shift_left3A_603 : vector<16xi32>
        %bitcast_convert_type3A_605 = tpu.bitcast %shift_left3A_604 : vector<16xi32> -> vector<16xf32>
        %and3A_606 = arith.andi %gather3A_596, %broadcast_in_dim3A_117 : vector<16xi32>
        %bitcast_convert_type3A_607 = tpu.bitcast %and3A_606 : vector<16xi32> -> vector<16xf32>
        %and3A_608 = arith.andi %gather3A_597, %broadcast_in_dim3A_117 : vector<16xi32>
        %bitcast_convert_type3A_609 = tpu.bitcast %and3A_608 : vector<16xi32> -> vector<16xf32>
        %mul3A_610 = arith.mulf %bitcast_convert_type3A_601, %bitcast_convert_type3A_605 : vector<16xf32>
        %add3A_611 = arith.addf %add3A_591, %mul3A_610 : vector<16xf32>
        %mul3A_612 = arith.mulf %bitcast_convert_type3A_607, %bitcast_convert_type3A_609 : vector<16xf32>
        %add3A_613 = arith.addf %add3A_593, %mul3A_612 : vector<16xf32>
        %broadcast_in_dim3A_614 = arith.constant 25 : i32
        %broadcast_in_dim3A_615 = vector.broadcast %broadcast_in_dim3A_614 : i32 to vector<16xi32>
        %gather3A_616 = tpu.vector_load_idx %arg12[%add3A_112, %broadcast_in_dim3A_615] : memref<128x32xi32, #tpu.memory_space<vmem>>[vector<16xi32>, vector<16xi32>], vector<16xi32>,
        %gather3A_617 = tpu.vector_load_idx %arg14[%add3A_112, %broadcast_in_dim3A_615] : memref<128x32xi32, #tpu.memory_space<vmem>>[vector<16xi32>, vector<16xi32>], vector<16xi32>,
        %shift_left3A_618 = arith.constant 16 : i32
        %shift_left3A_619 = vector.broadcast %shift_left3A_618 : i32 to vector<16xi32>
        %shift_left3A_620 = arith.shli %gather3A_616, %shift_left3A_619 : vector<16xi32>
        %bitcast_convert_type3A_621 = tpu.bitcast %shift_left3A_620 : vector<16xi32> -> vector<16xf32>
        %shift_left3A_622 = arith.constant 16 : i32
        %shift_left3A_623 = vector.broadcast %shift_left3A_622 : i32 to vector<16xi32>
        %shift_left3A_624 = arith.shli %gather3A_617, %shift_left3A_623 : vector<16xi32>
        %bitcast_convert_type3A_625 = tpu.bitcast %shift_left3A_624 : vector<16xi32> -> vector<16xf32>
        %and3A_626 = arith.andi %gather3A_616, %broadcast_in_dim3A_117 : vector<16xi32>
        %bitcast_convert_type3A_627 = tpu.bitcast %and3A_626 : vector<16xi32> -> vector<16xf32>
        %and3A_628 = arith.andi %gather3A_617, %broadcast_in_dim3A_117 : vector<16xi32>
        %bitcast_convert_type3A_629 = tpu.bitcast %and3A_628 : vector<16xi32> -> vector<16xf32>
        %mul3A_630 = arith.mulf %bitcast_convert_type3A_621, %bitcast_convert_type3A_625 : vector<16xf32>
        %add3A_631 = arith.addf %add3A_611, %mul3A_630 : vector<16xf32>
        %mul3A_632 = arith.mulf %bitcast_convert_type3A_627, %bitcast_convert_type3A_629 : vector<16xf32>
        %add3A_633 = arith.addf %add3A_613, %mul3A_632 : vector<16xf32>
        %broadcast_in_dim3A_634 = arith.constant 26 : i32
        %broadcast_in_dim3A_635 = vector.broadcast %broadcast_in_dim3A_634 : i32 to vector<16xi32>
        %gather3A_636 = tpu.vector_load_idx %arg12[%add3A_112, %broadcast_in_dim3A_635] : memref<128x32xi32, #tpu.memory_space<vmem>>[vector<16xi32>, vector<16xi32>], vector<16xi32>,
        %gather3A_637 = tpu.vector_load_idx %arg14[%add3A_112, %broadcast_in_dim3A_635] : memref<128x32xi32, #tpu.memory_space<vmem>>[vector<16xi32>, vector<16xi32>], vector<16xi32>,
        %shift_left3A_638 = arith.constant 16 : i32
        %shift_left3A_639 = vector.broadcast %shift_left3A_638 : i32 to vector<16xi32>
        %shift_left3A_640 = arith.shli %gather3A_636, %shift_left3A_639 : vector<16xi32>
        %bitcast_convert_type3A_641 = tpu.bitcast %shift_left3A_640 : vector<16xi32> -> vector<16xf32>
        %shift_left3A_642 = arith.constant 16 : i32
        %shift_left3A_643 = vector.broadcast %shift_left3A_642 : i32 to vector<16xi32>
        %shift_left3A_644 = arith.shli %gather3A_637, %shift_left3A_643 : vector<16xi32>
        %bitcast_convert_type3A_645 = tpu.bitcast %shift_left3A_644 : vector<16xi32> -> vector<16xf32>
        %and3A_646 = arith.andi %gather3A_636, %broadcast_in_dim3A_117 : vector<16xi32>
        %bitcast_convert_type3A_647 = tpu.bitcast %and3A_646 : vector<16xi32> -> vector<16xf32>
        %and3A_648 = arith.andi %gather3A_637, %broadcast_in_dim3A_117 : vector<16xi32>
        %bitcast_convert_type3A_649 = tpu.bitcast %and3A_648 : vector<16xi32> -> vector<16xf32>
        %mul3A_650 = arith.mulf %bitcast_convert_type3A_641, %bitcast_convert_type3A_645 : vector<16xf32>
        %add3A_651 = arith.addf %add3A_631, %mul3A_650 : vector<16xf32>
        %mul3A_652 = arith.mulf %bitcast_convert_type3A_647, %bitcast_convert_type3A_649 : vector<16xf32>
        %add3A_653 = arith.addf %add3A_633, %mul3A_652 : vector<16xf32>
        %broadcast_in_dim3A_654 = arith.constant 27 : i32
        %broadcast_in_dim3A_655 = vector.broadcast %broadcast_in_dim3A_654 : i32 to vector<16xi32>
        %gather3A_656 = tpu.vector_load_idx %arg12[%add3A_112, %broadcast_in_dim3A_655] : memref<128x32xi32, #tpu.memory_space<vmem>>[vector<16xi32>, vector<16xi32>], vector<16xi32>,
        %gather3A_657 = tpu.vector_load_idx %arg14[%add3A_112, %broadcast_in_dim3A_655] : memref<128x32xi32, #tpu.memory_space<vmem>>[vector<16xi32>, vector<16xi32>], vector<16xi32>,
        %shift_left3A_658 = arith.constant 16 : i32
        %shift_left3A_659 = vector.broadcast %shift_left3A_658 : i32 to vector<16xi32>
        %shift_left3A_660 = arith.shli %gather3A_656, %shift_left3A_659 : vector<16xi32>
        %bitcast_convert_type3A_661 = tpu.bitcast %shift_left3A_660 : vector<16xi32> -> vector<16xf32>
        %shift_left3A_662 = arith.constant 16 : i32
        %shift_left3A_663 = vector.broadcast %shift_left3A_662 : i32 to vector<16xi32>
        %shift_left3A_664 = arith.shli %gather3A_657, %shift_left3A_663 : vector<16xi32>
        %bitcast_convert_type3A_665 = tpu.bitcast %shift_left3A_664 : vector<16xi32> -> vector<16xf32>
        %and3A_666 = arith.andi %gather3A_656, %broadcast_in_dim3A_117 : vector<16xi32>
        %bitcast_convert_type3A_667 = tpu.bitcast %and3A_666 : vector<16xi32> -> vector<16xf32>
        %and3A_668 = arith.andi %gather3A_657, %broadcast_in_dim3A_117 : vector<16xi32>
        %bitcast_convert_type3A_669 = tpu.bitcast %and3A_668 : vector<16xi32> -> vector<16xf32>
        %mul3A_670 = arith.mulf %bitcast_convert_type3A_661, %bitcast_convert_type3A_665 : vector<16xf32>
        %add3A_671 = arith.addf %add3A_651, %mul3A_670 : vector<16xf32>
        %mul3A_672 = arith.mulf %bitcast_convert_type3A_667, %bitcast_convert_type3A_669 : vector<16xf32>
        %add3A_673 = arith.addf %add3A_653, %mul3A_672 : vector<16xf32>
        %broadcast_in_dim3A_674 = arith.constant 28 : i32
        %broadcast_in_dim3A_675 = vector.broadcast %broadcast_in_dim3A_674 : i32 to vector<16xi32>
        %gather3A_676 = tpu.vector_load_idx %arg12[%add3A_112, %broadcast_in_dim3A_675] : memref<128x32xi32, #tpu.memory_space<vmem>>[vector<16xi32>, vector<16xi32>], vector<16xi32>,
        %gather3A_677 = tpu.vector_load_idx %arg14[%add3A_112, %broadcast_in_dim3A_675] : memref<128x32xi32, #tpu.memory_space<vmem>>[vector<16xi32>, vector<16xi32>], vector<16xi32>,
        %shift_left3A_678 = arith.constant 16 : i32
        %shift_left3A_679 = vector.broadcast %shift_left3A_678 : i32 to vector<16xi32>
        %shift_left3A_680 = arith.shli %gather3A_676, %shift_left3A_679 : vector<16xi32>
        %bitcast_convert_type3A_681 = tpu.bitcast %shift_left3A_680 : vector<16xi32> -> vector<16xf32>
        %shift_left3A_682 = arith.constant 16 : i32
        %shift_left3A_683 = vector.broadcast %shift_left3A_682 : i32 to vector<16xi32>
        %shift_left3A_684 = arith.shli %gather3A_677, %shift_left3A_683 : vector<16xi32>
        %bitcast_convert_type3A_685 = tpu.bitcast %shift_left3A_684 : vector<16xi32> -> vector<16xf32>
        %and3A_686 = arith.andi %gather3A_676, %broadcast_in_dim3A_117 : vector<16xi32>
        %bitcast_convert_type3A_687 = tpu.bitcast %and3A_686 : vector<16xi32> -> vector<16xf32>
        %and3A_688 = arith.andi %gather3A_677, %broadcast_in_dim3A_117 : vector<16xi32>
        %bitcast_convert_type3A_689 = tpu.bitcast %and3A_688 : vector<16xi32> -> vector<16xf32>
        %mul3A_690 = arith.mulf %bitcast_convert_type3A_681, %bitcast_convert_type3A_685 : vector<16xf32>
        %add3A_691 = arith.addf %add3A_671, %mul3A_690 : vector<16xf32>
        %mul3A_692 = arith.mulf %bitcast_convert_type3A_687, %bitcast_convert_type3A_689 : vector<16xf32>
        %add3A_693 = arith.addf %add3A_673, %mul3A_692 : vector<16xf32>
        %broadcast_in_dim3A_694 = arith.constant 29 : i32
        %broadcast_in_dim3A_695 = vector.broadcast %broadcast_in_dim3A_694 : i32 to vector<16xi32>
        %gather3A_696 = tpu.vector_load_idx %arg12[%add3A_112, %broadcast_in_dim3A_695] : memref<128x32xi32, #tpu.memory_space<vmem>>[vector<16xi32>, vector<16xi32>], vector<16xi32>,
        %gather3A_697 = tpu.vector_load_idx %arg14[%add3A_112, %broadcast_in_dim3A_695] : memref<128x32xi32, #tpu.memory_space<vmem>>[vector<16xi32>, vector<16xi32>], vector<16xi32>,
        %shift_left3A_698 = arith.constant 16 : i32
        %shift_left3A_699 = vector.broadcast %shift_left3A_698 : i32 to vector<16xi32>
        %shift_left3A_700 = arith.shli %gather3A_696, %shift_left3A_699 : vector<16xi32>
        %bitcast_convert_type3A_701 = tpu.bitcast %shift_left3A_700 : vector<16xi32> -> vector<16xf32>
        %shift_left3A_702 = arith.constant 16 : i32
        %shift_left3A_703 = vector.broadcast %shift_left3A_702 : i32 to vector<16xi32>
        %shift_left3A_704 = arith.shli %gather3A_697, %shift_left3A_703 : vector<16xi32>
        %bitcast_convert_type3A_705 = tpu.bitcast %shift_left3A_704 : vector<16xi32> -> vector<16xf32>
        %and3A_706 = arith.andi %gather3A_696, %broadcast_in_dim3A_117 : vector<16xi32>
        %bitcast_convert_type3A_707 = tpu.bitcast %and3A_706 : vector<16xi32> -> vector<16xf32>
        %and3A_708 = arith.andi %gather3A_697, %broadcast_in_dim3A_117 : vector<16xi32>
        %bitcast_convert_type3A_709 = tpu.bitcast %and3A_708 : vector<16xi32> -> vector<16xf32>
        %mul3A_710 = arith.mulf %bitcast_convert_type3A_701, %bitcast_convert_type3A_705 : vector<16xf32>
        %add3A_711 = arith.addf %add3A_691, %mul3A_710 : vector<16xf32>
        %mul3A_712 = arith.mulf %bitcast_convert_type3A_707, %bitcast_convert_type3A_709 : vector<16xf32>
        %add3A_713 = arith.addf %add3A_693, %mul3A_712 : vector<16xf32>
        %broadcast_in_dim3A_714 = arith.constant 30 : i32
        %broadcast_in_dim3A_715 = vector.broadcast %broadcast_in_dim3A_714 : i32 to vector<16xi32>
        %gather3A_716 = tpu.vector_load_idx %arg12[%add3A_112, %broadcast_in_dim3A_715] : memref<128x32xi32, #tpu.memory_space<vmem>>[vector<16xi32>, vector<16xi32>], vector<16xi32>,
        %gather3A_717 = tpu.vector_load_idx %arg14[%add3A_112, %broadcast_in_dim3A_715] : memref<128x32xi32, #tpu.memory_space<vmem>>[vector<16xi32>, vector<16xi32>], vector<16xi32>,
        %shift_left3A_718 = arith.constant 16 : i32
        %shift_left3A_719 = vector.broadcast %shift_left3A_718 : i32 to vector<16xi32>
        %shift_left3A_720 = arith.shli %gather3A_716, %shift_left3A_719 : vector<16xi32>
        %bitcast_convert_type3A_721 = tpu.bitcast %shift_left3A_720 : vector<16xi32> -> vector<16xf32>
        %shift_left3A_722 = arith.constant 16 : i32
        %shift_left3A_723 = vector.broadcast %shift_left3A_722 : i32 to vector<16xi32>
        %shift_left3A_724 = arith.shli %gather3A_717, %shift_left3A_723 : vector<16xi32>
        %bitcast_convert_type3A_725 = tpu.bitcast %shift_left3A_724 : vector<16xi32> -> vector<16xf32>
        %and3A_726 = arith.andi %gather3A_716, %broadcast_in_dim3A_117 : vector<16xi32>
        %bitcast_convert_type3A_727 = tpu.bitcast %and3A_726 : vector<16xi32> -> vector<16xf32>
        %and3A_728 = arith.andi %gather3A_717, %broadcast_in_dim3A_117 : vector<16xi32>
        %bitcast_convert_type3A_729 = tpu.bitcast %and3A_728 : vector<16xi32> -> vector<16xf32>
        %mul3A_730 = arith.mulf %bitcast_convert_type3A_721, %bitcast_convert_type3A_725 : vector<16xf32>
        %add3A_731 = arith.addf %add3A_711, %mul3A_730 : vector<16xf32>
        %mul3A_732 = arith.mulf %bitcast_convert_type3A_727, %bitcast_convert_type3A_729 : vector<16xf32>
        %add3A_733 = arith.addf %add3A_713, %mul3A_732 : vector<16xf32>
        %broadcast_in_dim3A_734 = arith.constant 31 : i32
        %broadcast_in_dim3A_735 = vector.broadcast %broadcast_in_dim3A_734 : i32 to vector<16xi32>
        %gather3A_736 = tpu.vector_load_idx %arg12[%add3A_112, %broadcast_in_dim3A_735] : memref<128x32xi32, #tpu.memory_space<vmem>>[vector<16xi32>, vector<16xi32>], vector<16xi32>,
        %gather3A_737 = tpu.vector_load_idx %arg14[%add3A_112, %broadcast_in_dim3A_735] : memref<128x32xi32, #tpu.memory_space<vmem>>[vector<16xi32>, vector<16xi32>], vector<16xi32>,
        %shift_left3A_738 = arith.constant 16 : i32
        %shift_left3A_739 = vector.broadcast %shift_left3A_738 : i32 to vector<16xi32>
        %shift_left3A_740 = arith.shli %gather3A_736, %shift_left3A_739 : vector<16xi32>
        %bitcast_convert_type3A_741 = tpu.bitcast %shift_left3A_740 : vector<16xi32> -> vector<16xf32>
        %shift_left3A_742 = arith.constant 16 : i32
        %shift_left3A_743 = vector.broadcast %shift_left3A_742 : i32 to vector<16xi32>
        %shift_left3A_744 = arith.shli %gather3A_737, %shift_left3A_743 : vector<16xi32>
        %bitcast_convert_type3A_745 = tpu.bitcast %shift_left3A_744 : vector<16xi32> -> vector<16xf32>
        %and3A_746 = arith.andi %gather3A_736, %broadcast_in_dim3A_117 : vector<16xi32>
        %bitcast_convert_type3A_747 = tpu.bitcast %and3A_746 : vector<16xi32> -> vector<16xf32>
        %and3A_748 = arith.andi %gather3A_737, %broadcast_in_dim3A_117 : vector<16xi32>
        %bitcast_convert_type3A_749 = tpu.bitcast %and3A_748 : vector<16xi32> -> vector<16xf32>
        %mul3A_750 = arith.mulf %bitcast_convert_type3A_741, %bitcast_convert_type3A_745 : vector<16xf32>
        %add3A_751 = arith.addf %add3A_731, %mul3A_750 : vector<16xf32>
        %mul3A_752 = arith.mulf %bitcast_convert_type3A_747, %bitcast_convert_type3A_749 : vector<16xf32>
        %add3A_753 = arith.addf %add3A_733, %mul3A_752 : vector<16xf32>
        %add3A_754 = arith.addf %add3A_751, %add3A_753 : vector<16xf32>
        %mul3A_755 = arith.constant 16 : i32
        %mul3A_756 = arith.muli %scan3A_108, %mul3A_755 : i32
        %swap3A = arith.index_cast %add3A_82 : i32 to index
        %swap3A_757 = arith.index_cast %mul3A_756 : i32 to index
        %swap3A_758 = tpu.vector_load %arg8[%swap3A, %swap3A_757] {strides = array<i32>} : memref<52x128xf32, #tpu.memory_space<vmem>>, vector<16xf32>,
        tpu.vector_store %arg8[%swap3A, %swap3A_757], %add3A_754 {strides = array<i32>} : memref<52x128xf32, #tpu.memory_space<vmem>>, vector<16xf32>,
      }
      %scan3A_100 = arith.constant 8 : i32
      %add3A_101 = arith.constant 2 : i32
      %add3A_102 = arith.addi %add3A_82, %add3A_101 : i32
      %lt3A_103 = arith.constant 52 : i32
      %lt3A_104 = arith.cmpi slt, %add3A_102, %lt3A_103 : i32
      %convert_element_type3A_105 = arith.extui %lt3A_104 : i1 to i32
      %cond3A_106 = arith.constant 0 : i32
      %cond3A_107 = arith.cmpi ne, %convert_element_type3A_105, %cond3A_106 : i32
      scf.if %cond3A_107 {
        %dma_start3A_108 = arith.constant 0 : i32
        %dma_start3A_109 = tpu.memref_slice %arg6[%add3A_102, %dma_start3A_108] : memref<52x128xi32, #tpu.memory_space<vmem>> -> memref<1x128xi32, #tpu.memory_space<vmem>>
        %dma_start3A_110 = tpu.memref_squeeze %dma_start3A_109 : memref<1x128xi32, #tpu.memory_space<vmem>> -> memref<128xi32, #tpu.memory_space<vmem>>
        %dma_start3A_111 = arith.constant 0 : i32
        %dma_start3A_112 = arith.constant 0 : i32
        %dma_start3A_113 = tpu.memref_slice %arg9[%dma_start3A_111, %dma_start3A_112] : memref<10000x32xi32, #tpu.memory_space<vmem_shared>> -> memref<10000x32xi32, #tpu.memory_space<vmem_shared>>
        tpu.enqueue_indirect_dma source(%dma_start3A_113 : memref<10000x32xi32, #tpu.memory_space<vmem_shared>>) target(%arg12 : memref<128x32xi32, #tpu.memory_space<vmem>>) offsets(%dma_start3A_110 : memref<128xi32, #tpu.memory_space<vmem>>) semaphore(%arg16 : memref<!tpu.dma_semaphore, #tpu.memory_space<semaphore_mem>>)
        %dma_start3A_114 = arith.constant 0 : i32
        %dma_start3A_115 = tpu.memref_slice %arg7[%add3A_102, %dma_start3A_114] : memref<52x128xi32, #tpu.memory_space<vmem>> -> memref<1x128xi32, #tpu.memory_space<vmem>>
        %dma_start3A_116 = tpu.memref_squeeze %dma_start3A_115 : memref<1x128xi32, #tpu.memory_space<vmem>> -> memref<128xi32, #tpu.memory_space<vmem>>
        %dma_start3A_117 = arith.constant 0 : i32
        %dma_start3A_118 = arith.constant 0 : i32
        %dma_start3A_119 = tpu.memref_slice %arg9[%dma_start3A_117, %dma_start3A_118] : memref<10000x32xi32, #tpu.memory_space<vmem_shared>> -> memref<10000x32xi32, #tpu.memory_space<vmem_shared>>
        tpu.enqueue_indirect_dma source(%dma_start3A_119 : memref<10000x32xi32, #tpu.memory_space<vmem_shared>>) target(%arg14 : memref<128x32xi32, #tpu.memory_space<vmem>>) offsets(%dma_start3A_116 : memref<128xi32, #tpu.memory_space<vmem>>) semaphore(%arg18 : memref<!tpu.dma_semaphore, #tpu.memory_space<semaphore_mem>>)
      } else {
      }
    }
    %scan3A_52 = arith.constant 26 : i32
    "tpu.region"() ({
      %run_scoped3A = tpu.sem_alloc : memref<!tpu.dma_semaphore, #tpu.memory_space<semaphore_mem>>
      %dma_start3A_53 = arith.constant 0 : i32
      %dma_start3A_54 = arith.constant 0 : i32
      %dma_start3A_55 = tpu.memref_slice %arg5[%add3A, %dma_start3A_53, %dma_start3A_54] : memref<32x52x128xf32, #tpu.memory_space<hbm>> -> memref<1x52x128xf32, #tpu.memory_space<hbm>>
      %dma_start3A_56 = tpu.memref_squeeze %dma_start3A_55 : memref<1x52x128xf32, #tpu.memory_space<hbm>> -> memref<52x128xf32, #tpu.memory_space<hbm>>
      %dma_start3A_57 = arith.constant 0 : i32
      %dma_start3A_58 = arith.constant 0 : i32
      %dma_start3A_59 = tpu.memref_slice %arg5[%add3A, %dma_start3A_57, %dma_start3A_58] : memref<32x52x128xf32, #tpu.memory_space<hbm>> -> memref<1x52x128xf32, #tpu.memory_space<hbm>>
      %dma_start3A_60 = tpu.memref_squeeze %dma_start3A_59 : memref<1x52x128xf32, #tpu.memory_space<hbm>> -> memref<52x128xf32, #tpu.memory_space<hbm>>
      tpu.enqueue_dma source(%arg8 : memref<52x128xf32, #tpu.memory_space<vmem>>) target(%dma_start3A_60 : memref<52x128xf32, #tpu.memory_space<hbm>>) target_semaphore(%run_scoped3A : memref<!tpu.dma_semaphore, #tpu.memory_space<semaphore_mem>>)
      %dma_wait3A = arith.constant 0 : i32
      %dma_wait3A_61 = arith.constant 0 : i32
      %dma_wait3A_62 = tpu.memref_slice %arg5[%add3A, %dma_wait3A, %dma_wait3A_61] : memref<32x52x128xf32, #tpu.memory_space<hbm>> -> memref<1x52x128xf32, #tpu.memory_space<hbm>>
      %dma_wait3A_63 = tpu.memref_squeeze %dma_wait3A_62 : memref<1x52x128xf32, #tpu.memory_space<hbm>> -> memref<52x128xf32, #tpu.memory_space<hbm>>
      %dma_wait3A_64 = arith.constant 0 : i32
      %dma_wait3A_65 = arith.constant 0 : i32
      %dma_wait3A_66 = tpu.memref_slice %arg5[%add3A, %dma_wait3A_64, %dma_wait3A_65] : memref<32x52x128xf32, #tpu.memory_space<hbm>> -> memref<1x52x128xf32, #tpu.memory_space<hbm>>
      %dma_wait3A_67 = tpu.memref_squeeze %dma_wait3A_66 : memref<1x52x128xf32, #tpu.memory_space<hbm>> -> memref<52x128xf32, #tpu.memory_space<hbm>>
      tpu.wait_dma2 semaphore(%run_scoped3A : memref<!tpu.dma_semaphore, #tpu.memory_space<semaphore_mem>>) src(%arg8 : memref<52x128xf32, #tpu.memory_space<vmem>>) dst(%dma_wait3A_67 : memref<52x128xf32, #tpu.memory_space<hbm>>)
      tpu.yield
    }) : () -> ()
    return
  }
}

module attributes {stable_mosaic.version = 14 : i64} {
  func.func @_gcn2_body(%arg0: i32, %arg1: memref<400x10000xf32, #tpu.memory_space<vmem>>, %arg2: memref<10000x64xf32, #tpu.memory_space<vmem>>, %arg3: memref<400x64xbf16, #tpu.memory_space<vmem>>) attributes {dimension_semantics = [#tpu.dimension_semantics<arbitrary>], iteration_bounds = array<i64: 25>, scalar_prefetch = 0 : i64, scratch_operands = 0 : i64, tpu.core_type = #tpu.core_type<tc>, window_params = [{transform_indices = @transform_0, window_bounds = array<i64: 400, 10000>}, {pipeline_mode = #tpu.pipeline_mode<synchronous>, transform_indices = @transform_1, window_bounds = array<i64: 10000, 64>}, {transform_indices = @transform_2, window_bounds = array<i64: 400, 64>}]} {
    %get3A = arith.constant 0 : index
    %get3A_0 = arith.constant 0 : index
    %get3A_1 = vector.load %arg1[%get3A, %get3A_0] : memref<400x10000xf32, #tpu.memory_space<vmem>>, vector<400x10000xf32>
    %get3A_2 = arith.constant 0 : index
    %get3A_3 = arith.constant 0 : index
    %get3A_4 = vector.load %arg2[%get3A_2, %get3A_3] : memref<10000x64xf32, #tpu.memory_space<vmem>>, vector<10000x64xf32>
    %dot_general3A = arith.constant dense<0.000000e+00> : vector<400x64xf32>
    %dot_general3A_5 = tpu.matmul %get3A_1, %get3A_4, %dot_general3A {dimension_numbers = #tpu.dot_dimension_numbers<[1], [0], [0], [1], [0, 0, 1, 1], [], []>, transpose_lhs_hint = false} : vector<400x10000xf32>, vector<10000x64xf32>, vector<400x64xf32> -> vector<400x64xf32>
    %convert_element_type3A = arith.truncf %dot_general3A_5 : vector<400x64xf32> to vector<400x64xbf16>
    %swap3A = arith.constant 0 : index
    %swap3A_6 = arith.constant 0 : index
    %swap3A_7 = vector.load %arg3[%swap3A, %swap3A_6] : memref<400x64xbf16, #tpu.memory_space<vmem>>, vector<400x64xbf16>
    tpu.vector_store %arg3[%swap3A, %swap3A_6], %convert_element_type3A {strides = array<i32>} : memref<400x64xbf16, #tpu.memory_space<vmem>>, vector<400x64xbf16>,
    return
  }
  func.func @transform_0(%arg0: i32) -> (i32, i32) {
    %c0_i32 = arith.constant 0 : i32
    %c0_i32_0 = arith.constant 0 : i32
    return %arg0, %c0_i32 : i32, i32
  }
  func.func @transform_1(%arg0: i32) -> (i32, i32) {
    %c0_i32 = arith.constant 0 : i32
    %c0_i32_0 = arith.constant 0 : i32
    %c0_i32_1 = arith.constant 0 : i32
    return %c0_i32, %c0_i32_0 : i32, i32
  }
  func.func @transform_2(%arg0: i32) -> (i32, i32) {
    %c0_i32 = arith.constant 0 : i32
    %c0_i32_0 = arith.constant 0 : i32
    return %arg0, %c0_i32 : i32, i32
  }
}

module attributes {stable_mosaic.version = 14 : i64} {
  func.func @_gcn1_body(%arg0: i32, %arg1: memref<400x10000xf32, #tpu.memory_space<vmem>>, %arg2: memref<10000x128xf32, #tpu.memory_space<vmem>>, %arg3: memref<128x256xf32, #tpu.memory_space<vmem>>, %arg4: memref<256x64xf32, #tpu.memory_space<vmem>>, %arg5: memref<400x64xf32, #tpu.memory_space<vmem>>) attributes {dimension_semantics = [#tpu.dimension_semantics<arbitrary>], iteration_bounds = array<i64: 25>, scalar_prefetch = 0 : i64, scratch_operands = 0 : i64, tpu.core_type = #tpu.core_type<tc>, window_params = [{transform_indices = @transform_0, window_bounds = array<i64: 400, 10000>}, {pipeline_mode = #tpu.pipeline_mode<synchronous>, transform_indices = @transform_1, window_bounds = array<i64: 10000, 128>}, {pipeline_mode = #tpu.pipeline_mode<synchronous>, transform_indices = @transform_2, window_bounds = array<i64: 128, 256>}, {pipeline_mode = #tpu.pipeline_mode<synchronous>, transform_indices = @transform_3, window_bounds = array<i64: 256, 64>}, {transform_indices = @transform_4, window_bounds = array<i64: 400, 64>}]} {
    %get3A = arith.constant 0 : index
    %get3A_0 = arith.constant 0 : index
    %get3A_1 = vector.load %arg1[%get3A, %get3A_0] : memref<400x10000xf32, #tpu.memory_space<vmem>>, vector<400x10000xf32>
    %get3A_2 = arith.constant 0 : index
    %get3A_3 = arith.constant 0 : index
    %get3A_4 = vector.load %arg2[%get3A_2, %get3A_3] : memref<10000x128xf32, #tpu.memory_space<vmem>>, vector<10000x128xf32>
    %dot_general3A = arith.constant dense<0.000000e+00> : vector<400x128xf32>
    %dot_general3A_5 = tpu.matmul %get3A_1, %get3A_4, %dot_general3A {dimension_numbers = #tpu.dot_dimension_numbers<[1], [0], [0], [1], [0, 0, 1, 1], [], []>, transpose_lhs_hint = false} : vector<400x10000xf32>, vector<10000x128xf32>, vector<400x128xf32> -> vector<400x128xf32>
    %get3A_6 = arith.constant 0 : index
    %get3A_7 = arith.constant 0 : index
    %get3A_8 = vector.load %arg3[%get3A_6, %get3A_7] : memref<128x256xf32, #tpu.memory_space<vmem>>, vector<128x256xf32>
    %dot_general3A_9 = arith.constant dense<0.000000e+00> : vector<400x256xf32>
    %dot_general3A_10 = tpu.matmul %dot_general3A_5, %get3A_8, %dot_general3A_9 {dimension_numbers = #tpu.dot_dimension_numbers<[1], [0], [0], [1], [0, 0, 1, 1], [], []>, transpose_lhs_hint = false} : vector<400x128xf32>, vector<128x256xf32>, vector<400x256xf32> -> vector<400x256xf32>
    %max3A = arith.constant 0.000000e+00 : f32
    %max3A_11 = vector.broadcast %max3A : f32 to vector<400x256xf32>
    %max3A_12 = arith.maximumf %dot_general3A_10, %max3A_11 : vector<400x256xf32>
    %get3A_13 = arith.constant 0 : index
    %get3A_14 = arith.constant 0 : index
    %get3A_15 = vector.load %arg4[%get3A_13, %get3A_14] : memref<256x64xf32, #tpu.memory_space<vmem>>, vector<256x64xf32>
    %dot_general3A_16 = arith.constant dense<0.000000e+00> : vector<400x64xf32>
    %dot_general3A_17 = tpu.matmul %max3A_12, %get3A_15, %dot_general3A_16 {dimension_numbers = #tpu.dot_dimension_numbers<[1], [0], [0], [1], [0, 0, 1, 1], [], []>, transpose_lhs_hint = false} : vector<400x256xf32>, vector<256x64xf32>, vector<400x64xf32> -> vector<400x64xf32>
    %swap3A = arith.constant 0 : index
    %swap3A_18 = arith.constant 0 : index
    %swap3A_19 = vector.load %arg5[%swap3A, %swap3A_18] : memref<400x64xf32, #tpu.memory_space<vmem>>, vector<400x64xf32>
    tpu.vector_store %arg5[%swap3A, %swap3A_18], %dot_general3A_17 {strides = array<i32>} : memref<400x64xf32, #tpu.memory_space<vmem>>, vector<400x64xf32>,
    return
  }
  func.func @transform_0(%arg0: i32) -> (i32, i32) {
    %c0_i32 = arith.constant 0 : i32
    %c0_i32_0 = arith.constant 0 : i32
    return %arg0, %c0_i32 : i32, i32
  }
  func.func @transform_1(%arg0: i32) -> (i32, i32) {
    %c0_i32 = arith.constant 0 : i32
    %c0_i32_0 = arith.constant 0 : i32
    %c0_i32_1 = arith.constant 0 : i32
    return %c0_i32, %c0_i32_0 : i32, i32
  }
  func.func @transform_2(%arg0: i32) -> (i32, i32) {
    %c0_i32 = arith.constant 0 : i32
    %c0_i32_0 = arith.constant 0 : i32
    %c0_i32_1 = arith.constant 0 : i32
    return %c0_i32, %c0_i32_0 : i32, i32
  }
  func.func @transform_3(%arg0: i32) -> (i32, i32) {
    %c0_i32 = arith.constant 0 : i32
    %c0_i32_0 = arith.constant 0 : i32
    %c0_i32_1 = arith.constant 0 : i32
    return %c0_i32, %c0_i32_0 : i32, i32
  }
  func.func @transform_4(%arg0: i32) -> (i32, i32) {
    %c0_i32 = arith.constant 0 : i32
    %c0_i32_0 = arith.constant 0 : i32
    return %arg0, %c0_i32 : i32, i32
  }
}

</mosaic_0001>

<sc_bundles>
// kernel: kernel.5.cloned.1.call-start
scs
__scs_entry_jumppad:
0x0: {  	(pc) =	sbr.rel $0x88, $3  }
0x1: {  	(tag) =	ssettag $0x0;
	lr =	simm.s32 $0x1  }
0x2: {  	[smem:$0x3F9C] =	sst lr;
	_ =	strace $0xD0000000  }
0x3: {  	_ = 	snop  }
0x4: {  	_ = 	snop  }
0x5: {  	_ = 	snop  }
0x6: {  	_ = 	snop  }
0x7: {  	_ = 	snop  }
__scs_overlays_trampoline_lowered:
0x8: {  	[smem:$0x3FAB] =	sst s0  }
0x9: {  	[smem:$0x3FAC] =	sst s1  }
0xa: {  	[smem:$0x3FAD] =	sst s2  }
0xb: {  	[smem:$0x3FAE] =	sst s3  }
0xc: {  	[smem:$0x3FAF] =	sst s4  }
0xd: {  	[smem:$0x3FB0] =	sst s5  }
0xe: {  	[smem:$0x3FB1] =	sst s6  }
0xf: {  	[smem:$0x3FB2] =	sst s7  }
0x10: {  	[smem:$0x3FB3] =	sst s8  }
0x11: {  	[smem:$0x3FB4] =	sst s9;
	s0 =	simm.s32 @!p0 $0x0  }
0x12: {  	s1 =	sld [smem:$0x3F9A];
	s0 =	simm.s32 @p0 $0x1  }
0x13: {  	[smem:$0x3FB5] =	sst s0;
	s0 =	simm.s32 @!p1 $0x0  }
0x14: {  	s2 =	sld [smem:$0x3F99];
	s0 =	simm.s32 @p1 $0x1  }
0x15: {  	[smem:$0x3FB6] =	sst s0;
	s0 =	simm.s32 @!p2 $0x0  }
0x16: {  	s3 =	sld [smem:$0x3FDB];
	s0 =	simm.s32 @p2 $0x1  }
0x17: {  	s4 =	simm.s32 $0x1BF5;
	[smem:$0x3FB8] =	sst s0  }
0x18: {  	s0 =	sld [smem:$0x3F9B];
	_ =	swait.ge [sflag:s4], $0x0  }
0x19: {  	s7 =	sld [smem:$0x3F9C]  }
0x1a: {  	s8 =	sadd.s32 $0xFFFFE003, lr  }
0x1b: {  	s9 =	sadd.s32 $0xFFFFFEF7, lr;
	s5 =	simm.s32 $0xFFFFFFFF;
	p2 =	slt.u32 s8, $0xFFFFF086  }
0x1c: {  	p1 =	slt.u32 s9, $0xF7A;
	s5 =	simm.s32 @!p2 $0x0  }
0x1d: {  	s5 =	simm.s32 @p1 $0x1;
	p0 =	seq.s32 s7, s2  }
0x1e: {  	s7 =	smul.u32 @!p0 $0xF7A, s2;
	p2 =	seq.s32 @!p0 s5, $0x0  }
0x1f: {  	s9 =	smul.u32 $0xF7A, s1;
	s8 =	simm.s32 @!p0 $0x1BF5;
	p2 =	por !p2, p0  }
0x20: {  	[sflag:s8] =	ssyncset.s32 @!p0 $0xFFFFF086;
	s6 =	sadd.s32 @!p0 s3, s7;
	s7 =	simm.s32 @!p0 $0x108  }
0x21: {  	s3 =	sadd.s32 s3, s9;
	s6 =	sadd.s32 @!p0 $0x88, s6;
	s7 =	simm.s32 @p2 $0x1082  }
0x22: {  	[simem:s7], [sflag:s8] =	dma.local @!p0 [hbm:s6], $0xF7A  }
0x23: {  	s9 =	sor.u32 $0xD0000000, s2;
	s6 =	simm.s32 $0x108;
	_ =	swait.ge @!p0 [sflag:s8], $0x0  }
0x24: {  	s3 =	sadd.s32 $0x88, s3;
	s6 =	simm.s32 @!p1 $0x1082;
	[sflag:s4] =	ssyncset.s32 $0xFFFFF086  }
0x25: {  	[simem:s6], [sflag:s4] =	dma.local [hbm:s3], $0xF7A  }
0x26: {  	[smem:$0x3F9C] =	sst s1;
	(tag) =	ssettag s2;
	_ =	strace s9  }
0x27: {  	s1 =	sld [smem:$0x3FAC]  }
0x28: {  	s2 =	sld [smem:$0x3FAD]  }
0x29: {  	s4 =	sld [smem:$0x3FAF]  }
0x2a: {  	p0 =	seq.s32 s5, $0x0;
	s5 =	sld [smem:$0x3FB0]  }
0x2b: {  	s6 =	sld [smem:$0x3FB1]  }
0x2c: {  	s7 =	sld [smem:$0x3FB2]  }
0x2d: {  	s3 =	simm.s32 $0x108;
	s8 =	sld [smem:$0x3FB3]  }
0x2e: {  	s3 =	simm.s32 @!p0 $0x1082;
	s9 =	sld [smem:$0x3FB4]  }
0x2f: {  	lr =	sadd.s32 s0, s3;
	s0 =	sld [smem:$0x3FAB]  }
0x30: {  	s3 =	sld [smem:$0x3FAE]  }
0x31: {  	[smem:$0x3FB7] =	sst s10  }
0x32: {  	s10 =	sld [smem:$0x3FB5];
	_ =	sdelay $0x3  }
0x33: {  	p0 =	seq.s32 s10, $0x1;
	s10 =	sld [smem:$0x3FB7];
	_ =	sdelay $0x3  }
0x34: {  	[smem:$0x3FB7] =	sst s10  }
0x35: {  	s10 =	sld [smem:$0x3FB6];
	_ =	sdelay $0x3  }
0x36: {  	p1 =	seq.s32 s10, $0x1;
	s10 =	sld [smem:$0x3FB7];
	_ =	sdelay $0x3  }
0x37: {  	[smem:$0x3FB7] =	sst s10  }
0x38: {  	s10 =	sld [smem:$0x3FB8]  }
0x39: {  	_ = 	snop;
	(pc) =	sbr.ind lr, $3  }
0x3a: {  	_ = 	snop  }
0x3b: {  	_ = 	snop  }
0x3c: {  	p2 =	seq.s32 s10, $0x1;
	s10 =	sld [smem:$0x3FB7]  }
0x3d: {  	_ =	shalt  }
0x3e: {  	_ =	shalt  }
0x3f: {  	_ =	shalt  }
0x40: {  	_ =	shalt  }
0x41: {  	_ =	shalt  }
0x42: {  	_ =	shalt  }
0x43: {  	_ =	shalt  }
0x44: {  	_ =	shalt  }
0x45: {  	_ =	shalt  }
0x46: {  	_ =	shalt  }
0x47: {  	_ =	shalt  }
0x48: {  	_ =	shalt  }
0x49: {  	_ =	shalt  }
0x4a: {  	_ =	shalt  }
0x4b: {  	_ =	shalt  }
0x4c: {  	_ =	shalt  }
0x4d: {  	_ =	shalt  }
0x4e: {  	_ =	shalt  }
0x4f: {  	_ =	shalt  }
0x50: {  	_ =	shalt  }
0x51: {  	_ =	shalt  }
0x52: {  	_ =	shalt  }
0x53: {  	_ =	shalt  }
0x54: {  	_ =	shalt  }
0x55: {  	_ =	shalt  }
0x56: {  	_ =	shalt  }
0x57: {  	_ =	shalt  }
0x58: {  	_ =	shalt  }
0x59: {  	_ =	shalt  }
0x5a: {  	_ =	shalt  }
0x5b: {  	_ =	shalt  }
0x5c: {  	_ =	shalt  }
0x5d: {  	_ =	shalt  }
0x5e: {  	_ =	shalt  }
0x5f: {  	_ =	shalt  }
0x60: {  	_ =	shalt  }
0x61: {  	_ =	shalt  }
0x62: {  	_ =	shalt  }
0x63: {  	_ =	shalt  }
0x64: {  	_ =	shalt  }
0x65: {  	_ =	shalt  }
0x66: {  	_ =	shalt  }
0x67: {  	_ =	shalt  }
0x68: {  	_ =	shalt  }
0x69: {  	_ =	shalt  }
0x6a: {  	_ =	shalt  }
0x6b: {  	_ =	shalt  }
0x6c: {  	_ =	shalt  }
0x6d: {  	_ =	shalt  }
0x6e: {  	_ =	shalt  }
0x6f: {  	_ =	shalt  }
0x70: {  	_ =	shalt  }
0x71: {  	_ =	shalt  }
0x72: {  	_ =	shalt  }
0x73: {  	_ =	shalt  }
0x74: {  	_ =	shalt  }
0x75: {  	_ =	shalt  }
0x76: {  	_ =	shalt  }
0x77: {  	_ =	shalt  }
0x78: {  	_ =	shalt  }
0x79: {  	_ =	shalt  }
0x7a: {  	_ =	shalt  }
0x7b: {  	_ =	shalt  }
0x7c: {  	_ =	shalt  }
0x7d: {  	_ =	shalt  }
0x7e: {  	_ =	shalt  }
0x7f: {  	_ =	shalt  }
0x80: {  	_ =	shalt  }
0x81: {  	_ =	shalt  }
0x82: {  	_ =	shalt  }
0x83: {  	_ =	shalt  }
0x84: {  	_ =	shalt  }
0x85: {  	_ =	shalt  }
0x86: {  	_ =	shalt  }
0x87: {  	_ =	shalt  }
.Lfunc_end0:
.L_simem_size_0:
called_computation_lowered:
.L_overlay_start_0:
0x88: {  	s2 =	sld [smem:$0x3FD9]  }
0x89: {  	s3 =	sld [smem:$0x3FFE];
	_ =	sdelay $0x1  }
0x8a: {  	s1 =	srdreg.scid  }
0x8b: {  	s0 =	sand.u32 $0x1, s1  }
0x8c: {  	s16 =	sshll.u32 s0, $0xA;
	s2 =	sadd.s32 s3, s2  }
0x8d: {  	s2 =	sadd.s32 s2, s16  }
0x8e: {  	[smem:$0x3FC3] =	sst s2  }
0x8f: {  	_ = 	snop  }
0x90: {  	(tm) =	ssettm $0x1  }
0x91: {  	s17 =	sld [smem:$0x3FFB];
	_ =	sdelay $0x3  }
0x92: {  	_ =	strace s17  }
0x93: {  	s2 =	sld [smem:$0x3FFC];
	_ =	sdelay $0x3  }
0x94: {  	_ =	strace s2  }
0x95: {  	s2 =	sld [smem:$0x3FFD];
	_ =	sdelay $0x3  }
0x96: {  	_ =	strace s2  }
0x97: {  	_ =	strace $0x8FFFFFFF  }
0x98: {  	s18 =	sld [smem:$0x3FDB];
	_ =	sdelay $0x1  }
0x99: {  	s19 =	simm.s32 $_scs_section_size  }
0x9a: {  	s4 =	simm.s32 $_size__tile_overlayer_lowered;
	s5 =	simm.s32 $_tile_overlayer_lowered  }
0x9b: {  	s22 =	simm.s32 $0x1BFF;
	s21 =	sshll.u32 s5, $0x1;
	s2 =	sadd.s32 s19, s18  }
0x9c: {  	s6 =	simm.s32 $0x0;
	s20 =	sshll.u32 s4, $0x1;
	s4 =	sadd.s32 s21, s2  }
0x9d: {  	[timem:s6], [sflag:s22] =	dma.local [hbm:s4], s20  }
0x9e: {  	_ =	swait.ge [sflag:s22], s20  }
0x9f: {  	s3 =	ssub.s32 $0x0, s20;
	[sflag:s22] =	ssyncset.done $0x0  }
0xa0: {  	[sflag:s22] =	ssyncadd.s32 s3;
	_ =	sdelay $0x1  }
0xa1: {  	s23 =	simm.s32 $0x1B8B  }
0xa2: {  	_ =	swait.ge [sflag:s23], $0x1  }
0xa3: {  	[sflag:s23] =	ssyncset.done $0x0  }
0xa4: {  	s25 =	simm.s32 $0x1B8E;
	s24 =	sld [smem:$0x3FFE];
	[sflag:s23] =	ssyncadd.s32 $0xFFFFFFFF  }
0xa5: {  	s26 =	simm.s32 $execute0_lowered;
	[smem:$0x3FD2] =	sst s25  }
0xa6: {  	s4 =	sshll.u32 s26, $0x1;
	_ =	strace $0x80000046;
	[dreg:$0x1] =	wrdreg $0xFFFFFFFF  }
0xa7: {  	s28 =	simm.s32 $_size_execute0_lowered;
	s2 =	sadd.s32 s2, s4;
	[dreg:$0x0] =	wrdreg $0x0  }
0xa8: {  	s4 =	sshll.u32 s28, $0x1;
	[dreg:$0x2] =	wrdreg s2  }
0xa9: {  	[dreg:$0x3] =	wrdreg s4  }
0xaa: {  	[dreg:$0x4] =	wrdreg $0xC0  }
0xab: {  	_ =	task [dreg:s6], $0x5FFFF  }
0xac: {  	[dreg:$0x1] =	wrdreg $0xFFFFFFFF  }
0xad: {  	[dreg:$0x0] =	wrdreg $0x60  }
0xae: {  	[dreg:$0x2] =	wrdreg s24  }
0xaf: {  	[dreg:$0x3] =	wrdreg $0x4E000  }
0xb0: {  	[dreg:$0x4] =	wrdreg $0x9  }
0xb1: {  	_ =	task.clear_ibuf [dreg:s6], $0x5FFFF;
	_ =	strace $0x90000046  }
0xb2: {  	s29 =	simm.s32 $0x9;
	_ =	strace $0x80000048  }
0xb3: {  	_ =	swait.ge [sflag:s29], $0x1  }
0xb4: {  	[sflag:s29] =	ssyncadd.s32 $0xFFFFFFFF  }
0xb5: {  	_ =	strace $0x90000048  }
0xb6: {  	_ =	sfence  }
0xb7: {  	s30 =	sld [smem:$0x0];
	_ =	sdelay $0x2  }
0xb8: {  	s31 =	sshll.u32 s1, $0xD;
	s1 =	sshrl.u32 s1, $0x2  }
0xb9: {  	s3 =	sand.u32 $0x4000, s31;
	s1 =	sadd.s32 s1, s30  }
0xba: {  	s0 =	sor.u32 s3, s0;
	s1 =	sshll.u32 s1, $0x11  }
0xbb: {  	s0 =	sor.u32 s1, s0  }
0xbc: {  	s0 =	sadd.s32 $0x8F2B, s0  }
0xbd: {  	[sflag:s0] =	ssyncadd.remote.s32 $0x1  }
0xbe: {  	_ =	sfence.sel $0xFFFF  }
0xbf: {  	[dreg:$0x0] =	wrdreg $0xFFFFFFFF;
	(pc) =	sbr.abs _section_cstart, $3  }
0xc0: {  	[dreg:$0x1] =	wrdreg $0xFFFFFFFF  }
0xc1: {  	_ =	task.clear_ibuf [dreg:s6], $0x2FFFF;
	_ =	strace $0x9FFFFFFF  }
0xc2: {  	(tm) =	ssettm $0x7FFFFFFF  }
0xc3: {  	_ =	shalt  }
tec
execute0_lowered:
.L_overlay_start_1:
0x0: {  	(tag) =	ssettag $0x1  }
0x1: {  	s0 =	srdreg.scid  }
0x2: {  	s5 =	stileid.u32;
	s1 =	rddreg [dreg:$0x0]  }
0x3: {  	s2 =	rddreg [dreg:$0x1];
	s28 =	simm.s32 $0x1;
	s29 =	simm.s32 $0x3  }
0x4: {  	s30 =	simm.s32 $0x2;
	s0 =	sand.u32 $0x1, s0;
	s3 =	sshll.u32 s5, $0x1  }
0x5: {  	s31 =	simm.s32 $0x4;
	s5 =	smul.u32 $0x4E20, s5;
	s4 =	sor.u32 s0, s3  }
0x6: {  	s3 =	simm.s32 $0x0;
	s0 =	ssub.s32 $0x2, s0;
	s4 =	smul.u32 $0x340, s4  }
0x7: {  	[smem:$0x7FF] =	sst s3;
	s6 =	sshrl.u32 s0, $0x1;
	s19 =	sshrl.u32 s5, $0x3  }
0x8: {  	s20 =	sadd.s32 $0xFA0, s5;
	s21 =	sadd.s32 s5, s2;
	s8 =	sadd.s32 $0x1F40, s5  }
0x9: {  	s24 =	sadd.s32 $0x2EE0, s5;
	s5 =	sadd.s32 $0x3E80, s5;
	_ =	strace $0x80000047  }
0xa: {  	s0 =	ssub.s32 s0, s6;
	s6 =	sadd.s32 s1, s19;
	[dreg:$0x6] =	wrdreg s21  }
0xb: {  	s22 =	sshrl.u32 s20, $0x3;
	s9 =	sadd.s32 s20, s2;
	s23 =	sshrl.u32 s8, $0x3  }
0xc: {  	s11 =	sadd.s32 s8, s2;
	s25 =	sshrl.u32 s24, $0x3;
	s26 =	sshrl.u32 s5, $0x3  }
0xd: {  	s13 =	sadd.s32 s24, s2;
	s15 =	sadd.s32 s5, s2;
	s20 =	simm.s32 $0x9C20  }
0xe: {  	s21 =	simm.s32 $0x80;
	s24 =	simm.s32 $0xBBC0;
	s4 =	sadd.s32 s4, s1  }
0xf: {  	[dreg:$0x5] =	wrdreg s6;
	s10 =	sadd.s32 s1, s23;
	s12 =	sadd.s32 s1, s25  }
.Ltmp0:
0x10: {  	s14 =	sadd.s32 s1, s26;
	s17 =	smax.u32 s0, $0x1;
	(pc) =	sbr.rel .LBB2_1-.Ltmp0, $4  }
0x11: {  	s23 =	simm.s32 $0xCBC0;
	s26 =	simm.s32 $0xDBC0;
	s18 =	sadd.s32 $0x9E00, s4  }
0x12: {  	s0 =	simm.s32 $0x0;
	s7 =	sadd.s32 $0x10600, s4;
	[dreg:$0x3] =	wrdreg s18  }
0x13: {  	v0 =	vlaneseq.u32;
	s16 =	sadd.s32 $0x16E00, s4;
	[dreg:$0x4] =	wrdreg s7;
	s7 =	sadd.s32 s1, s22  }
0x14: {  	v0 =	vmul.u32 $0x20, v0;
	s18 =	simm.s32 $0x5;
	s22 =	simm.s32 $0xABC0;
	[dreg:$0x7] =	wrdreg s7  }
.LBB2_8:
0x15: {  	s0 =	sadd.s32 $0x1, s0  }
0x16: {  	p0 =	sne.s32 s0, s17  }
.Ltmp1:
0x17: {  	s1 =	simm.s32 $0x3400;
	(pc) =	sbr.rel @!p0 .LBB2_9-.Ltmp1, $4  }
0x18: {  	[hbm4b:s16+s3] =	stream.linear.scatter [tilespmem:s1], [sflag:$0x5], $0x1A00, $0x38;
	[tilespmem:$0xEBC0] =	vst v63  }
0x19: {  	_ =	swait.ge [sflag:s18], $0x1A00  }
0x1a: {  	[sflag:s18] =	ssyncset.done $0x0  }
0x1b: {  	[sflag:s18] =	ssyncadd.s32 $0xFFFFE600  }
.LBB2_1:
0x1c: {  	s1 =	rddreg [dreg:$0x3]  }
0x1d: {  	[tilespmem:s3], [sflag:$0x5] =	stream.linear.gather [hbm4b:s1+s3], $0x1A00, $0x38;
	[tilespmem:$0xEBC0] =	vst v63  }
0x1e: {  	_ =	swait.ge [sflag:s18], $0x1A00  }
0x1f: {  	[sflag:s18] =	ssyncset.done $0x0  }
0x20: {  	s4 =	simm.s32 $0x1A00;
	s6 =	rddreg [dreg:$0x4];
	[sflag:s18] =	ssyncadd.s32 $0xFFFFE600  }
0x21: {  	[tilespmem:s4], [sflag:$0x5] =	stream.linear.gather [hbm4b:s6+s3], $0x1A00, $0x38;
	[tilespmem:$0xEBC0] =	vst v63  }
0x22: {  	_ =	swait.ge [sflag:s18], $0x1A00  }
0x23: {  	[sflag:s18] =	ssyncset.done $0x0  }
0x24: {  	s7 =	rddreg [dreg:$0x5];
	[sflag:s18] =	ssyncadd.s32 $0xFFFFE600  }
0x25: {  	[tilespmem:s20], [sflag:$0x5] =	stream.linear.gather [hbm4b:s7+s3], $0xFA0, $0x38;
	[tilespmem:$0xEBC0] =	vst v63  }
0x26: {  	_ =	swait.ge [sflag:s18], $0xFA0  }
0x27: {  	[sflag:s18] =	ssyncset.done $0x0  }
0x28: {  	s8 =	rddreg [dreg:$0x6];
	[sflag:s18] =	ssyncadd.s32 $0xFFFFF060  }
0x29: {  	[spmem:s8] =	stream.linear.scatter [tilespmem:s20], [sflag:$0x5], $0xFA0, $0x38;
	[tilespmem:$0xEBC0] =	vst v63  }
0x2a: {  	_ =	swait.ge [sflag:s18], $0xFA0  }
0x2b: {  	[sflag:s18] =	ssyncset.done $0x0  }
0x2c: {  	s19 =	rddreg [dreg:$0x7];
	[sflag:s18] =	ssyncadd.s32 $0xFFFFF060  }
0x2d: {  	[tilespmem:s20], [sflag:$0x5] =	stream.linear.gather [hbm4b:s19+s3], $0xFA0, $0x38;
	[tilespmem:$0xEBC0] =	vst v63  }
0x2e: {  	_ =	swait.ge [sflag:s18], $0xFA0  }
0x2f: {  	[sflag:s18] =	ssyncset.done $0x0  }
0x30: {  	[sflag:s18] =	ssyncadd.s32 $0xFFFFF060  }
0x31: {  	[spmem:s9] =	stream.linear.scatter [tilespmem:s20], [sflag:$0x5], $0xFA0, $0x38;
	[tilespmem:$0xEBC0] =	vst v63  }
0x32: {  	_ =	swait.ge [sflag:s18], $0xFA0  }
0x33: {  	[sflag:s18] =	ssyncset.done $0x0  }
0x34: {  	[sflag:s18] =	ssyncadd.s32 $0xFFFFF060  }
0x35: {  	[tilespmem:s20], [sflag:$0x5] =	stream.linear.gather [hbm4b:s10+s3], $0xFA0, $0x38;
	[tilespmem:$0xEBC0] =	vst v63  }
0x36: {  	_ =	swait.ge [sflag:s18], $0xFA0  }
0x37: {  	[sflag:s18] =	ssyncset.done $0x0  }
0x38: {  	[sflag:s18] =	ssyncadd.s32 $0xFFFFF060  }
0x39: {  	[spmem:s11] =	stream.linear.scatter [tilespmem:s20], [sflag:$0x5], $0xFA0, $0x38;
	[tilespmem:$0xEBC0] =	vst v63  }
0x3a: {  	_ =	swait.ge [sflag:s18], $0xFA0  }
0x3b: {  	[sflag:s18] =	ssyncset.done $0x0  }
0x3c: {  	[sflag:s18] =	ssyncadd.s32 $0xFFFFF060  }
0x3d: {  	[tilespmem:s20], [sflag:$0x5] =	stream.linear.gather [hbm4b:s12+s3], $0xFA0, $0x38;
	[tilespmem:$0xEBC0] =	vst v63  }
0x3e: {  	_ =	swait.ge [sflag:s18], $0xFA0  }
0x3f: {  	[sflag:s18] =	ssyncset.done $0x0  }
0x40: {  	[sflag:s18] =	ssyncadd.s32 $0xFFFFF060  }
0x41: {  	[spmem:s13] =	stream.linear.scatter [tilespmem:s20], [sflag:$0x5], $0xFA0, $0x38;
	[tilespmem:$0xEBC0] =	vst v63  }
0x42: {  	_ =	swait.ge [sflag:s18], $0xFA0  }
0x43: {  	[sflag:s18] =	ssyncset.done $0x0  }
0x44: {  	[sflag:s18] =	ssyncadd.s32 $0xFFFFF060  }
0x45: {  	[tilespmem:s20], [sflag:$0x5] =	stream.linear.gather [hbm4b:s14+s3], $0xFA0, $0x38;
	[tilespmem:$0xEBC0] =	vst v63  }
0x46: {  	_ =	swait.ge [sflag:s18], $0xFA0  }
0x47: {  	[sflag:s18] =	ssyncset.done $0x0  }
0x48: {  	[sflag:s18] =	ssyncadd.s32 $0xFFFFF060  }
0x49: {  	[spmem:s15] =	stream.linear.scatter [tilespmem:s20], [sflag:$0x5], $0xFA0, $0x38;
	[tilespmem:$0xEBC0] =	vst v63  }
0x4a: {  	_ =	swait.ge [sflag:s18], $0xFA0  }
0x4b: {  	[sflag:s18] =	ssyncset.done $0x0  }
0x4c: {  	[sflag:s18] =	ssyncadd.s32 $0xFFFFF060  }
0x4d: {  	[bflag:$0x0] =	sbarrier.arrive $0xFFFF  }
0x4e: {  	[tilespmem:s22], [sflag:$0x1] =	stream.indirect.gather [spmem:s2], $0x20, s3, s21, $0xb8;
	[tilespmem:$0xEBC0] =	vst v63  }
0x4f: {  	_ = 	snop  }
0x50: {  	[tilespmem:s23], [sflag:$0x3] =	stream.indirect.gather [spmem:s2], $0x20, s4, s21, $0xb8;
	[tilespmem:$0xEBC0] =	vst v63  }
0x51: {  	s25 =	simm.s32 $0x1A80  }
0x52: {  	[tilespmem:s24], [sflag:$0x2] =	stream.indirect.gather [spmem:s2], $0x20, s21, s21, $0xb8;
	[tilespmem:$0xEBC0] =	vst v63  }
0x53: {  	s5 =	simm.s32 $0x3400;
	s7 =	simm.s32 $0x3480;
	s19 =	simm.s32 $0x0  }
0x54: {  	[tilespmem:s26], [sflag:$0x4] =	stream.indirect.gather [spmem:s2], $0x20, s25, s21, $0xb8;
	[tilespmem:$0xEBC0] =	vst v63  }
.LBB2_2:
0x55: {  	s1 =	simm.s32 $0x0  }
0x56: {  	v1 =	vmov s1  }
0x57: {  	_ =	swait.ge [sflag:s28], $0x1000;
	v1 =	vshll.u32 v1, $0x5  }
0x58: {  	[sflag:s28] =	ssyncset.done $0x0;
	v7 =	vor.u32 v0, v1  }
0x59: {  	[sflag:s28] =	ssyncadd.s32 $0xFFFFF000  }
0x5a: {  	_ =	swait.ge [sflag:s29], $0x1000;
	v2 =	vor.u32 $0x1F, v7  }
0x5b: {  	[sflag:s29] =	ssyncset.done $0x0  }
0x5c: {  	v3 =	vor.u32 $0x1, v7;
	[sflag:s29] =	ssyncadd.s32 $0xFFFFF000  }
0x5d: {  	v21 =	vld.idx.msk [tilespmem:v7+s22+$0x0], $0xffff  }
0x5e: {  	v15 =	vor.u32 $0x2, v7;
	v30 =	vld.idx.msk [tilespmem:v7+s23+$0x0], $0xffff  }
0x5f: {  	v20 =	vor.u32 $0x4, v7;
	v1 =	vld.idx.msk [tilespmem:v2+s22+$0x0], $0xffff  }
0x60: {  	v22 =	vor.u32 $0x6, v7;
	v4 =	vor.u32 $0x1C, v7;
	v28 =	vor.u32 $0x3, v7;
	v26 =	vld.idx.msk [tilespmem:v2+s23+$0x0], $0xffff  }
0x61: {  	v23 =	vor.u32 $0x8, v7;
	v24 =	vor.u32 $0x9, v7;
	v25 =	vor.u32 $0xA, v7;
	v27 =	vld.idx.msk [tilespmem:v3+s22+$0x0], $0xffff  }
0x62: {  	v19 =	vor.u32 $0xD, v7;
	v18 =	vor.u32 $0xE, v7;
	v17 =	vor.u32 $0xF, v7;
	v29 =	vld.idx.msk [tilespmem:v3+s23+$0x0], $0xffff  }
0x63: {  	v16 =	vor.u32 $0x10, v7;
	v14 =	vor.u32 $0x11, v7;
	v13 =	vor.u32 $0x12, v7;
	v32 =	vld.idx.msk [tilespmem:v15+s23+$0x0], $0xffff  }
0x64: {  	v12 =	vor.u32 $0x14, v7;
	v11 =	vor.u32 $0x16, v7;
	v10 =	vor.u32 $0x18, v7;
	v15 =	vld.idx.msk [tilespmem:v15+s22+$0x0], $0xffff  }
0x65: {  	v9 =	vor.u32 $0x19, v7;
	v8 =	vor.u32 $0x1A, v7;
	v6 =	vor.u32 $0x1D, v7;
	v33 =	vld.idx.msk [tilespmem:v28+s23+$0x0], $0xffff  }
0x66: {  	v5 =	vor.u32 $0x1E, v7;
	v35 =	vor.u32 $0x5, v7;
	v59 =	vor.u32 $0x7, v7;
	v52 =	vld.idx.msk [tilespmem:v28+s22+$0x0], $0xffff  }
0x67: {  	v49 =	vor.u32 $0xB, v7;
	v50 =	vor.u32 $0xC, v7;
	v54 =	vld.idx.msk [tilespmem:v20+s23+$0x0], $0xffff;
	v31 =	vshll.u32 v21, $0x10  }
0x68: {  	v20 =	vld.idx.msk [tilespmem:v20+s22+$0x0], $0xffff;
	v21 =	vand.u32 $0xFFFF0000, v21;
	v36 =	vshll.u32 v30, $0x10;
	v30 =	vand.u32 $0xFFFF0000, v30  }
0x69: {  	v58 =	vld.idx.msk [tilespmem:v22+s23+$0x0], $0xffff;
	v3 =	vand.u32 $0xFFFF0000, v1;
	v2 =	vshll.u32 v26, $0x10;
	v26 =	vand.u32 $0xFFFF0000, v26  }
0x6a: {  	v22 =	vld.idx.msk [tilespmem:v22+s22+$0x0], $0xffff;
	v34 =	vshll.u32 v27, $0x10;
	v27 =	vand.u32 $0xFFFF0000, v27;
	v53 =	vshll.u32 v29, $0x10  }
0x6b: {  	v38 =	vld.idx.msk [tilespmem:v35+s22+$0x0], $0xffff;
	v29 =	vand.u32 $0xFFFF0000, v29;
	v31 =	vmul.f32 v36, v31;
	v37 =	vshll.u32 v32, $0x10  }
0x6c: {  	v35 =	vld.idx.msk [tilespmem:v35+s23+$0x0], $0xffff;
	v32 =	vand.u32 $0xFFFF0000, v32;
	v21 =	vmul.f32 v30, v21;
	v55 =	vshll.u32 v15, $0x10  }
0x6d: {  	v15 =	vand.u32 $0xFFFF0000, v15;
	v56 =	vand.u32 $0xFFFF0000, v33;
	v57 =	vshll.u32 v52, $0x10  }
0x6e: {  	v46 =	vld.idx.msk [tilespmem:v23+s23+$0x0], $0xffff;
	v33 =	vshll.u32 v33, $0x10;
	v60 =	vshll.u32 v20, $0x10;
	v61 =	vshll.u32 v54, $0x10  }
0x6f: {  	v42 =	vld.idx.msk [tilespmem:v59+s23+$0x0], $0xffff;
	v20 =	vand.u32 $0xFFFF0000, v20;
	v62 =	vand.u32 $0xFFFF0000, v54;
	v41 =	vshll.u32 v58, $0x10  }
0x70: {  	v23 =	vld.idx.msk [tilespmem:v23+s22+$0x0], $0xffff;
	v43 =	vshll.u32 v22, $0x10;
	v44 =	vand.u32 $0xFFFF0000, v58;
	v45 =	vand.u32 $0xFFFF0000, v38  }
0x71: {  	v51 =	vld.idx.msk [tilespmem:v24+s22+$0x0], $0xffff;
	v22 =	vand.u32 $0xFFFF0000, v22;
	v47 =	vshll.u32 v35, $0x10;
	v3 =	vmul.f32 v26, v3  }
0x72: {  	v24 =	vld.idx.msk [tilespmem:v24+s23+$0x0], $0xffff;
	v48 =	vshll.u32 v38, $0x10;
	v28 =	vmul.f32 v53, v34;
	v30 =	vmul.f32 v37, v55  }
0x73: {  	v54 =	vld.idx.msk [tilespmem:v25+s22+$0x0], $0xffff;
	v58 =	vshll.u32 v46, $0x10;
	v15 =	vmul.f32 v32, v15;
	v27 =	vmul.f32 v29, v27  }
0x74: {  	v25 =	vld.idx.msk [tilespmem:v25+s23+$0x0], $0xffff;
	v26 =	vand.u32 $0xFFFF0000, v52;
	v32 =	vmul.f32 v33, v57;
	v63 =	vmul.f32 v61, v60  }
0x75: {  	v36 =	vld.idx.msk [tilespmem:v50+s23+$0x0], $0xffff;
	v20 =	vmul.f32 v62, v20;
	v22 =	vmul.f32 v44, v22;
	v21 =	vadd.f32 $0.0e+00, v21  }
0x76: {  	v38 =	vld.idx.msk [tilespmem:v50+s22+$0x0], $0xffff;
	v52 =	vmul.f32 v47, v48;
	v55 =	vand.u32 $0xFFFF0000, v23;
	v23 =	vshll.u32 v23, $0x10  }
0x77: {  	v29 =	vld.idx.msk [tilespmem:v59+s22+$0x0], $0xffff;
	v59 =	vand.u32 $0xFFFF0000, v51;
	v31 =	vadd.f32 $0.0e+00, v31;
	v21 =	vadd.f32 v27, v21  }
0x78: {  	v60 =	vshll.u32 v24, $0x10;
	v24 =	vand.u32 $0xFFFF0000, v24;
	v26 =	vmul.f32 v56, v26  }
0x79: {  	v56 =	vand.u32 $0xFFFF0000, v46;
	v28 =	vadd.f32 v28, v31;
	v21 =	vadd.f32 v15, v21  }
0x7a: {  	v61 =	vld.idx.msk [tilespmem:v49+s23+$0x0], $0xffff;
	v23 =	vmul.f32 v58, v23;
	v57 =	vmul.f32 v56, v55;
	v37 =	vshll.u32 v25, $0x10  }
0x7b: {  	v48 =	vld.idx.msk [tilespmem:v17+s23+$0x0], $0xffff;
	v25 =	vand.u32 $0xFFFF0000, v25;
	v40 =	vadd.f32 v30, v28;
	v21 =	vadd.f32 v26, v21  }
0x7c: {  	v62 =	vld.idx.msk [tilespmem:v49+s22+$0x0], $0xffff;
	v44 =	vshll.u32 v36, $0x10;
	v46 =	vshll.u32 v38, $0x10;
	v49 =	vand.u32 $0xFFFF0000, v38  }
0x7d: {  	v27 =	vadd.f32 v32, v40;
	v20 =	vadd.f32 v20, v21;
	v21 =	vand.u32 $0xFFFF0000, v35  }
0x7e: {  	v15 =	vor.u32 $0x17, v7;
	v53 =	vshll.u32 v29, $0x10;
	v21 =	vmul.f32 v21, v45  }
0x7f: {  	v29 =	vand.u32 $0xFFFF0000, v29;
	v30 =	vshll.u32 v54, $0x10;
	v27 =	vadd.f32 v63, v27  }
0x80: {  	v55 =	vand.u32 $0xFFFF0000, v48;
	v39 =	vmul.f32 v37, v30;
	v20 =	vadd.f32 v21, v20  }
0x81: {  	v26 =	vmul.f32 v41, v43;
	v41 =	vor.u32 $0x13, v7;
	v27 =	vadd.f32 v52, v27  }
0x82: {  	v21 =	vshll.u32 v42, $0x10;
	v20 =	vadd.f32 v22, v20;
	v22 =	vand.u32 $0xFFFF0000, v42  }
0x83: {  	v40 =	vld.idx.msk [tilespmem:v19+s23+$0x0], $0xffff;
	v21 =	vmul.f32 v21, v53;
	v26 =	vadd.f32 v26, v27;
	v22 =	vmul.f32 v22, v29  }
0x84: {  	v43 =	vshll.u32 v62, $0x10;
	v32 =	vshll.u32 v61, $0x10;
	v63 =	vand.u32 $0xFFFF0000, v54  }
0x85: {  	v54 =	vshll.u32 v48, $0x10;
	v21 =	vadd.f32 v21, v26;
	v20 =	vadd.f32 v22, v20  }
0x86: {  	v19 =	vld.idx.msk [tilespmem:v19+s22+$0x0], $0xffff;
	v25 =	vmul.f32 v25, v63;
	v45 =	vmul.f32 v32, v43;
	v22 =	vshll.u32 v51, $0x10  }
0x87: {  	v21 =	vadd.f32 v23, v21;
	v23 =	vmul.f32 v24, v59;
	v51 =	vld.idx.msk [tilespmem:v16+s23+$0x0], $0xffff;
	v20 =	vadd.f32 v57, v20  }
0x88: {  	v47 =	vshll.u32 v40, $0x10;
	v28 =	vand.u32 $0xFFFF0000, v40;
	v59 =	vld.idx.msk [tilespmem:v12+s23+$0x0], $0xffff;
	v22 =	vmul.f32 v60, v22  }
0x89: {  	v42 =	vor.u32 $0x15, v7;
	v26 =	vand.u32 $0xFFFF0000, v62;
	v20 =	vadd.f32 v23, v20  }
0x8a: {  	v29 =	vand.u32 $0xFFFF0000, v36;
	v21 =	vadd.f32 v22, v21;
	v22 =	vand.u32 $0xFFFF0000, v61;
	v23 =	vld.idx.msk [tilespmem:v18+s23+$0x0], $0xffff  }
0x8b: {  	v29 =	vmul.f32 v29, v49;
	v18 =	vld.idx.msk [tilespmem:v18+s22+$0x0], $0xffff;
	v22 =	vmul.f32 v22, v26;
	v20 =	vadd.f32 v25, v20  }
0x8c: {  	v24 =	vmul.f32 v44, v46;
	v21 =	vadd.f32 v39, v21;
	v56 =	vand.u32 $0xFFFF0000, v51  }
0x8d: {  	v60 =	vshll.u32 v59, $0x10;
	v20 =	vadd.f32 v22, v20;
	v22 =	vshll.u32 v19, $0x10  }
0x8e: {  	v17 =	vld.idx.msk [tilespmem:v17+s22+$0x0], $0xffff;
	v21 =	vadd.f32 v45, v21;
	v19 =	vand.u32 $0xFFFF0000, v19;
	v22 =	vmul.f32 v47, v22  }
0x8f: {  	v16 =	vld.idx.msk [tilespmem:v16+s22+$0x0], $0xffff;
	v50 =	vand.u32 $0xFFFF0000, v23;
	v19 =	vmul.f32 v28, v19;
	v20 =	vadd.f32 v29, v20  }
0x90: {  	v53 =	vld.idx.msk [tilespmem:v14+s23+$0x0], $0xffff;
	v52 =	vshll.u32 v18, $0x10;
	v18 =	vand.u32 $0xFFFF0000, v18;
	v21 =	vadd.f32 v24, v21  }
0x91: {  	v14 =	vld.idx.msk [tilespmem:v14+s22+$0x0], $0xffff;
	v23 =	vshll.u32 v23, $0x10;
	v18 =	vmul.f32 v50, v18;
	v19 =	vadd.f32 v19, v20  }
0x92: {  	v57 =	vld.idx.msk [tilespmem:v13+s23+$0x0], $0xffff;
	v23 =	vmul.f32 v23, v52;
	v21 =	vadd.f32 v22, v21;
	v22 =	vshll.u32 v51, $0x10  }
0x93: {  	v13 =	vld.idx.msk [tilespmem:v13+s22+$0x0], $0xffff;
	v20 =	vshll.u32 v17, $0x10;
	v17 =	vand.u32 $0xFFFF0000, v17;
	v18 =	vadd.f32 v18, v19  }
0x94: {  	v19 =	vmul.f32 v54, v20;
	v20 =	vshll.u32 v16, $0x10;
	v16 =	vand.u32 $0xFFFF0000, v16  }
0x95: {  	v17 =	vmul.f32 v55, v17;
	v21 =	vadd.f32 v23, v21;
	v16 =	vmul.f32 v56, v16  }
0x96: {  	v58 =	vld.idx.msk [tilespmem:v41+s23+$0x0], $0xffff;
	v20 =	vmul.f32 v22, v20;
	v22 =	vshll.u32 v14, $0x10;
	v14 =	vand.u32 $0xFFFF0000, v14  }
0x97: {  	v23 =	vld.idx.msk [tilespmem:v41+s22+$0x0], $0xffff;
	v17 =	vadd.f32 v17, v18;
	v18 =	vand.u32 $0xFFFF0000, v53;
	v19 =	vadd.f32 v19, v21  }
0x98: {  	v21 =	vshll.u32 v57, $0x10;
	v14 =	vmul.f32 v18, v14;
	v18 =	vshll.u32 v13, $0x10  }
0x99: {  	v13 =	vand.u32 $0xFFFF0000, v13;
	v16 =	vadd.f32 v16, v17;
	v17 =	vshll.u32 v53, $0x10  }
0x9a: {  	v12 =	vld.idx.msk [tilespmem:v12+s22+$0x0], $0xffff;
	v19 =	vadd.f32 v20, v19;
	v20 =	vand.u32 $0xFFFF0000, v57;
	v17 =	vmul.f32 v17, v22  }
0x9b: {  	v18 =	vmul.f32 v21, v18;
	v13 =	vmul.f32 v20, v13;
	v20 =	vld.idx.msk [tilespmem:v42+s22+$0x0], $0xffff;
	v14 =	vadd.f32 v14, v16  }
0x9c: {  	v21 =	vld.idx.msk [tilespmem:v42+s23+$0x0], $0xffff;
	v22 =	vand.u32 $0xFFFF0000, v23;
	v16 =	vshll.u32 v58, $0x10;
	v17 =	vadd.f32 v17, v19  }
0x9d: {  	v19 =	vshll.u32 v23, $0x10;
	v23 =	vld.idx.msk [tilespmem:v11+s23+$0x0], $0xffff;
	v13 =	vadd.f32 v13, v14;
	v14 =	vand.u32 $0xFFFF0000, v58  }
0x9e: {  	v11 =	vld.idx.msk [tilespmem:v11+s22+$0x0], $0xffff;
	v16 =	vmul.f32 v16, v19;
	v19 =	vand.u32 $0xFFFF0000, v59;
	v17 =	vadd.f32 v18, v17  }
0x9f: {  	v62 =	vld.idx.msk [tilespmem:v15+s22+$0x0], $0xffff;
	v18 =	vshll.u32 v12, $0x10;
	v12 =	vand.u32 $0xFFFF0000, v12;
	v14 =	vmul.f32 v14, v22  }
0xa0: {  	v18 =	vmul.f32 v60, v18;
	v19 =	vmul.f32 v19, v12;
	v12 =	vshll.u32 v20, $0x10  }
0xa1: {  	v61 =	vld.idx.msk [tilespmem:v15+s23+$0x0], $0xffff;
	v20 =	vand.u32 $0xFFFF0000, v20;
	v16 =	vadd.f32 v16, v17;
	v17 =	vand.u32 $0xFFFF0000, v21  }
0xa2: {  	v21 =	vshll.u32 v21, $0x10;
	v17 =	vmul.f32 v17, v20;
	v20 =	vadd.f32 v14, v13;
	v13 =	vld.idx.msk [tilespmem:v8+s23+$0x0], $0xffff  }
0xa3: {  	v22 =	vand.u32 $0xFFFF0000, v11;
	v15 =	vadd.f32 v18, v16;
	v16 =	vmul.f32 v21, v12;
	v12 =	vld.idx.msk [tilespmem:v10+s23+$0x0], $0xffff  }
0xa4: {  	v14 =	vor.u32 $0x1B, v7;
	v7 =	vld.idx.msk [tilespmem:v8+s22+$0x0], $0xffff;
	v8 =	vand.u32 $0xFFFF0000, v62;
	v18 =	vand.u32 $0xFFFF0000, v23  }
0xa5: {  	v21 =	vshll.u32 v11, $0x10;
	v11 =	vld.idx.msk [tilespmem:v10+s22+$0x0], $0xffff;
	v63 =	vadd.f32 v16, v15;
	v15 =	vshll.u32 v23, $0x10  }
0xa6: {  	v10 =	vld.idx.msk [tilespmem:v9+s23+$0x0], $0xffff;
	v19 =	vadd.f32 v19, v20;
	v20 =	vshll.u32 v62, $0x10;
	v21 =	vmul.f32 v15, v21  }
0xa7: {  	v16 =	vand.u32 $0xFFFF0000, v61;
	v15 =	vmul.f32 v18, v22;
	v22 =	vshll.u32 v61, $0x10  }
0xa8: {  	s4 =	simm.s32 $0x10;
	s6 =	smov.u32 s5;
	s1 =	smov.u32 s5;
	v9 =	vld.idx.msk [tilespmem:v9+s22+$0x0], $0xffff;
	v20 =	vmul.f32 v22, v20;
	v18 =	vadd.f32 v21, v63;
	v21 =	vshll.u32 v12, $0x10  }
.LBB2_3:
0xa9: {  	p0 =	sne.s32 s4, $0x70  }
0xaa: {  	v17 =	vadd.f32 v17, v19;
	v19 =	vshll.u32 v11, $0x10;
	v12 =	vand.u32 $0xFFFF0000, v12;
	s6 =	sadd.s32 $0x10, s6;
	s25 =	smov.u32 s4;
	s4 =	sadd.s32 $0x10, s4  }
0xab: {  	v18 =	vadd.f32 v20, v18;
	v19 =	vmul.f32 v21, v19;
	v20 =	vand.u32 $0xFFFF0000, v10  }
0xac: {  	v8 =	vmul.f32 v16, v8;
	v11 =	vand.u32 $0xFFFF0000, v11;
	v15 =	vadd.f32 v15, v17  }
0xad: {  	v11 =	vmul.f32 v12, v11;
	v12 =	vand.u32 $0xFFFF0000, v13;
	v16 =	vadd.f32 v19, v18;
	v17 =	vld.idx.msk [tilespmem:v14+s23+$0x0], $0xffff  }
0xae: {  	v13 =	vshll.u32 v13, $0x10;
	v18 =	vshll.u32 v9, $0x10;
	v9 =	vand.u32 $0xFFFF0000, v9;
	v14 =	vld.idx.msk [tilespmem:v14+s22+$0x0], $0xffff  }
0xaf: {  	v8 =	vadd.f32 v8, v15;
	v9 =	vmul.f32 v20, v9;
	v15 =	vshll.u32 v7, $0x10;
	v19 =	vld.idx.msk [tilespmem:v4+s23+$0x0], $0xffff  }
0xb0: {  	v10 =	vshll.u32 v10, $0x10;
	v7 =	vand.u32 $0xFFFF0000, v7;
	v13 =	vmul.f32 v13, v15;
	v4 =	vld.idx.msk [tilespmem:v4+s22+$0x0], $0xffff  }
0xb1: {  	v10 =	vmul.f32 v10, v18;
	v7 =	vmul.f32 v12, v7;
	v8 =	vadd.f32 v11, v8;
	v11 =	vld.idx.msk [tilespmem:v6+s23+$0x0], $0xffff  }
0xb2: {  	v6 =	vld.idx.msk [tilespmem:v6+s22+$0x0], $0xffff  }
0xb3: {  	v10 =	vadd.f32 v10, v16;
	v8 =	vadd.f32 v9, v8;
	v9 =	vand.u32 $0xFFFF0000, v17;
	v12 =	vld.idx.msk [tilespmem:v5+s23+$0x0], $0xffff  }
0xb4: {  	v16 =	vshll.u32 v17, $0x10;
	v15 =	vshll.u32 v14, $0x10;
	v14 =	vand.u32 $0xFFFF0000, v14;
	v5 =	vld.idx.msk [tilespmem:v5+s22+$0x0], $0xffff  }
0xb5: {  	v10 =	vadd.f32 v13, v10;
	v7 =	vadd.f32 v7, v8;
	v8 =	vand.u32 $0xFFFF0000, v19  }
0xb6: {  	v9 =	vmul.f32 v9, v14;
	v14 =	vshll.u32 v19, $0x10;
	v13 =	vshll.u32 v4, $0x10  }
0xb7: {  	v15 =	vmul.f32 v16, v15;
	v13 =	vmul.f32 v14, v13;
	v14 =	vshll.u32 v11, $0x10  }
0xb8: {  	v4 =	vand.u32 $0xFFFF0000, v4;
	v7 =	vadd.f32 v9, v7;
	v9 =	vshll.u32 v6, $0x10  }
0xb9: {  	v10 =	vadd.f32 v15, v10;
	v9 =	vmul.f32 v14, v9;
	v14 =	vand.u32 $0xFFFF0000, v12  }
0xba: {  	v4 =	vmul.f32 v8, v4;
	v8 =	vand.u32 $0xFFFF0000, v11;
	v11 =	vshll.u32 v12, $0x10  }
0xbb: {  	v6 =	vand.u32 $0xFFFF0000, v6;
	v12 =	vshll.u32 v5, $0x10;
	v5 =	vand.u32 $0xFFFF0000, v5  }
0xbc: {  	v4 =	vadd.f32 v4, v7;
	v6 =	vmul.f32 v8, v6;
	v5 =	vmul.f32 v14, v5  }
0xbd: {  	v7 =	vadd.f32 v13, v10;
	v8 =	vmul.f32 v11, v12  }
0xbe: {  	v4 =	vadd.f32 v6, v4  }
0xbf: {  	v1 =	vshll.u32 v1, $0x10;
	v6 =	vadd.f32 v9, v7  }
0xc0: {  	v1 =	vmul.f32 v2, v1;
	v4 =	vadd.f32 v5, v4  }
0xc1: {  	v2 =	vadd.f32 v8, v6  }
0xc2: {  	v3 =	vadd.f32 v3, v4  }
0xc3: {  	v1 =	vadd.f32 v1, v2  }
0xc4: {  	v2 =	vmov s25  }
0xc5: {  	v2 =	vshll.u32 v2, $0x5;
	v1 =	vadd.f32 v3, v1  }
0xc6: {  	v7 =	vor.u32 v0, v2  }
0xc7: {  	v2 =	vor.u32 $0x1, v7;
	v3 =	vor.u32 $0x2, v7;
	v5 =	vor.u32 $0x1F, v7;
	[tilespmem:s1+$0x0] =	vst v1;
	s1 =	smov.u32 s6  }
0xc8: {  	v15 =	vor.u32 $0x4, v7;
	v22 =	vor.u32 $0x6, v7;
	v4 =	vor.u32 $0x1C, v7  }
0xc9: {  	v23 =	vor.u32 $0x8, v7;
	v21 =	vor.u32 $0x9, v7;
	v20 =	vor.u32 $0xA, v7  }
0xca: {  	v19 =	vor.u32 $0xD, v7;
	v18 =	vor.u32 $0xE, v7;
	v17 =	vor.u32 $0xF, v7  }
0xcb: {  	v16 =	vor.u32 $0x10, v7;
	v14 =	vor.u32 $0x11, v7;
	v13 =	vor.u32 $0x12, v7;
	v24 =	vld.idx.msk [tilespmem:v7+s22+$0x0], $0xffff  }
0xcc: {  	v12 =	vor.u32 $0x14, v7;
	v11 =	vor.u32 $0x16, v7;
	v10 =	vor.u32 $0x18, v7;
	v1 =	vld.idx.msk [tilespmem:v5+s22+$0x0], $0xffff  }
0xcd: {  	v9 =	vor.u32 $0x19, v7;
	v8 =	vor.u32 $0x1A, v7;
	v6 =	vor.u32 $0x1D, v7;
	v25 =	vld.idx.msk [tilespmem:v5+s23+$0x0], $0xffff  }
0xce: {  	v27 =	vor.u32 $0x3, v7;
	v5 =	vor.u32 $0x1E, v7;
	v26 =	vld.idx.msk [tilespmem:v2+s22+$0x0], $0xffff  }
0xcf: {  	v28 =	vld.idx.msk [tilespmem:v2+s23+$0x0], $0xffff  }
0xd0: {  	v29 =	vld.idx.msk [tilespmem:v7+s23+$0x0], $0xffff  }
0xd1: {  	v30 =	vshll.u32 v24, $0x10;
	v24 =	vand.u32 $0xFFFF0000, v24;
	v31 =	vld.idx.msk [tilespmem:v3+s23+$0x0], $0xffff  }
0xd2: {  	v32 =	vld.idx.msk [tilespmem:v3+s22+$0x0], $0xffff;
	v3 =	vand.u32 $0xFFFF0000, v1  }
0xd3: {  	v2 =	vshll.u32 v25, $0x10;
	v25 =	vand.u32 $0xFFFF0000, v25;
	v33 =	vld.idx.msk [tilespmem:v27+s23+$0x0], $0xffff  }
0xd4: {  	v34 =	vshll.u32 v26, $0x10;
	v26 =	vand.u32 $0xFFFF0000, v26;
	v3 =	vmul.f32 v25, v3;
	v27 =	vld.idx.msk [tilespmem:v27+s22+$0x0], $0xffff  }
0xd5: {  	v35 =	vor.u32 $0x5, v7;
	v25 =	vshll.u32 v28, $0x10  }
0xd6: {  	v28 =	vand.u32 $0xFFFF0000, v28;
	v36 =	vshll.u32 v29, $0x10;
	v29 =	vand.u32 $0xFFFF0000, v29;
	v37 =	vld.idx.msk [tilespmem:v15+s23+$0x0], $0xffff  }
0xd7: {  	v30 =	vmul.f32 v36, v30;
	v36 =	vshll.u32 v31, $0x10;
	v31 =	vand.u32 $0xFFFF0000, v31;
	v15 =	vld.idx.msk [tilespmem:v15+s22+$0x0], $0xffff  }
0xd8: {  	v24 =	vmul.f32 v29, v24;
	v29 =	vshll.u32 v32, $0x10;
	v32 =	vand.u32 $0xFFFF0000, v32  }
0xd9: {  	v25 =	vmul.f32 v25, v34;
	v29 =	vmul.f32 v36, v29;
	v34 =	vand.u32 $0xFFFF0000, v33  }
0xda: {  	v24 =	vadd.f32 $0.0e+00, v24;
	v31 =	vmul.f32 v31, v32;
	v32 =	vshll.u32 v27, $0x10  }
0xdb: {  	v30 =	vadd.f32 $0.0e+00, v30;
	v33 =	vshll.u32 v33, $0x10;
	v27 =	vand.u32 $0xFFFF0000, v27;
	v36 =	vld.idx.msk [tilespmem:v22+s23+$0x0], $0xffff  }
0xdc: {  	v26 =	vmul.f32 v28, v26;
	v28 =	vor.u32 $0x7, v7;
	v27 =	vmul.f32 v34, v27;
	v22 =	vld.idx.msk [tilespmem:v22+s22+$0x0], $0xffff  }
0xdd: {  	v32 =	vmul.f32 v33, v32;
	v34 =	vshll.u32 v37, $0x10;
	v33 =	vshll.u32 v15, $0x10;
	v38 =	vld.idx.msk [tilespmem:v35+s22+$0x0], $0xffff  }
0xde: {  	v24 =	vadd.f32 v26, v24;
	v26 =	vand.u32 $0xFFFF0000, v37;
	v15 =	vand.u32 $0xFFFF0000, v15;
	v35 =	vld.idx.msk [tilespmem:v35+s23+$0x0], $0xffff  }
0xdf: {  	v25 =	vadd.f32 v25, v30;
	v30 =	vmul.f32 v34, v33;
	v26 =	vmul.f32 v26, v15  }
0xe0: {  	v24 =	vadd.f32 v31, v24  }
0xe1: {  	v25 =	vadd.f32 v29, v25;
	v15 =	vor.u32 $0x17, v7;
	v29 =	vshll.u32 v36, $0x10;
	v31 =	vld.idx.msk [tilespmem:v28+s23+$0x0], $0xffff  }
0xe2: {  	v24 =	vadd.f32 v27, v24;
	v33 =	vand.u32 $0xFFFF0000, v36;
	v27 =	vshll.u32 v22, $0x10;
	v28 =	vld.idx.msk [tilespmem:v28+s22+$0x0], $0xffff  }
0xe3: {  	v22 =	vand.u32 $0xFFFF0000, v22;
	v34 =	vand.u32 $0xFFFF0000, v38;
	v27 =	vmul.f32 v29, v27;
	v29 =	vld.idx.msk [tilespmem:v23+s23+$0x0], $0xffff  }
0xe4: {  	v24 =	vadd.f32 v26, v24;
	v22 =	vmul.f32 v33, v22;
	v26 =	vand.u32 $0xFFFF0000, v35;
	v23 =	vld.idx.msk [tilespmem:v23+s22+$0x0], $0xffff  }
0xe5: {  	v25 =	vadd.f32 v32, v25;
	v32 =	vshll.u32 v35, $0x10;
	v26 =	vmul.f32 v26, v34  }
0xe6: {  	v36 =	vor.u32 $0xC, v7;
	v33 =	vshll.u32 v38, $0x10;
	v35 =	vor.u32 $0xB, v7;
	v34 =	vld.idx.msk [tilespmem:v21+s22+$0x0], $0xffff  }
0xe7: {  	v25 =	vadd.f32 v30, v25;
	v24 =	vadd.f32 v26, v24;
	v26 =	vshll.u32 v31, $0x10;
	v21 =	vld.idx.msk [tilespmem:v21+s23+$0x0], $0xffff  }
0xe8: {  	v30 =	vmul.f32 v32, v33;
	v32 =	vshll.u32 v28, $0x10;
	v28 =	vand.u32 $0xFFFF0000, v28;
	v33 =	vld.idx.msk [tilespmem:v20+s23+$0x0], $0xffff  }
0xe9: {  	v22 =	vadd.f32 v22, v24;
	v24 =	vand.u32 $0xFFFF0000, v31;
	v26 =	vmul.f32 v26, v32;
	v20 =	vld.idx.msk [tilespmem:v20+s22+$0x0], $0xffff  }
0xea: {  	v25 =	vadd.f32 v30, v25;
	v31 =	vand.u32 $0xFFFF0000, v29;
	v30 =	vand.u32 $0xFFFF0000, v23  }
0xeb: {  	v24 =	vmul.f32 v24, v28;
	v23 =	vshll.u32 v23, $0x10;
	v28 =	vmul.f32 v31, v30  }
0xec: {  	v25 =	vadd.f32 v27, v25;
	v27 =	vshll.u32 v29, $0x10;
	v29 =	vand.u32 $0xFFFF0000, v34  }
0xed: {  	v22 =	vadd.f32 v24, v22;
	v24 =	vshll.u32 v34, $0x10;
	v30 =	vshll.u32 v21, $0x10;
	v31 =	vld.idx.msk [tilespmem:v35+s23+$0x0], $0xffff  }
0xee: {  	v25 =	vadd.f32 v26, v25;
	v23 =	vmul.f32 v27, v23;
	v21 =	vand.u32 $0xFFFF0000, v21;
	v26 =	vld.idx.msk [tilespmem:v35+s22+$0x0], $0xffff  }
0xef: {  	v22 =	vadd.f32 v28, v22;
	v24 =	vmul.f32 v30, v24;
	v27 =	vand.u32 $0xFFFF0000, v20;
	v28 =	vld.idx.msk [tilespmem:v36+s23+$0x0], $0xffff  }
0xf0: {  	v30 =	vshll.u32 v33, $0x10;
	v32 =	vand.u32 $0xFFFF0000, v33;
	v20 =	vshll.u32 v20, $0x10;
	v33 =	vld.idx.msk [tilespmem:v36+s22+$0x0], $0xffff  }
0xf1: {  	v23 =	vadd.f32 v23, v25;
	v21 =	vmul.f32 v21, v29;
	v20 =	vmul.f32 v30, v20;
	v25 =	vld.idx.msk [tilespmem:v19+s23+$0x0], $0xffff  }
0xf2: {  	v29 =	vor.u32 $0x13, v7;
	v27 =	vmul.f32 v32, v27;
	v30 =	vor.u32 $0x15, v7;
	v19 =	vld.idx.msk [tilespmem:v19+s22+$0x0], $0xffff  }
0xf3: {  	v23 =	vadd.f32 v24, v23;
	v21 =	vadd.f32 v21, v22;
	v22 =	vand.u32 $0xFFFF0000, v31;
	v24 =	vld.idx.msk [tilespmem:v18+s23+$0x0], $0xffff  }
0xf4: {  	v31 =	vshll.u32 v31, $0x10;
	v32 =	vshll.u32 v26, $0x10;
	v26 =	vand.u32 $0xFFFF0000, v26;
	v18 =	vld.idx.msk [tilespmem:v18+s22+$0x0], $0xffff  }
0xf5: {  	v20 =	vadd.f32 v20, v23;
	v21 =	vadd.f32 v27, v21;
	v23 =	vshll.u32 v28, $0x10  }
0xf6: {  	v27 =	vmul.f32 v31, v32;
	v22 =	vmul.f32 v22, v26;
	v26 =	vshll.u32 v33, $0x10  }
0xf7: {  	v28 =	vand.u32 $0xFFFF0000, v28;
	v23 =	vmul.f32 v23, v26;
	v26 =	vshll.u32 v25, $0x10;
	v31 =	vld.idx.msk [tilespmem:v17+s23+$0x0], $0xffff  }
0xf8: {  	v21 =	vadd.f32 v22, v21;
	v22 =	vshll.u32 v19, $0x10;
	v19 =	vand.u32 $0xFFFF0000, v19;
	v17 =	vld.idx.msk [tilespmem:v17+s22+$0x0], $0xffff  }
0xf9: {  	v32 =	vand.u32 $0xFFFF0000, v33;
	v22 =	vmul.f32 v26, v22;
	v26 =	vand.u32 $0xFFFF0000, v24;
	v33 =	vld.idx.msk [tilespmem:v16+s23+$0x0], $0xffff  }
0xfa: {  	v28 =	vmul.f32 v28, v32;
	v25 =	vand.u32 $0xFFFF0000, v25;
	v24 =	vshll.u32 v24, $0x10;
	v16 =	vld.idx.msk [tilespmem:v16+s22+$0x0], $0xffff  }
0xfb: {  	v20 =	vadd.f32 v27, v20;
	v27 =	vshll.u32 v18, $0x10;
	v18 =	vand.u32 $0xFFFF0000, v18  }
0xfc: {  	v21 =	vadd.f32 v28, v21;
	v19 =	vmul.f32 v25, v19;
	v18 =	vmul.f32 v26, v18;
	v25 =	vld.idx.msk [tilespmem:v14+s23+$0x0], $0xffff  }
0xfd: {  	v24 =	vmul.f32 v24, v27;
	v26 =	vshll.u32 v31, $0x10;
	v27 =	vand.u32 $0xFFFF0000, v31;
	v14 =	vld.idx.msk [tilespmem:v14+s22+$0x0], $0xffff  }
0xfe: {  	v19 =	vadd.f32 v19, v21;
	v21 =	vshll.u32 v17, $0x10;
	v17 =	vand.u32 $0xFFFF0000, v17  }
0xff: {  	v20 =	vadd.f32 v23, v20;
	v17 =	vmul.f32 v27, v17;
	v23 =	vand.u32 $0xFFFF0000, v33;
	v27 =	vld.idx.msk [tilespmem:v13+s23+$0x0], $0xffff  }
0x100: {  	v18 =	vadd.f32 v18, v19;
	v19 =	vmul.f32 v26, v21;
	v21 =	vshll.u32 v16, $0x10;
	v13 =	vld.idx.msk [tilespmem:v13+s22+$0x0], $0xffff  }
0x101: {  	v20 =	vadd.f32 v22, v20;
	v22 =	vshll.u32 v33, $0x10;
	v16 =	vand.u32 $0xFFFF0000, v16  }
0x102: {  	v17 =	vadd.f32 v17, v18;
	v16 =	vmul.f32 v23, v16;
	v18 =	vand.u32 $0xFFFF0000, v25;
	v23 =	vld.idx.msk [tilespmem:v29+s23+$0x0], $0xffff  }
0x103: {  	v20 =	vadd.f32 v24, v20;
	v21 =	vmul.f32 v22, v21;
	v22 =	vshll.u32 v14, $0x10;
	v24 =	vld.idx.msk [tilespmem:v29+s22+$0x0], $0xffff  }
0x104: {  	v16 =	vadd.f32 v16, v17;
	v17 =	vshll.u32 v25, $0x10;
	v14 =	vand.u32 $0xFFFF0000, v14;
	v25 =	vld.idx.msk [tilespmem:v12+s23+$0x0], $0xffff  }
0x105: {  	v19 =	vadd.f32 v19, v20;
	v17 =	vmul.f32 v17, v22;
	v14 =	vmul.f32 v18, v14;
	v12 =	vld.idx.msk [tilespmem:v12+s22+$0x0], $0xffff  }
0x106: {  	v20 =	vshll.u32 v27, $0x10;
	v18 =	vshll.u32 v13, $0x10;
	v13 =	vand.u32 $0xFFFF0000, v13  }
0x107: {  	v19 =	vadd.f32 v21, v19;
	v21 =	vand.u32 $0xFFFF0000, v27;
	v18 =	vmul.f32 v20, v18;
	v20 =	vld.idx.msk [tilespmem:v30+s23+$0x0], $0xffff  }
0x108: {  	v14 =	vadd.f32 v14, v16;
	v13 =	vmul.f32 v21, v13;
	v16 =	vshll.u32 v23, $0x10;
	v21 =	vld.idx.msk [tilespmem:v30+s22+$0x0], $0xffff  }
0x109: {  	v17 =	vadd.f32 v17, v19;
	v19 =	vshll.u32 v24, $0x10;
	v22 =	vand.u32 $0xFFFF0000, v24;
	v24 =	vld.idx.msk [tilespmem:v11+s23+$0x0], $0xffff  }
0x10a: {  	v13 =	vadd.f32 v13, v14;
	v14 =	vand.u32 $0xFFFF0000, v23;
	v23 =	vshll.u32 v25, $0x10;
	v11 =	vld.idx.msk [tilespmem:v11+s22+$0x0], $0xffff  }
0x10b: {  	v17 =	vadd.f32 v18, v17;
	v16 =	vmul.f32 v16, v19;
	v18 =	vshll.u32 v12, $0x10  }
0x10c: {  	v19 =	vand.u32 $0xFFFF0000, v25;
	v12 =	vand.u32 $0xFFFF0000, v12;
	v18 =	vmul.f32 v23, v18  }
0x10d: {  	v16 =	vadd.f32 v16, v17;
	v19 =	vmul.f32 v19, v12;
	v17 =	vand.u32 $0xFFFF0000, v20;
	v23 =	vld.idx.msk [tilespmem:v15+s23+$0x0], $0xffff  }
0x10e: {  	v20 =	vshll.u32 v20, $0x10;
	v12 =	vshll.u32 v21, $0x10;
	v21 =	vand.u32 $0xFFFF0000, v21;
	v25 =	vld.idx.msk [tilespmem:v15+s22+$0x0], $0xffff  }
0x10f: {  	v15 =	vadd.f32 v18, v16;
	v16 =	vmul.f32 v20, v12;
	v18 =	vand.u32 $0xFFFF0000, v24;
	v12 =	vld.idx.msk [tilespmem:v10+s23+$0x0], $0xffff  }
0x110: {  	v14 =	vmul.f32 v14, v22;
	v20 =	vshll.u32 v11, $0x10;
	v22 =	vand.u32 $0xFFFF0000, v11;
	v11 =	vld.idx.msk [tilespmem:v10+s22+$0x0], $0xffff  }
.Ltmp2:
0x111: {  	v17 =	vmul.f32 v17, v21;
	v26 =	vadd.f32 v16, v15;
	v15 =	vshll.u32 v24, $0x10;
	v10 =	vld.idx.msk [tilespmem:v9+s23+$0x0], $0xffff;
	(pc) =	sbr.rel @p0 .LBB2_3-.Ltmp2, $4  }
0x112: {  	v21 =	vadd.f32 v14, v13;
	v20 =	vmul.f32 v15, v20;
	v15 =	vmul.f32 v18, v22;
	v9 =	vld.idx.msk [tilespmem:v9+s22+$0x0], $0xffff  }
0x113: {  	v14 =	vor.u32 $0x1B, v7;
	v22 =	vshll.u32 v23, $0x10;
	v16 =	vand.u32 $0xFFFF0000, v23;
	v13 =	vld.idx.msk [tilespmem:v8+s23+$0x0], $0xffff  }
0x114: {  	v19 =	vadd.f32 v19, v21;
	v18 =	vadd.f32 v20, v26;
	v20 =	vshll.u32 v25, $0x10;
	v7 =	vld.idx.msk [tilespmem:v8+s22+$0x0], $0xffff  }
0x115: {  	v8 =	vand.u32 $0xFFFF0000, v25;
	v20 =	vmul.f32 v22, v20;
	v21 =	vshll.u32 v12, $0x10  }
0x116: {  	_ = 	snop  }
0x117: {  	v17 =	vadd.f32 v17, v19  }
0x118: {  	v19 =	vshll.u32 v11, $0x10;
	v12 =	vand.u32 $0xFFFF0000, v12;
	v8 =	vmul.f32 v16, v8  }
0x119: {  	v11 =	vand.u32 $0xFFFF0000, v11;
	v18 =	vadd.f32 v20, v18;
	v19 =	vmul.f32 v21, v19  }
0x11a: {  	v20 =	vand.u32 $0xFFFF0000, v10;
	v11 =	vmul.f32 v12, v11;
	v15 =	vadd.f32 v15, v17;
	v17 =	vld.idx.msk [tilespmem:v14+s23+$0x0], $0xffff  }
0x11b: {  	v10 =	vshll.u32 v10, $0x10;
	v12 =	vand.u32 $0xFFFF0000, v13;
	v14 =	vld.idx.msk [tilespmem:v14+s22+$0x0], $0xffff;
	v16 =	vadd.f32 v19, v18  }
0x11c: {  	v18 =	vshll.u32 v9, $0x10;
	v9 =	vand.u32 $0xFFFF0000, v9;
	v8 =	vadd.f32 v8, v15;
	v15 =	vld.idx.msk [tilespmem:v4+s23+$0x0], $0xffff  }
0x11d: {  	v13 =	vshll.u32 v13, $0x10;
	v9 =	vmul.f32 v20, v9;
	v10 =	vmul.f32 v10, v18;
	v4 =	vld.idx.msk [tilespmem:v4+s22+$0x0], $0xffff  }
0x11e: {  	v18 =	vshll.u32 v7, $0x10;
	v7 =	vand.u32 $0xFFFF0000, v7;
	v8 =	vadd.f32 v11, v8  }
0x11f: {  	v7 =	vmul.f32 v12, v7;
	v12 =	vld.idx.msk [tilespmem:v6+s23+$0x0], $0xffff;
	v11 =	vmul.f32 v13, v18;
	v10 =	vadd.f32 v10, v16  }
0x120: {  	v16 =	vld.idx.msk [tilespmem:v5+s23+$0x0], $0xffff;
	v13 =	vshll.u32 v14, $0x10;
	v14 =	vand.u32 $0xFFFF0000, v14;
	v8 =	vadd.f32 v9, v8  }
0x121: {  	v6 =	vld.idx.msk [tilespmem:v6+s22+$0x0], $0xffff;
	v9 =	vand.u32 $0xFFFF0000, v17;
	v17 =	vshll.u32 v17, $0x10;
	v10 =	vadd.f32 v11, v10  }
0x122: {  	v5 =	vld.idx.msk [tilespmem:v5+s22+$0x0], $0xffff;
	v9 =	vmul.f32 v9, v14;
	v11 =	vshll.u32 v4, $0x10;
	v14 =	vshll.u32 v15, $0x10  }
0x123: {  	v13 =	vmul.f32 v17, v13;
	v4 =	vand.u32 $0xFFFF0000, v4;
	v7 =	vadd.f32 v7, v8  }
0x124: {  	v8 =	vand.u32 $0xFFFF0000, v15;
	v11 =	vmul.f32 v14, v11;
	v14 =	vshll.u32 v12, $0x10  }
0x125: {  	v10 =	vadd.f32 v13, v10;
	v13 =	vand.u32 $0xFFFF0000, v16;
	v4 =	vmul.f32 v8, v4  }
0x126: {  	v8 =	vand.u32 $0xFFFF0000, v12;
	v7 =	vadd.f32 v9, v7;
	v9 =	vshll.u32 v6, $0x10  }
0x127: {  	v12 =	vand.u32 $0xFFFF0000, v5;
	v6 =	vand.u32 $0xFFFF0000, v6;
	v9 =	vmul.f32 v14, v9  }
0x128: {  	v6 =	vmul.f32 v8, v6;
	v4 =	vadd.f32 v4, v7;
	v7 =	vadd.f32 v11, v10  }
0x129: {  	v5 =	vshll.u32 v5, $0x10;
	v8 =	vshll.u32 v16, $0x10;
	v10 =	vmul.f32 v13, v12  }
0x12a: {  	v5 =	vmul.f32 v8, v5;
	v4 =	vadd.f32 v6, v4;
	v6 =	vadd.f32 v9, v7  }
0x12b: {  	v1 =	vshll.u32 v1, $0x10  }
0x12c: {  	v1 =	vmul.f32 v2, v1;
	v4 =	vadd.f32 v10, v4;
	v2 =	vadd.f32 v5, v6;
	_ =	sdelay $0x1  }
0x12d: {  	v3 =	vadd.f32 v3, v4;
	v1 =	vadd.f32 v1, v2;
	_ =	sdelay $0x1  }
0x12e: {  	v1 =	vadd.f32 v3, v1  }
0x12f: {  	s4 =	sshll.u32 s19, $0x8;
	p0 =	seq.s32 s19, $0x19  }
0x130: {  	s6 =	simm.s32 @!p0 $0x80;
	s8 =	simm.s32 @!p0 $0xABC0;
	[tilespmem:s1+$0x0] =	vst v1;
	s1 =	sadd.s32 @!p0 $0x100, s4  }
0x131: {  	[tilespmem:s8], [sflag:$0x1] =	stream.indirect.gather @!p0 [spmem:s2], $0x20, s1, s6, $0xb8;
	[tilespmem:$0xEBC0] =	vst v63  }
0x132: {  	s25 =	simm.s32 $0x0;
	s1 =	sadd.s32 @!p0 $0x1B00, s4;
	s8 =	simm.s32 @!p0 $0xCBC0  }
0x133: {  	v1 =	vmov s25;
	[tilespmem:s8], [sflag:$0x3] =	stream.indirect.gather @!p0 [spmem:s2], $0x20, s1, s6, $0xb8;
	[tilespmem:$0xEBC0] =	vst v63  }
0x134: {  	v1 =	vshll.u32 v1, $0x5;
	_ =	swait.ge [sflag:s30], $0x1000  }
0x135: {  	v7 =	vor.u32 v0, v1;
	[sflag:s30] =	ssyncset.done $0x0  }
0x136: {  	v2 =	vor.u32 $0x1F, v7;
	[sflag:s30] =	ssyncadd.s32 $0xFFFFF000  }
0x137: {  	_ =	swait.ge [sflag:s31], $0x1000  }
0x138: {  	v3 =	vor.u32 $0x1, v7;
	[sflag:s31] =	ssyncset.done $0x0  }
0x139: {  	[sflag:s31] =	ssyncadd.s32 $0xFFFFF000  }
0x13a: {  	v21 =	vld.idx.msk [tilespmem:v7+s24+$0x0], $0xffff  }
0x13b: {  	v15 =	vor.u32 $0x2, v7;
	v1 =	vld.idx.msk [tilespmem:v2+s24+$0x0], $0xffff  }
0x13c: {  	v20 =	vor.u32 $0x4, v7;
	v26 =	vld.idx.msk [tilespmem:v2+s26+$0x0], $0xffff  }
0x13d: {  	v22 =	vor.u32 $0x6, v7;
	v4 =	vor.u32 $0x1C, v7;
	v28 =	vor.u32 $0x3, v7;
	v27 =	vld.idx.msk [tilespmem:v3+s24+$0x0], $0xffff  }
0x13e: {  	v23 =	vor.u32 $0x8, v7;
	v24 =	vor.u32 $0x9, v7;
	v25 =	vor.u32 $0xA, v7;
	v29 =	vld.idx.msk [tilespmem:v3+s26+$0x0], $0xffff  }
0x13f: {  	v19 =	vor.u32 $0xD, v7;
	v18 =	vor.u32 $0xE, v7;
	v17 =	vor.u32 $0xF, v7;
	v30 =	vld.idx.msk [tilespmem:v7+s26+$0x0], $0xffff  }
0x140: {  	v16 =	vor.u32 $0x10, v7;
	v14 =	vor.u32 $0x11, v7;
	v13 =	vor.u32 $0x12, v7;
	v32 =	vld.idx.msk [tilespmem:v15+s26+$0x0], $0xffff  }
0x141: {  	v12 =	vor.u32 $0x14, v7;
	v11 =	vor.u32 $0x16, v7;
	v10 =	vor.u32 $0x18, v7;
	v15 =	vld.idx.msk [tilespmem:v15+s24+$0x0], $0xffff  }
0x142: {  	v9 =	vor.u32 $0x19, v7;
	v8 =	vor.u32 $0x1A, v7;
	v6 =	vor.u32 $0x1D, v7;
	v33 =	vld.idx.msk [tilespmem:v28+s26+$0x0], $0xffff  }
0x143: {  	v5 =	vor.u32 $0x1E, v7;
	v35 =	vor.u32 $0x5, v7;
	v59 =	vor.u32 $0x7, v7;
	v52 =	vld.idx.msk [tilespmem:v28+s24+$0x0], $0xffff  }
0x144: {  	v49 =	vor.u32 $0xB, v7;
	v50 =	vor.u32 $0xC, v7;
	v54 =	vld.idx.msk [tilespmem:v20+s26+$0x0], $0xffff;
	v31 =	vshll.u32 v21, $0x10  }
0x145: {  	v20 =	vld.idx.msk [tilespmem:v20+s24+$0x0], $0xffff;
	v21 =	vand.u32 $0xFFFF0000, v21;
	v3 =	vand.u32 $0xFFFF0000, v1;
	v2 =	vshll.u32 v26, $0x10  }
0x146: {  	v58 =	vld.idx.msk [tilespmem:v22+s26+$0x0], $0xffff;
	v26 =	vand.u32 $0xFFFF0000, v26;
	v34 =	vshll.u32 v27, $0x10;
	v27 =	vand.u32 $0xFFFF0000, v27  }
0x147: {  	v22 =	vld.idx.msk [tilespmem:v22+s24+$0x0], $0xffff;
	v53 =	vshll.u32 v29, $0x10;
	v36 =	vshll.u32 v30, $0x10;
	v30 =	vand.u32 $0xFFFF0000, v30  }
0x148: {  	v38 =	vld.idx.msk [tilespmem:v35+s24+$0x0], $0xffff;
	v29 =	vand.u32 $0xFFFF0000, v29;
	v37 =	vshll.u32 v32, $0x10;
	v32 =	vand.u32 $0xFFFF0000, v32  }
0x149: {  	v35 =	vld.idx.msk [tilespmem:v35+s26+$0x0], $0xffff;
	v55 =	vshll.u32 v15, $0x10;
	v15 =	vand.u32 $0xFFFF0000, v15;
	v56 =	vand.u32 $0xFFFF0000, v33  }
0x14a: {  	v57 =	vshll.u32 v52, $0x10;
	v33 =	vshll.u32 v33, $0x10;
	v60 =	vshll.u32 v20, $0x10  }
0x14b: {  	v46 =	vld.idx.msk [tilespmem:v23+s26+$0x0], $0xffff;
	v61 =	vshll.u32 v54, $0x10;
	v20 =	vand.u32 $0xFFFF0000, v20;
	v62 =	vand.u32 $0xFFFF0000, v54  }
0x14c: {  	v41 =	vshll.u32 v58, $0x10;
	v43 =	vshll.u32 v22, $0x10;
	v44 =	vand.u32 $0xFFFF0000, v58  }
0x14d: {  	v42 =	vld.idx.msk [tilespmem:v59+s26+$0x0], $0xffff;
	v45 =	vand.u32 $0xFFFF0000, v38;
	v22 =	vand.u32 $0xFFFF0000, v22;
	v3 =	vmul.f32 v26, v3  }
0x14e: {  	v23 =	vld.idx.msk [tilespmem:v23+s24+$0x0], $0xffff;
	v47 =	vshll.u32 v35, $0x10;
	v31 =	vmul.f32 v36, v31;
	v21 =	vmul.f32 v30, v21  }
0x14f: {  	v51 =	vld.idx.msk [tilespmem:v24+s24+$0x0], $0xffff;
	v48 =	vshll.u32 v38, $0x10;
	v28 =	vmul.f32 v53, v34;
	v30 =	vmul.f32 v37, v55  }
0x150: {  	v24 =	vld.idx.msk [tilespmem:v24+s26+$0x0], $0xffff;
	v58 =	vshll.u32 v46, $0x10;
	v15 =	vmul.f32 v32, v15;
	v27 =	vmul.f32 v29, v27  }
0x151: {  	v54 =	vld.idx.msk [tilespmem:v25+s24+$0x0], $0xffff;
	v26 =	vand.u32 $0xFFFF0000, v52;
	v32 =	vmul.f32 v33, v57;
	v63 =	vmul.f32 v61, v60  }
0x152: {  	v25 =	vld.idx.msk [tilespmem:v25+s26+$0x0], $0xffff;
	v20 =	vmul.f32 v62, v20;
	v22 =	vmul.f32 v44, v22;
	v21 =	vadd.f32 $0.0e+00, v21  }
0x153: {  	v38 =	vld.idx.msk [tilespmem:v50+s24+$0x0], $0xffff;
	v52 =	vmul.f32 v47, v48;
	v55 =	vand.u32 $0xFFFF0000, v23;
	v23 =	vshll.u32 v23, $0x10  }
0x154: {  	v29 =	vld.idx.msk [tilespmem:v59+s24+$0x0], $0xffff;
	v59 =	vand.u32 $0xFFFF0000, v51;
	v31 =	vadd.f32 $0.0e+00, v31;
	v21 =	vadd.f32 v27, v21  }
0x155: {  	v60 =	vshll.u32 v24, $0x10;
	v24 =	vand.u32 $0xFFFF0000, v24;
	v26 =	vmul.f32 v56, v26  }
0x156: {  	v36 =	vld.idx.msk [tilespmem:v50+s26+$0x0], $0xffff;
	v56 =	vand.u32 $0xFFFF0000, v46;
	v28 =	vadd.f32 v28, v31;
	v21 =	vadd.f32 v15, v21  }
0x157: {  	v48 =	vld.idx.msk [tilespmem:v17+s26+$0x0], $0xffff;
	v23 =	vmul.f32 v58, v23;
	v57 =	vmul.f32 v56, v55;
	v37 =	vshll.u32 v25, $0x10  }
0x158: {  	v61 =	vld.idx.msk [tilespmem:v49+s26+$0x0], $0xffff;
	v25 =	vand.u32 $0xFFFF0000, v25;
	v40 =	vadd.f32 v30, v28;
	v21 =	vadd.f32 v26, v21  }
0x159: {  	v62 =	vld.idx.msk [tilespmem:v49+s24+$0x0], $0xffff;
	v46 =	vshll.u32 v38, $0x10;
	v49 =	vand.u32 $0xFFFF0000, v38;
	v53 =	vshll.u32 v29, $0x10  }
0x15a: {  	v27 =	vadd.f32 v32, v40;
	v20 =	vadd.f32 v20, v21;
	v21 =	vand.u32 $0xFFFF0000, v35  }
0x15b: {  	v29 =	vand.u32 $0xFFFF0000, v29;
	v44 =	vshll.u32 v36, $0x10;
	v21 =	vmul.f32 v21, v45  }
0x15c: {  	v55 =	vand.u32 $0xFFFF0000, v48;
	v30 =	vshll.u32 v54, $0x10;
	v27 =	vadd.f32 v63, v27  }
0x15d: {  	v15 =	vor.u32 $0x17, v7;
	v39 =	vmul.f32 v37, v30;
	v20 =	vadd.f32 v21, v20  }
0x15e: {  	v26 =	vmul.f32 v41, v43;
	v41 =	vor.u32 $0x13, v7;
	v27 =	vadd.f32 v52, v27  }
0x15f: {  	v21 =	vshll.u32 v42, $0x10;
	v20 =	vadd.f32 v22, v20;
	v22 =	vand.u32 $0xFFFF0000, v42  }
0x160: {  	v40 =	vld.idx.msk [tilespmem:v19+s26+$0x0], $0xffff;
	v21 =	vmul.f32 v21, v53;
	v26 =	vadd.f32 v26, v27;
	v22 =	vmul.f32 v22, v29  }
0x161: {  	v43 =	vshll.u32 v62, $0x10;
	v32 =	vshll.u32 v61, $0x10;
	v63 =	vand.u32 $0xFFFF0000, v54  }
0x162: {  	v54 =	vshll.u32 v48, $0x10;
	v21 =	vadd.f32 v21, v26;
	v20 =	vadd.f32 v22, v20  }
0x163: {  	v19 =	vld.idx.msk [tilespmem:v19+s24+$0x0], $0xffff;
	v25 =	vmul.f32 v25, v63;
	v45 =	vmul.f32 v32, v43;
	v22 =	vshll.u32 v51, $0x10  }
0x164: {  	v21 =	vadd.f32 v23, v21;
	v23 =	vmul.f32 v24, v59;
	v51 =	vld.idx.msk [tilespmem:v16+s26+$0x0], $0xffff;
	v20 =	vadd.f32 v57, v20  }
0x165: {  	v47 =	vshll.u32 v40, $0x10;
	v28 =	vand.u32 $0xFFFF0000, v40;
	v59 =	vld.idx.msk [tilespmem:v12+s26+$0x0], $0xffff;
	v22 =	vmul.f32 v60, v22  }
0x166: {  	v42 =	vor.u32 $0x15, v7;
	v26 =	vand.u32 $0xFFFF0000, v62;
	v20 =	vadd.f32 v23, v20  }
0x167: {  	v29 =	vand.u32 $0xFFFF0000, v36;
	v21 =	vadd.f32 v22, v21;
	v22 =	vand.u32 $0xFFFF0000, v61;
	v23 =	vld.idx.msk [tilespmem:v18+s26+$0x0], $0xffff  }
0x168: {  	v29 =	vmul.f32 v29, v49;
	v18 =	vld.idx.msk [tilespmem:v18+s24+$0x0], $0xffff;
	v22 =	vmul.f32 v22, v26;
	v20 =	vadd.f32 v25, v20  }
0x169: {  	v24 =	vmul.f32 v44, v46;
	v21 =	vadd.f32 v39, v21;
	v56 =	vand.u32 $0xFFFF0000, v51  }
0x16a: {  	v60 =	vshll.u32 v59, $0x10;
	v20 =	vadd.f32 v22, v20;
	v22 =	vshll.u32 v19, $0x10  }
0x16b: {  	v17 =	vld.idx.msk [tilespmem:v17+s24+$0x0], $0xffff;
	v21 =	vadd.f32 v45, v21;
	v19 =	vand.u32 $0xFFFF0000, v19;
	v22 =	vmul.f32 v47, v22  }
0x16c: {  	v16 =	vld.idx.msk [tilespmem:v16+s24+$0x0], $0xffff;
	v50 =	vand.u32 $0xFFFF0000, v23;
	v19 =	vmul.f32 v28, v19;
	v20 =	vadd.f32 v29, v20  }
0x16d: {  	v53 =	vld.idx.msk [tilespmem:v14+s26+$0x0], $0xffff;
	v52 =	vshll.u32 v18, $0x10;
	v18 =	vand.u32 $0xFFFF0000, v18;
	v21 =	vadd.f32 v24, v21  }
0x16e: {  	v14 =	vld.idx.msk [tilespmem:v14+s24+$0x0], $0xffff;
	v23 =	vshll.u32 v23, $0x10;
	v18 =	vmul.f32 v50, v18;
	v19 =	vadd.f32 v19, v20  }
0x16f: {  	v57 =	vld.idx.msk [tilespmem:v13+s26+$0x0], $0xffff;
	v23 =	vmul.f32 v23, v52;
	v21 =	vadd.f32 v22, v21;
	v22 =	vshll.u32 v51, $0x10  }
0x170: {  	v13 =	vld.idx.msk [tilespmem:v13+s24+$0x0], $0xffff;
	v20 =	vshll.u32 v17, $0x10;
	v17 =	vand.u32 $0xFFFF0000, v17;
	v18 =	vadd.f32 v18, v19  }
0x171: {  	v19 =	vmul.f32 v54, v20;
	v20 =	vshll.u32 v16, $0x10;
	v16 =	vand.u32 $0xFFFF0000, v16  }
0x172: {  	v17 =	vmul.f32 v55, v17;
	v21 =	vadd.f32 v23, v21;
	v16 =	vmul.f32 v56, v16  }
0x173: {  	v58 =	vld.idx.msk [tilespmem:v41+s26+$0x0], $0xffff;
	v20 =	vmul.f32 v22, v20;
	v22 =	vshll.u32 v14, $0x10;
	v14 =	vand.u32 $0xFFFF0000, v14  }
0x174: {  	v23 =	vld.idx.msk [tilespmem:v41+s24+$0x0], $0xffff;
	v17 =	vadd.f32 v17, v18;
	v18 =	vand.u32 $0xFFFF0000, v53;
	v19 =	vadd.f32 v19, v21  }
0x175: {  	v21 =	vshll.u32 v57, $0x10;
	v14 =	vmul.f32 v18, v14;
	v18 =	vshll.u32 v13, $0x10  }
0x176: {  	v13 =	vand.u32 $0xFFFF0000, v13;
	v16 =	vadd.f32 v16, v17;
	v17 =	vshll.u32 v53, $0x10  }
0x177: {  	v12 =	vld.idx.msk [tilespmem:v12+s24+$0x0], $0xffff;
	v19 =	vadd.f32 v20, v19;
	v20 =	vand.u32 $0xFFFF0000, v57;
	v17 =	vmul.f32 v17, v22  }
0x178: {  	v18 =	vmul.f32 v21, v18;
	v13 =	vmul.f32 v20, v13;
	v20 =	vld.idx.msk [tilespmem:v42+s24+$0x0], $0xffff;
	v14 =	vadd.f32 v14, v16  }
0x179: {  	v21 =	vld.idx.msk [tilespmem:v42+s26+$0x0], $0xffff;
	v22 =	vand.u32 $0xFFFF0000, v23;
	v16 =	vshll.u32 v58, $0x10;
	v17 =	vadd.f32 v17, v19  }
0x17a: {  	v19 =	vshll.u32 v23, $0x10;
	v23 =	vld.idx.msk [tilespmem:v11+s26+$0x0], $0xffff;
	v13 =	vadd.f32 v13, v14;
	v14 =	vand.u32 $0xFFFF0000, v58  }
0x17b: {  	v11 =	vld.idx.msk [tilespmem:v11+s24+$0x0], $0xffff;
	v16 =	vmul.f32 v16, v19;
	v19 =	vand.u32 $0xFFFF0000, v59;
	v17 =	vadd.f32 v18, v17  }
0x17c: {  	v62 =	vld.idx.msk [tilespmem:v15+s24+$0x0], $0xffff;
	v18 =	vshll.u32 v12, $0x10;
	v12 =	vand.u32 $0xFFFF0000, v12;
	v14 =	vmul.f32 v14, v22  }
0x17d: {  	v18 =	vmul.f32 v60, v18;
	v19 =	vmul.f32 v19, v12;
	v12 =	vshll.u32 v20, $0x10  }
0x17e: {  	v61 =	vld.idx.msk [tilespmem:v15+s26+$0x0], $0xffff;
	v20 =	vand.u32 $0xFFFF0000, v20;
	v16 =	vadd.f32 v16, v17;
	v17 =	vand.u32 $0xFFFF0000, v21  }
0x17f: {  	v21 =	vshll.u32 v21, $0x10;
	v17 =	vmul.f32 v17, v20;
	v20 =	vadd.f32 v14, v13;
	v13 =	vld.idx.msk [tilespmem:v8+s26+$0x0], $0xffff  }
0x180: {  	v22 =	vand.u32 $0xFFFF0000, v11;
	v15 =	vadd.f32 v18, v16;
	v16 =	vmul.f32 v21, v12;
	v12 =	vld.idx.msk [tilespmem:v10+s26+$0x0], $0xffff  }
0x181: {  	v14 =	vor.u32 $0x1B, v7;
	v7 =	vld.idx.msk [tilespmem:v8+s24+$0x0], $0xffff;
	v8 =	vand.u32 $0xFFFF0000, v62;
	v18 =	vand.u32 $0xFFFF0000, v23  }
0x182: {  	v21 =	vshll.u32 v11, $0x10;
	v11 =	vld.idx.msk [tilespmem:v10+s24+$0x0], $0xffff;
	v63 =	vadd.f32 v16, v15;
	v15 =	vshll.u32 v23, $0x10  }
0x183: {  	v10 =	vld.idx.msk [tilespmem:v9+s26+$0x0], $0xffff;
	v19 =	vadd.f32 v19, v20;
	v20 =	vshll.u32 v62, $0x10;
	v21 =	vmul.f32 v15, v21  }
0x184: {  	v16 =	vand.u32 $0xFFFF0000, v61;
	v15 =	vmul.f32 v18, v22;
	v22 =	vshll.u32 v61, $0x10  }
0x185: {  	s25 =	smov.u32 s7;
	s6 =	simm.s32 $0x10;
	s1 =	smov.u32 s7;
	v9 =	vld.idx.msk [tilespmem:v9+s24+$0x0], $0xffff;
	v20 =	vmul.f32 v22, v20;
	v18 =	vadd.f32 v21, v63;
	v21 =	vshll.u32 v12, $0x10  }
.LBB2_5:
0x186: {  	p1 =	sne.s32 s6, $0x70  }
0x187: {  	v17 =	vadd.f32 v17, v19;
	v19 =	vshll.u32 v11, $0x10;
	v12 =	vand.u32 $0xFFFF0000, v12;
	s25 =	sadd.s32 $0x10, s25;
	s8 =	smov.u32 s6;
	s6 =	sadd.s32 $0x10, s6  }
0x188: {  	v18 =	vadd.f32 v20, v18;
	v19 =	vmul.f32 v21, v19;
	v20 =	vand.u32 $0xFFFF0000, v10  }
0x189: {  	v8 =	vmul.f32 v16, v8;
	v11 =	vand.u32 $0xFFFF0000, v11;
	v15 =	vadd.f32 v15, v17  }
0x18a: {  	v11 =	vmul.f32 v12, v11;
	v12 =	vand.u32 $0xFFFF0000, v13;
	v16 =	vadd.f32 v19, v18;
	v17 =	vld.idx.msk [tilespmem:v14+s26+$0x0], $0xffff  }
0x18b: {  	v13 =	vshll.u32 v13, $0x10;
	v18 =	vshll.u32 v9, $0x10;
	v9 =	vand.u32 $0xFFFF0000, v9;
	v14 =	vld.idx.msk [tilespmem:v14+s24+$0x0], $0xffff  }
0x18c: {  	v8 =	vadd.f32 v8, v15;
	v9 =	vmul.f32 v20, v9;
	v15 =	vshll.u32 v7, $0x10;
	v19 =	vld.idx.msk [tilespmem:v4+s26+$0x0], $0xffff  }
0x18d: {  	v10 =	vshll.u32 v10, $0x10;
	v7 =	vand.u32 $0xFFFF0000, v7;
	v13 =	vmul.f32 v13, v15;
	v4 =	vld.idx.msk [tilespmem:v4+s24+$0x0], $0xffff  }
0x18e: {  	v10 =	vmul.f32 v10, v18;
	v7 =	vmul.f32 v12, v7;
	v8 =	vadd.f32 v11, v8;
	v11 =	vld.idx.msk [tilespmem:v6+s26+$0x0], $0xffff  }
0x18f: {  	v6 =	vld.idx.msk [tilespmem:v6+s24+$0x0], $0xffff  }
0x190: {  	v10 =	vadd.f32 v10, v16;
	v8 =	vadd.f32 v9, v8;
	v9 =	vand.u32 $0xFFFF0000, v17;
	v12 =	vld.idx.msk [tilespmem:v5+s26+$0x0], $0xffff  }
0x191: {  	v16 =	vshll.u32 v17, $0x10;
	v15 =	vshll.u32 v14, $0x10;
	v14 =	vand.u32 $0xFFFF0000, v14;
	v5 =	vld.idx.msk [tilespmem:v5+s24+$0x0], $0xffff  }
0x192: {  	v10 =	vadd.f32 v13, v10;
	v7 =	vadd.f32 v7, v8;
	v8 =	vand.u32 $0xFFFF0000, v19  }
0x193: {  	v9 =	vmul.f32 v9, v14;
	v14 =	vshll.u32 v19, $0x10;
	v13 =	vshll.u32 v4, $0x10  }
0x194: {  	v15 =	vmul.f32 v16, v15;
	v13 =	vmul.f32 v14, v13;
	v14 =	vshll.u32 v11, $0x10  }
0x195: {  	v4 =	vand.u32 $0xFFFF0000, v4;
	v7 =	vadd.f32 v9, v7;
	v9 =	vshll.u32 v6, $0x10  }
0x196: {  	v10 =	vadd.f32 v15, v10;
	v9 =	vmul.f32 v14, v9;
	v14 =	vand.u32 $0xFFFF0000, v12  }
0x197: {  	v4 =	vmul.f32 v8, v4;
	v8 =	vand.u32 $0xFFFF0000, v11;
	v11 =	vshll.u32 v12, $0x10  }
0x198: {  	v6 =	vand.u32 $0xFFFF0000, v6;
	v12 =	vshll.u32 v5, $0x10;
	v5 =	vand.u32 $0xFFFF0000, v5  }
0x199: {  	v4 =	vadd.f32 v4, v7;
	v6 =	vmul.f32 v8, v6;
	v5 =	vmul.f32 v14, v5  }
0x19a: {  	v7 =	vadd.f32 v13, v10;
	v8 =	vmul.f32 v11, v12  }
0x19b: {  	v4 =	vadd.f32 v6, v4  }
0x19c: {  	v1 =	vshll.u32 v1, $0x10;
	v6 =	vadd.f32 v9, v7  }
0x19d: {  	v1 =	vmul.f32 v2, v1;
	v4 =	vadd.f32 v5, v4  }
0x19e: {  	v2 =	vadd.f32 v8, v6  }
0x19f: {  	v3 =	vadd.f32 v3, v4  }
0x1a0: {  	v1 =	vadd.f32 v1, v2  }
0x1a1: {  	v2 =	vmov s8  }
0x1a2: {  	v2 =	vshll.u32 v2, $0x5;
	v1 =	vadd.f32 v3, v1  }
0x1a3: {  	v7 =	vor.u32 v0, v2  }
0x1a4: {  	v2 =	vor.u32 $0x1, v7;
	v3 =	vor.u32 $0x2, v7;
	v5 =	vor.u32 $0x1F, v7;
	[tilespmem:s1+$0x0] =	vst v1;
	s1 =	smov.u32 s25  }
0x1a5: {  	v15 =	vor.u32 $0x4, v7;
	v22 =	vor.u32 $0x6, v7;
	v4 =	vor.u32 $0x1C, v7  }
0x1a6: {  	v23 =	vor.u32 $0x8, v7;
	v21 =	vor.u32 $0x9, v7;
	v20 =	vor.u32 $0xA, v7  }
0x1a7: {  	v19 =	vor.u32 $0xD, v7;
	v18 =	vor.u32 $0xE, v7;
	v17 =	vor.u32 $0xF, v7  }
0x1a8: {  	v16 =	vor.u32 $0x10, v7;
	v14 =	vor.u32 $0x11, v7;
	v13 =	vor.u32 $0x12, v7;
	v24 =	vld.idx.msk [tilespmem:v7+s24+$0x0], $0xffff  }
0x1a9: {  	v12 =	vor.u32 $0x14, v7;
	v11 =	vor.u32 $0x16, v7;
	v10 =	vor.u32 $0x18, v7;
	v1 =	vld.idx.msk [tilespmem:v5+s24+$0x0], $0xffff  }
0x1aa: {  	v9 =	vor.u32 $0x19, v7;
	v8 =	vor.u32 $0x1A, v7;
	v6 =	vor.u32 $0x1D, v7;
	v25 =	vld.idx.msk [tilespmem:v5+s26+$0x0], $0xffff  }
0x1ab: {  	v27 =	vor.u32 $0x3, v7;
	v5 =	vor.u32 $0x1E, v7;
	v26 =	vld.idx.msk [tilespmem:v2+s24+$0x0], $0xffff  }
0x1ac: {  	v28 =	vld.idx.msk [tilespmem:v2+s26+$0x0], $0xffff  }
0x1ad: {  	v29 =	vld.idx.msk [tilespmem:v7+s26+$0x0], $0xffff  }
0x1ae: {  	v30 =	vshll.u32 v24, $0x10;
	v24 =	vand.u32 $0xFFFF0000, v24;
	v31 =	vld.idx.msk [tilespmem:v3+s26+$0x0], $0xffff  }
0x1af: {  	v32 =	vld.idx.msk [tilespmem:v3+s24+$0x0], $0xffff;
	v3 =	vand.u32 $0xFFFF0000, v1  }
0x1b0: {  	v2 =	vshll.u32 v25, $0x10;
	v25 =	vand.u32 $0xFFFF0000, v25;
	v33 =	vld.idx.msk [tilespmem:v27+s26+$0x0], $0xffff  }
0x1b1: {  	v34 =	vshll.u32 v26, $0x10;
	v26 =	vand.u32 $0xFFFF0000, v26;
	v3 =	vmul.f32 v25, v3;
	v27 =	vld.idx.msk [tilespmem:v27+s24+$0x0], $0xffff  }
0x1b2: {  	v35 =	vor.u32 $0x5, v7;
	v25 =	vshll.u32 v28, $0x10  }
0x1b3: {  	v28 =	vand.u32 $0xFFFF0000, v28;
	v36 =	vshll.u32 v29, $0x10;
	v29 =	vand.u32 $0xFFFF0000, v29;
	v37 =	vld.idx.msk [tilespmem:v15+s26+$0x0], $0xffff  }
0x1b4: {  	v30 =	vmul.f32 v36, v30;
	v36 =	vshll.u32 v31, $0x10;
	v31 =	vand.u32 $0xFFFF0000, v31;
	v15 =	vld.idx.msk [tilespmem:v15+s24+$0x0], $0xffff  }
0x1b5: {  	v24 =	vmul.f32 v29, v24;
	v29 =	vshll.u32 v32, $0x10;
	v32 =	vand.u32 $0xFFFF0000, v32  }
0x1b6: {  	v25 =	vmul.f32 v25, v34;
	v29 =	vmul.f32 v36, v29;
	v34 =	vand.u32 $0xFFFF0000, v33  }
0x1b7: {  	v24 =	vadd.f32 $0.0e+00, v24;
	v31 =	vmul.f32 v31, v32;
	v32 =	vshll.u32 v27, $0x10  }
0x1b8: {  	v30 =	vadd.f32 $0.0e+00, v30;
	v33 =	vshll.u32 v33, $0x10;
	v27 =	vand.u32 $0xFFFF0000, v27;
	v36 =	vld.idx.msk [tilespmem:v22+s26+$0x0], $0xffff  }
0x1b9: {  	v26 =	vmul.f32 v28, v26;
	v28 =	vor.u32 $0x7, v7;
	v27 =	vmul.f32 v34, v27;
	v22 =	vld.idx.msk [tilespmem:v22+s24+$0x0], $0xffff  }
0x1ba: {  	v32 =	vmul.f32 v33, v32;
	v34 =	vshll.u32 v37, $0x10;
	v33 =	vshll.u32 v15, $0x10;
	v38 =	vld.idx.msk [tilespmem:v35+s24+$0x0], $0xffff  }
0x1bb: {  	v24 =	vadd.f32 v26, v24;
	v26 =	vand.u32 $0xFFFF0000, v37;
	v15 =	vand.u32 $0xFFFF0000, v15;
	v35 =	vld.idx.msk [tilespmem:v35+s26+$0x0], $0xffff  }
0x1bc: {  	v25 =	vadd.f32 v25, v30;
	v30 =	vmul.f32 v34, v33;
	v26 =	vmul.f32 v26, v15  }
0x1bd: {  	v24 =	vadd.f32 v31, v24  }
0x1be: {  	v25 =	vadd.f32 v29, v25;
	v15 =	vor.u32 $0x17, v7;
	v29 =	vshll.u32 v36, $0x10;
	v31 =	vld.idx.msk [tilespmem:v28+s26+$0x0], $0xffff  }
0x1bf: {  	v24 =	vadd.f32 v27, v24;
	v33 =	vand.u32 $0xFFFF0000, v36;
	v27 =	vshll.u32 v22, $0x10;
	v28 =	vld.idx.msk [tilespmem:v28+s24+$0x0], $0xffff  }
0x1c0: {  	v22 =	vand.u32 $0xFFFF0000, v22;
	v34 =	vand.u32 $0xFFFF0000, v38;
	v27 =	vmul.f32 v29, v27;
	v29 =	vld.idx.msk [tilespmem:v23+s26+$0x0], $0xffff  }
0x1c1: {  	v24 =	vadd.f32 v26, v24;
	v22 =	vmul.f32 v33, v22;
	v26 =	vand.u32 $0xFFFF0000, v35;
	v23 =	vld.idx.msk [tilespmem:v23+s24+$0x0], $0xffff  }
0x1c2: {  	v25 =	vadd.f32 v32, v25;
	v32 =	vshll.u32 v35, $0x10;
	v26 =	vmul.f32 v26, v34  }
0x1c3: {  	v36 =	vor.u32 $0xC, v7;
	v33 =	vshll.u32 v38, $0x10;
	v35 =	vor.u32 $0xB, v7;
	v34 =	vld.idx.msk [tilespmem:v21+s24+$0x0], $0xffff  }
0x1c4: {  	v25 =	vadd.f32 v30, v25;
	v24 =	vadd.f32 v26, v24;
	v26 =	vshll.u32 v31, $0x10;
	v21 =	vld.idx.msk [tilespmem:v21+s26+$0x0], $0xffff  }
0x1c5: {  	v30 =	vmul.f32 v32, v33;
	v32 =	vshll.u32 v28, $0x10;
	v28 =	vand.u32 $0xFFFF0000, v28;
	v33 =	vld.idx.msk [tilespmem:v20+s26+$0x0], $0xffff  }
0x1c6: {  	v22 =	vadd.f32 v22, v24;
	v24 =	vand.u32 $0xFFFF0000, v31;
	v26 =	vmul.f32 v26, v32;
	v20 =	vld.idx.msk [tilespmem:v20+s24+$0x0], $0xffff  }
0x1c7: {  	v25 =	vadd.f32 v30, v25;
	v31 =	vand.u32 $0xFFFF0000, v29;
	v30 =	vand.u32 $0xFFFF0000, v23  }
0x1c8: {  	v24 =	vmul.f32 v24, v28;
	v23 =	vshll.u32 v23, $0x10;
	v28 =	vmul.f32 v31, v30  }
0x1c9: {  	v25 =	vadd.f32 v27, v25;
	v27 =	vshll.u32 v29, $0x10;
	v29 =	vand.u32 $0xFFFF0000, v34  }
0x1ca: {  	v22 =	vadd.f32 v24, v22;
	v24 =	vshll.u32 v34, $0x10;
	v30 =	vshll.u32 v21, $0x10;
	v31 =	vld.idx.msk [tilespmem:v35+s26+$0x0], $0xffff  }
0x1cb: {  	v25 =	vadd.f32 v26, v25;
	v23 =	vmul.f32 v27, v23;
	v21 =	vand.u32 $0xFFFF0000, v21;
	v26 =	vld.idx.msk [tilespmem:v35+s24+$0x0], $0xffff  }
0x1cc: {  	v22 =	vadd.f32 v28, v22;
	v24 =	vmul.f32 v30, v24;
	v27 =	vand.u32 $0xFFFF0000, v20;
	v28 =	vld.idx.msk [tilespmem:v36+s26+$0x0], $0xffff  }
0x1cd: {  	v30 =	vshll.u32 v33, $0x10;
	v32 =	vand.u32 $0xFFFF0000, v33;
	v20 =	vshll.u32 v20, $0x10;
	v33 =	vld.idx.msk [tilespmem:v36+s24+$0x0], $0xffff  }
0x1ce: {  	v23 =	vadd.f32 v23, v25;
	v21 =	vmul.f32 v21, v29;
	v20 =	vmul.f32 v30, v20;
	v25 =	vld.idx.msk [tilespmem:v19+s26+$0x0], $0xffff  }
0x1cf: {  	v29 =	vor.u32 $0x13, v7;
	v27 =	vmul.f32 v32, v27;
	v30 =	vor.u32 $0x15, v7;
	v19 =	vld.idx.msk [tilespmem:v19+s24+$0x0], $0xffff  }
0x1d0: {  	v23 =	vadd.f32 v24, v23;
	v21 =	vadd.f32 v21, v22;
	v22 =	vand.u32 $0xFFFF0000, v31;
	v24 =	vld.idx.msk [tilespmem:v18+s26+$0x0], $0xffff  }
0x1d1: {  	v31 =	vshll.u32 v31, $0x10;
	v32 =	vshll.u32 v26, $0x10;
	v26 =	vand.u32 $0xFFFF0000, v26;
	v18 =	vld.idx.msk [tilespmem:v18+s24+$0x0], $0xffff  }
0x1d2: {  	v20 =	vadd.f32 v20, v23;
	v21 =	vadd.f32 v27, v21;
	v23 =	vshll.u32 v28, $0x10  }
0x1d3: {  	v27 =	vmul.f32 v31, v32;
	v22 =	vmul.f32 v22, v26;
	v26 =	vshll.u32 v33, $0x10  }
0x1d4: {  	v28 =	vand.u32 $0xFFFF0000, v28;
	v23 =	vmul.f32 v23, v26;
	v26 =	vshll.u32 v25, $0x10;
	v31 =	vld.idx.msk [tilespmem:v17+s26+$0x0], $0xffff  }
0x1d5: {  	v21 =	vadd.f32 v22, v21;
	v22 =	vshll.u32 v19, $0x10;
	v19 =	vand.u32 $0xFFFF0000, v19;
	v17 =	vld.idx.msk [tilespmem:v17+s24+$0x0], $0xffff  }
0x1d6: {  	v32 =	vand.u32 $0xFFFF0000, v33;
	v22 =	vmul.f32 v26, v22;
	v26 =	vand.u32 $0xFFFF0000, v24;
	v33 =	vld.idx.msk [tilespmem:v16+s26+$0x0], $0xffff  }
0x1d7: {  	v28 =	vmul.f32 v28, v32;
	v25 =	vand.u32 $0xFFFF0000, v25;
	v24 =	vshll.u32 v24, $0x10;
	v16 =	vld.idx.msk [tilespmem:v16+s24+$0x0], $0xffff  }
0x1d8: {  	v20 =	vadd.f32 v27, v20;
	v27 =	vshll.u32 v18, $0x10;
	v18 =	vand.u32 $0xFFFF0000, v18  }
0x1d9: {  	v21 =	vadd.f32 v28, v21;
	v19 =	vmul.f32 v25, v19;
	v18 =	vmul.f32 v26, v18;
	v25 =	vld.idx.msk [tilespmem:v14+s26+$0x0], $0xffff  }
0x1da: {  	v24 =	vmul.f32 v24, v27;
	v26 =	vshll.u32 v31, $0x10;
	v27 =	vand.u32 $0xFFFF0000, v31;
	v14 =	vld.idx.msk [tilespmem:v14+s24+$0x0], $0xffff  }
0x1db: {  	v19 =	vadd.f32 v19, v21;
	v21 =	vshll.u32 v17, $0x10;
	v17 =	vand.u32 $0xFFFF0000, v17  }
0x1dc: {  	v20 =	vadd.f32 v23, v20;
	v17 =	vmul.f32 v27, v17;
	v23 =	vand.u32 $0xFFFF0000, v33;
	v27 =	vld.idx.msk [tilespmem:v13+s26+$0x0], $0xffff  }
0x1dd: {  	v18 =	vadd.f32 v18, v19;
	v19 =	vmul.f32 v26, v21;
	v21 =	vshll.u32 v16, $0x10;
	v13 =	vld.idx.msk [tilespmem:v13+s24+$0x0], $0xffff  }
0x1de: {  	v20 =	vadd.f32 v22, v20;
	v22 =	vshll.u32 v33, $0x10;
	v16 =	vand.u32 $0xFFFF0000, v16  }
0x1df: {  	v17 =	vadd.f32 v17, v18;
	v16 =	vmul.f32 v23, v16;
	v18 =	vand.u32 $0xFFFF0000, v25;
	v23 =	vld.idx.msk [tilespmem:v29+s26+$0x0], $0xffff  }
0x1e0: {  	v20 =	vadd.f32 v24, v20;
	v21 =	vmul.f32 v22, v21;
	v22 =	vshll.u32 v14, $0x10;
	v24 =	vld.idx.msk [tilespmem:v29+s24+$0x0], $0xffff  }
0x1e1: {  	v16 =	vadd.f32 v16, v17;
	v17 =	vshll.u32 v25, $0x10;
	v14 =	vand.u32 $0xFFFF0000, v14;
	v25 =	vld.idx.msk [tilespmem:v12+s26+$0x0], $0xffff  }
0x1e2: {  	v19 =	vadd.f32 v19, v20;
	v17 =	vmul.f32 v17, v22;
	v14 =	vmul.f32 v18, v14;
	v12 =	vld.idx.msk [tilespmem:v12+s24+$0x0], $0xffff  }
0x1e3: {  	v20 =	vshll.u32 v27, $0x10;
	v18 =	vshll.u32 v13, $0x10;
	v13 =	vand.u32 $0xFFFF0000, v13  }
0x1e4: {  	v19 =	vadd.f32 v21, v19;
	v21 =	vand.u32 $0xFFFF0000, v27;
	v18 =	vmul.f32 v20, v18;
	v20 =	vld.idx.msk [tilespmem:v30+s26+$0x0], $0xffff  }
0x1e5: {  	v14 =	vadd.f32 v14, v16;
	v13 =	vmul.f32 v21, v13;
	v16 =	vshll.u32 v23, $0x10;
	v21 =	vld.idx.msk [tilespmem:v30+s24+$0x0], $0xffff  }
0x1e6: {  	v17 =	vadd.f32 v17, v19;
	v19 =	vshll.u32 v24, $0x10;
	v22 =	vand.u32 $0xFFFF0000, v24;
	v24 =	vld.idx.msk [tilespmem:v11+s26+$0x0], $0xffff  }
0x1e7: {  	v13 =	vadd.f32 v13, v14;
	v14 =	vand.u32 $0xFFFF0000, v23;
	v23 =	vshll.u32 v25, $0x10;
	v11 =	vld.idx.msk [tilespmem:v11+s24+$0x0], $0xffff  }
0x1e8: {  	v17 =	vadd.f32 v18, v17;
	v16 =	vmul.f32 v16, v19;
	v18 =	vshll.u32 v12, $0x10  }
0x1e9: {  	v19 =	vand.u32 $0xFFFF0000, v25;
	v12 =	vand.u32 $0xFFFF0000, v12;
	v18 =	vmul.f32 v23, v18  }
0x1ea: {  	v16 =	vadd.f32 v16, v17;
	v19 =	vmul.f32 v19, v12;
	v17 =	vand.u32 $0xFFFF0000, v20;
	v23 =	vld.idx.msk [tilespmem:v15+s26+$0x0], $0xffff  }
0x1eb: {  	v20 =	vshll.u32 v20, $0x10;
	v12 =	vshll.u32 v21, $0x10;
	v21 =	vand.u32 $0xFFFF0000, v21;
	v25 =	vld.idx.msk [tilespmem:v15+s24+$0x0], $0xffff  }
0x1ec: {  	v15 =	vadd.f32 v18, v16;
	v16 =	vmul.f32 v20, v12;
	v18 =	vand.u32 $0xFFFF0000, v24;
	v12 =	vld.idx.msk [tilespmem:v10+s26+$0x0], $0xffff  }
0x1ed: {  	v14 =	vmul.f32 v14, v22;
	v20 =	vshll.u32 v11, $0x10;
	v22 =	vand.u32 $0xFFFF0000, v11;
	v11 =	vld.idx.msk [tilespmem:v10+s24+$0x0], $0xffff  }
.Ltmp3:
0x1ee: {  	v17 =	vmul.f32 v17, v21;
	v26 =	vadd.f32 v16, v15;
	v15 =	vshll.u32 v24, $0x10;
	v10 =	vld.idx.msk [tilespmem:v9+s26+$0x0], $0xffff;
	(pc) =	sbr.rel @p1 .LBB2_5-.Ltmp3, $4  }
0x1ef: {  	v21 =	vadd.f32 v14, v13;
	v20 =	vmul.f32 v15, v20;
	v15 =	vmul.f32 v18, v22;
	v9 =	vld.idx.msk [tilespmem:v9+s24+$0x0], $0xffff  }
0x1f0: {  	v14 =	vor.u32 $0x1B, v7;
	v22 =	vshll.u32 v23, $0x10;
	v16 =	vand.u32 $0xFFFF0000, v23;
	v13 =	vld.idx.msk [tilespmem:v8+s26+$0x0], $0xffff  }
0x1f1: {  	v19 =	vadd.f32 v19, v21;
	v18 =	vadd.f32 v20, v26;
	v20 =	vshll.u32 v25, $0x10;
	v7 =	vld.idx.msk [tilespmem:v8+s24+$0x0], $0xffff  }
0x1f2: {  	v8 =	vand.u32 $0xFFFF0000, v25;
	v20 =	vmul.f32 v22, v20;
	v21 =	vshll.u32 v12, $0x10  }
0x1f3: {  	_ =	sdelay $0x1  }
0x1f4: {  	v17 =	vadd.f32 v17, v19  }
0x1f5: {  	v30 =	vshll.u32 v11, $0x10;
	v12 =	vand.u32 $0xFFFF0000, v12;
	v31 =	vand.u32 $0xFFFF0000, v10  }
0x1f6: {  	v8 =	vmul.f32 v16, v8;
	v32 =	vand.u32 $0xFFFF0000, v11;
	v34 =	vld.idx.msk [tilespmem:v14+s26+$0x0], $0xffff;
	v39 =	vshll.u32 v10, $0x10  }
0x1f7: {  	v37 =	vld.idx.msk [tilespmem:v14+s24+$0x0], $0xffff;
	v18 =	vadd.f32 v20, v18;
	v19 =	vmul.f32 v21, v30;
	v11 =	vmul.f32 v12, v32  }
0x1f8: {  	v41 =	vld.idx.msk [tilespmem:v4+s26+$0x0], $0xffff;
	v36 =	vshll.u32 v9, $0x10;
	v38 =	vand.u32 $0xFFFF0000, v9;
	v15 =	vadd.f32 v15, v17  }
0x1f9: {  	v44 =	vld.idx.msk [tilespmem:v4+s24+$0x0], $0xffff;
	v35 =	vand.u32 $0xFFFF0000, v13;
	v40 =	vshll.u32 v13, $0x10;
	v9 =	vmul.f32 v31, v38  }
0x1fa: {  	v46 =	vld.idx.msk [tilespmem:v6+s26+$0x0], $0xffff;
	v10 =	vmul.f32 v39, v36;
	v33 =	vadd.f32 v19, v18;
	v42 =	vshll.u32 v7, $0x10  }
0x1fb: {  	v47 =	vld.idx.msk [tilespmem:v6+s24+$0x0], $0xffff;
	v43 =	vand.u32 $0xFFFF0000, v7;
	v8 =	vadd.f32 v8, v15;
	v45 =	vmul.f32 v40, v42  }
0x1fc: {  	v7 =	vmul.f32 v35, v43;
	v10 =	vadd.f32 v10, v33;
	v48 =	vand.u32 $0xFFFF0000, v34  }
0x1fd: {  	v49 =	vshll.u32 v37, $0x10;
	v17 =	vshll.u32 v34, $0x10;
	v8 =	vadd.f32 v11, v8  }
0x1fe: {  	v50 =	vld.idx.msk [tilespmem:v5+s26+$0x0], $0xffff;
	v14 =	vand.u32 $0xFFFF0000, v37;
	v52 =	vand.u32 $0xFFFF0000, v41;
	v53 =	vshll.u32 v44, $0x10  }
0x1ff: {  	v51 =	vld.idx.msk [tilespmem:v5+s24+$0x0], $0xffff;
	v54 =	vshll.u32 v41, $0x10;
	v55 =	vshll.u32 v46, $0x10;
	v8 =	vadd.f32 v9, v8  }
0x200: {  	v4 =	vand.u32 $0xFFFF0000, v44;
	v56 =	vshll.u32 v47, $0x10;
	v13 =	vmul.f32 v17, v49  }
0x201: {  	v10 =	vadd.f32 v45, v10;
	v9 =	vmul.f32 v48, v14;
	v7 =	vadd.f32 v7, v8  }
0x202: {  	v58 =	vand.u32 $0xFFFF0000, v46;
	v6 =	vand.u32 $0xFFFF0000, v47;
	v11 =	vmul.f32 v54, v53  }
0x203: {  	v4 =	vmul.f32 v52, v4;
	v10 =	vadd.f32 v13, v10;
	v7 =	vadd.f32 v9, v7  }
0x204: {  	v57 =	vand.u32 $0xFFFF0000, v50;
	v59 =	vand.u32 $0xFFFF0000, v51;
	v6 =	vmul.f32 v58, v6  }
0x205: {  	v60 =	vadd.f32 v11, v10;
	v9 =	vmul.f32 v55, v56;
	v4 =	vadd.f32 v4, v7  }
0x206: {  	v61 =	vshll.u32 v50, $0x10;
	v5 =	vshll.u32 v51, $0x10;
	v62 =	vmul.f32 v57, v59  }
0x207: {  	v5 =	vmul.f32 v61, v5;
	v63 =	vadd.f32 v9, v60;
	v4 =	vadd.f32 v6, v4  }
0x208: {  	v1 =	vshll.u32 v1, $0x10  }
0x209: {  	v1 =	vmul.f32 v2, v1;
	v2 =	vadd.f32 v5, v63;
	v4 =	vadd.f32 v62, v4;
	_ =	sdelay $0x1  }
.Ltmp4:
0x20a: {  	v1 =	vadd.f32 v1, v2;
	v3 =	vadd.f32 v3, v4;
	(pc) =	sbr.rel @p0 .LBB2_8-.Ltmp4, $3  }
0x20b: {  	_ = 	snop  }
0x20c: {  	v1 =	vadd.f32 v3, v1;
	_ =	sdelay $0x1  }
0x20d: {  	[tilespmem:s1+$0x0] =	vst v1  }
.Ltmp5:
0x20e: {  	(pc) =	sbr.rel .LBB2_2-.Ltmp5, $4  }
0x20f: {  	s1 =	sadd.s32 $0x180, s4;
	s25 =	sadd.s32 $0x1B80, s4  }
0x210: {  	[tilespmem:s24], [sflag:$0x2] =	stream.indirect.gather [spmem:s2], $0x20, s1, s21, $0xb8;
	[tilespmem:$0xEBC0] =	vst v63  }
0x211: {  	s19 =	sadd.s32 $0x1, s19;
	s5 =	sadd.s32 $0x100, s5;
	s7 =	sadd.s32 $0x100, s7  }
0x212: {  	[tilespmem:s26], [sflag:$0x4] =	stream.indirect.gather [spmem:s2], $0x20, s25, s21, $0xb8;
	[tilespmem:$0xEBC0] =	vst v63  }
.LBB2_9:
0x213: {  	_ =	sfence.sel $0x180000  }
0x214: {  	[bflag:$0x0] =	sbarrier.arrive $0xFFFF  }
0x215: {  	_ =	strace $0x90000047  }
0x216: {  	s0 =	stileid.u32;
	[bflag:$0x2] =	sbarrier.arrive $0xFFFF  }
0x217: {  	p0 =	sne.s32 s0, $0x0;
	s0 =	rddreg [dreg:$0x2]  }
0x218: {  	s0 =	sadd.s32 @!p0 $0x100000, s0  }
0x219: {  	[sflag:s0] =	ssyncadd.tile.s32 @!p0 $0x1;
	_ =	shalt  }
.Lfunc_end2:
_tile_overlayer_lowered:
.L_overlay_start_2:
0x21a: {  	(tag) =	ssettag $0x2  }
0x21b: {  	s0 =	rddreg [dreg:$0x0];
	s2 =	stileid.u32  }
0x21c: {  	s1 =	rddreg [dreg:$0x1];
	p0 =	sne.s32 s2, $0x0  }
0x21d: {  	s3 =	rddreg [dreg:$0x2];
	[bflag:$0x3] =	sbarrier.arrive $0xFFFF;
	s2 =	simm.s32 @!p0 $0x1C05  }
0x21e: {  	[timem:s3], [sflag:s2] =	dma.local @!p0 [hbm:s0], s1  }
0x21f: {  	s0 =	simm.s32 @!p0 $0x5  }
0x220: {  	_ =	swait.ge @!p0 [sflag:s0], s1  }
0x221: {  	s1 =	ssub.s32 @!p0 $0x0, s1;
	[sflag:s0] =	ssyncset.done @!p0 $0x0  }
0x222: {  	[sflag:s0] =	ssyncadd.s32 @!p0 s1  }
0x223: {  	[bflag:$0x3] =	sbarrier.arrive $0xFFFF  }
0x224: {  	_ =	shalt  }

</sc_bundles>
